<compile_context>
chip_gen: v7x
topology: tpu7x:2x2x1
jax: 0.10.2.dev20260603
libtpu: 0.0.44.dev20260713+nightly
codegen_flags: <defaults>
</compile_context>

<pallas_src>
import functools

import jax
import jax.numpy as jnp
from jax import lax
from jax.experimental import pallas as pl
from jax.experimental.pallas import tpu as pltpu
from jax.experimental.pallas import tpu_sc as plsc


def _make_agg(N, D, E):
    info = plsc.get_sparse_core_info()
    NC, NS, L = info.num_cores, info.num_subcores, info.num_lanes
    NW = NC * NS
    CH = 80
    REAL = E // (NW * CH)
    assert REAL * NW * CH == E
    NBUF = 4
    NPAD = 3
    CPT = REAL + NPAD
    assert CPT % NBUF == 0
    TRASH = 248
    ZR = 80
    n_row_chunks = N // ZR
    assert n_row_chunks * ZR == N
    zchunks_per_tile = -(-n_row_chunks // NS)

    mesh = plsc.VectorSubcoreMesh(core_axis_name="c", subcore_axis_name="s")

    @functools.partial(
        pl.kernel,
        out_type=jax.ShapeDtypeStruct((NC, N, D), jnp.float32),
        mesh=mesh,
        scratch_types=[
            pltpu.VMEM((CH,), jnp.int32),
            pltpu.VMEM((CH,), jnp.int32),
            pltpu.VMEM((CH,), jnp.int32),
            pltpu.VMEM((CH,), jnp.int32),
            pltpu.VMEM((CH,), jnp.int32),
            pltpu.VMEM((CH,), jnp.int32),
            pltpu.VMEM((CH,), jnp.int32),
            pltpu.VMEM((CH,), jnp.int32),
            pltpu.VMEM((CH,), jnp.int32),
            pltpu.VMEM((CH,), jnp.int32),
            pltpu.VMEM((CH,), jnp.int32),
            pltpu.VMEM((CH,), jnp.int32),
            pltpu.VMEM((CH,), jnp.int32),
            pltpu.VMEM((CH,), jnp.int32),
            pltpu.VMEM((CH, D), jnp.float32),
            pltpu.VMEM((CH, D), jnp.float32),
            pltpu.VMEM((CH, D), jnp.float32),
            pltpu.VMEM((CH, D), jnp.float32),
            pltpu.VMEM_SHARED((N + TRASH, D), jnp.float32),
            pltpu.SemaphoreType.DMA,
            pltpu.SemaphoreType.DMA,
            pltpu.SemaphoreType.DMA,
            pltpu.SemaphoreType.DMA,
            pltpu.SemaphoreType.DMA,
            pltpu.SemaphoreType.DMA,
            pltpu.SemaphoreType.DMA,
            pltpu.SemaphoreType.DMA,
        ],
    )
    def agg_kernel(x_hbm, edge_hbm, out_hbm,
                   si0, si1, si2, si3, di0, di1, di2, di3,
                   ps0, ps1, ps2, pd0, pd1, pd2,
                   r0, r1, r2, r3, acc_sh,
                   g0, g1, g2, g3, is0, is1, is2, is3):
        cid = lax.axis_index("c")
        sid = lax.axis_index("s")
        wid = cid * NS + sid
        sidx = (si0, si1, si2, si3)
        didx = (di0, di1, di2, di3)
        psrc = (ps0, ps1, ps2)
        pdst = (pd0, pd1, pd2)
        rows = (r0, r1, r2, r3)
        gsem = (g0, g1, g2, g3)
        isem = (is0, is1, is2, is3)

        e0 = wid * REAL * CH

        def idx_start(i, q):
            pltpu.async_copy(
                edge_hbm.at[pl.ds(e0 + i * CH, CH)], sidx[q], isem[q])
            pltpu.async_copy(
                edge_hbm.at[pl.ds(E + e0 + i * CH, CH)], didx[q], isem[q])

        def idx_wait(i, q):
            pltpu.make_async_copy(
                edge_hbm.at[pl.ds(e0 + i * CH, CH)], sidx[q],
                isem[q]).wait()
            pltpu.make_async_copy(
                edge_hbm.at[pl.ds(E + e0 + i * CH, CH)], didx[q],
                isem[q]).wait()

        for q in range(NBUF):
            idx_start(q, q)

        lane = lax.iota(jnp.int32, L)
        for k in range(NPAD):
            for g in range(CH // L):
                off = lane + (k * CH + g * L)
                psrc[k][pl.ds(g * L, L)] = (off * 37 + wid) % N
                pdst[k][pl.ds(g * L, L)] = N + (off + wid * 8) % TRASH

        zeros16 = jnp.zeros((L,), jnp.float32)

        def zero_body(i, _):
            r0[i // (D // L), pl.ds((i % (D // L)) * L, L)] = zeros16
            return 0

        lax.fori_loop(0, ZR * (D // L), zero_body, 0)

        for j in range(zchunks_per_tile):
            c = sid + j * NS

            @pl.when(c < n_row_chunks)
            def _():
                pltpu.sync_copy(r0, acc_sh.at[pl.ds(c * ZR, ZR)])

        for q in range(NBUF - 1):
            idx_wait(q, q)
            pltpu.async_copy(x_hbm.at[sidx[q]], rows[q], gsem[q])

        plsc.subcore_barrier()

        n_outer = (CPT - NBUF) // NBUF

        def outer(o, _):
            for p in range(NBUF):
                i = NBUF * o + p
                b3 = (p + 3) % NBUF
                pltpu.make_async_copy(
                    x_hbm.at[sidx[p]], rows[p], gsem[p]).wait()
                pltpu.sync_copy(
                    rows[p], acc_sh.at[didx[p]], add=True)

                if p == 0:
                    idx_start(i + NBUF, p)
                else:
                    @pl.when(o < n_outer - 1)
                    def _():
                        idx_start(i + NBUF, p)

                def next_gather():
                    idx_wait(i + 3, b3)
                    pltpu.async_copy(
                        x_hbm.at[sidx[b3]], rows[b3], gsem[b3])

                if p <= 1:
                    next_gather()
                else:
                    pl.when(o < n_outer - 1)(next_gather)

                    @pl.when(o == n_outer - 1)
                    def _():
                        pltpu.async_copy(
                            x_hbm.at[psrc[p - 2]], rows[b3], gsem[b3])
            return 0

        lax.fori_loop(0, n_outer, outer, 0)

        pltpu.async_copy(x_hbm.at[psrc[2]], rows[3], gsem[3])
        pltpu.make_async_copy(x_hbm.at[sidx[0]], rows[0], gsem[0]).wait()
        pltpu.sync_copy(rows[0], acc_sh.at[didx[0]], add=True)
        for k in range(NPAD):
            b = k + 1
            pltpu.make_async_copy(
                x_hbm.at[psrc[k]], rows[b], gsem[b]).wait()
            pltpu.sync_copy(rows[b], acc_sh.at[pdst[k]], add=True)

        plsc.subcore_barrier()

        for j in range(zchunks_per_tile):
            c = sid + j * NS

            @pl.when(c < n_row_chunks)
            def _():
                pltpu.sync_copy(acc_sh.at[pl.ds(c * ZR, ZR)],
                                out_hbm.at[cid, pl.ds(c * ZR, ZR)])

    return agg_kernel


def _mlp_call(x, p, W1, b1, W2, b2):
    N, D = x.shape
    BLK = 2000
    assert N % BLK == 0

    def mlp_body(x_ref, p_ref, w1_ref, b1_ref, w2_ref, b2_ref,
                 o_ref):
        h = x_ref[...] + p_ref[0] + p_ref[1]
        h = jnp.dot(h, w1_ref[...], preferred_element_type=jnp.float32)
        h = jnp.maximum(h + b1_ref[...], 0.0)
        h = jnp.dot(h, w2_ref[...], preferred_element_type=jnp.float32)
        o_ref[...] = h + b2_ref[...]

    return pl.pallas_call(
        mlp_body,
        grid=(N // BLK,),
        in_specs=[
            pl.BlockSpec((BLK, D), lambda i: (i, 0)),
            pl.BlockSpec((2, BLK, D), lambda i: (0, i, 0)),
            pl.BlockSpec((D, D), lambda i: (0, 0)),
            pl.BlockSpec((1, D), lambda i: (0, 0)),
            pl.BlockSpec((D, D), lambda i: (0, 0)),
            pl.BlockSpec((1, D), lambda i: (0, 0)),
        ],
        out_specs=pl.BlockSpec((BLK, D), lambda i: (i, 0)),
        out_shape=jax.ShapeDtypeStruct((N, D), jnp.float32),
    )(x, p, W1, b1.reshape(1, D), W2, b2.reshape(1, D))


def kernel(x, edge_index, W1, b1, W2, b2):
    N, D = x.shape
    E = edge_index.shape[1]
    edge_flat = edge_index.astype(jnp.int32).reshape(-1)
    p = _make_agg(N, D, E)(x, edge_flat)
    return _mlp_call(x, p, W1, b1, W2, b2)

# --- scband reference (transcript-rebuilt; emitter-appended) ---
"""Pipeline reference for scband-ginconv-4363686772848 (READ-ONLY COPY).

The authoritative reference and input builder live on the scoring server;
editing this copy changes nothing except your own understanding.
"""

import jax, jax.numpy as jnp
import numpy as np

N, E, D = 10000, 320000, 128

def setup_inputs(seed: int = 0) -> dict:
    key = jax.random.key(seed)
    k1, k2, k3, k4, k5, k6 = jax.random.split(key, 6)
    x = jax.random.normal(k1, (N, D), dtype=jnp.float32)
    edge_index = jax.random.randint(k2, (2, E), 0, N)
    s = 1.0 / np.sqrt(D)
    W1 = jax.random.uniform(k3, (D, D), dtype=jnp.float32, minval=-s, maxval=s)
    b1 = jax.random.uniform(k4, (D,), dtype=jnp.float32, minval=-s, maxval=s)
    W2 = jax.random.uniform(k5, (D, D), dtype=jnp.float32, minval=-s, maxval=s)
    b2 = jax.random.uniform(k6, (D,), dtype=jnp.float32, minval=-s, maxval=s)
    return {"x": x, "edge_index": edge_index, "W1": W1, "b1": b1, "W2": W2, "b2": b2}

def reference(x, edge_index, W1, b1, W2, b2):
    # PyG GINConv with eps=0: out = nn((1+eps)*x + sum_{j in N(i)} x_j)
    src = edge_index[0]
    dst = edge_index[1]
    msgs = jnp.take(x, src, axis=0)                      # gather source node features per edge
    agg = jax.ops.segment_sum(msgs, dst, num_segments=N)  # scatter-add to destination nodes
    h = x + agg                                           # (1 + eps) * x + agg, eps = 0
    h = h @ W1 + b1
    h = jax.nn.relu(h)
    h = h @ W2 + b2
    return h

if __name__ == "__main__":
    import jax
    _d = setup_inputs()
    print(jax.jit(kernel)(*tuple(_d.values())))

</pallas_src>

<mosaic_0001>
#map = affine_map<(d0, d1) -> (0, 0)>
#map1 = affine_map<(d0, d1) -> (0)>
#map2 = affine_map<(d0, d1) -> (0, 0, 0)>
module attributes {stable_mosaic.version = 14 : i64} {
  func.func @agg_kernel(%arg0: i32, %arg1: i32, %arg2: memref<10000x128xf32, #tpu.memory_space<hbm>>, %arg3: memref<640000xi32, #tpu.memory_space<hbm>>, %arg4: memref<2x10000x128xf32, #tpu.memory_space<hbm>>, %arg5: memref<80xi32, #tpu.memory_space<vmem>>, %arg6: memref<80xi32, #tpu.memory_space<vmem>>, %arg7: memref<80xi32, #tpu.memory_space<vmem>>, %arg8: memref<80xi32, #tpu.memory_space<vmem>>, %arg9: memref<80xi32, #tpu.memory_space<vmem>>, %arg10: memref<80xi32, #tpu.memory_space<vmem>>, %arg11: memref<80xi32, #tpu.memory_space<vmem>>, %arg12: memref<80xi32, #tpu.memory_space<vmem>>, %arg13: memref<80xi32, #tpu.memory_space<vmem>>, %arg14: memref<80xi32, #tpu.memory_space<vmem>>, %arg15: memref<80xi32, #tpu.memory_space<vmem>>, %arg16: memref<80xi32, #tpu.memory_space<vmem>>, %arg17: memref<80xi32, #tpu.memory_space<vmem>>, %arg18: memref<80xi32, #tpu.memory_space<vmem>>, %arg19: memref<80x128xf32, #tpu.memory_space<vmem>>, %arg20: memref<80x128xf32, #tpu.memory_space<vmem>>, %arg21: memref<80x128xf32, #tpu.memory_space<vmem>>, %arg22: memref<80x128xf32, #tpu.memory_space<vmem>>, %arg23: memref<10248x128xf32, #tpu.memory_space<vmem_shared>>, %arg24: memref<!tpu.dma_semaphore, #tpu.memory_space<semaphore_mem>>, %arg25: memref<!tpu.dma_semaphore, #tpu.memory_space<semaphore_mem>>, %arg26: memref<!tpu.dma_semaphore, #tpu.memory_space<semaphore_mem>>, %arg27: memref<!tpu.dma_semaphore, #tpu.memory_space<semaphore_mem>>, %arg28: memref<!tpu.dma_semaphore, #tpu.memory_space<semaphore_mem>>, %arg29: memref<!tpu.dma_semaphore, #tpu.memory_space<semaphore_mem>>, %arg30: memref<!tpu.dma_semaphore, #tpu.memory_space<semaphore_mem>>, %arg31: memref<!tpu.dma_semaphore, #tpu.memory_space<semaphore_mem>>) attributes {dimension_semantics = [#tpu.dimension_semantics<core_parallel>, #tpu.dimension_semantics<subcore_parallel>], iteration_bounds = array<i64: 2, 16>, scalar_prefetch = 0 : i64, scratch_operands = 27 : i64, tpu.core_type = #tpu.core_type<sc_vector_subcore>, window_params = [{transform_indices = #map}, {transform_indices = #map1}, {transform_indices = #map2}]} {
    %mul3A = arith.constant 16 : i32
    %mul3A_0 = arith.muli %arg0, %mul3A : i32
    %add3A = arith.addi %mul3A_0, %arg1 : i32
    %mul3A_1 = arith.constant 125 : i32
    %mul3A_2 = arith.muli %add3A, %mul3A_1 : i32
    %mul3A_3 = arith.constant 80 : i32
    %mul3A_4 = arith.muli %mul3A_2, %mul3A_3 : i32
    %add3A_5 = arith.constant 0 : i32
    %add3A_6 = arith.addi %mul3A_4, %add3A_5 : i32
    %dma_start3A = tpu.memref_slice %arg3[%add3A_6] : memref<640000xi32, #tpu.memory_space<hbm>> -> memref<80xi32, #tpu.memory_space<hbm>>
    %dma_start3A_7 = tpu.memref_slice %arg3[%add3A_6] : memref<640000xi32, #tpu.memory_space<hbm>> -> memref<80xi32, #tpu.memory_space<hbm>>
    tpu.enqueue_dma source(%dma_start3A_7 : memref<80xi32, #tpu.memory_space<hbm>>) target(%arg5 : memref<80xi32, #tpu.memory_space<vmem>>) target_semaphore(%arg28 : memref<!tpu.dma_semaphore, #tpu.memory_space<semaphore_mem>>)
    %add3A_8 = arith.constant 320000 : i32
    %add3A_9 = arith.addi %add3A_8, %mul3A_4 : i32
    %add3A_10 = arith.constant 0 : i32
    %add3A_11 = arith.addi %add3A_9, %add3A_10 : i32
    %dma_start3A_12 = tpu.memref_slice %arg3[%add3A_11] : memref<640000xi32, #tpu.memory_space<hbm>> -> memref<80xi32, #tpu.memory_space<hbm>>
    %dma_start3A_13 = tpu.memref_slice %arg3[%add3A_11] : memref<640000xi32, #tpu.memory_space<hbm>> -> memref<80xi32, #tpu.memory_space<hbm>>
    tpu.enqueue_dma source(%dma_start3A_13 : memref<80xi32, #tpu.memory_space<hbm>>) target(%arg9 : memref<80xi32, #tpu.memory_space<vmem>>) target_semaphore(%arg28 : memref<!tpu.dma_semaphore, #tpu.memory_space<semaphore_mem>>)
    %add3A_14 = arith.constant 80 : i32
    %add3A_15 = arith.addi %mul3A_4, %add3A_14 : i32
    %dma_start3A_16 = tpu.memref_slice %arg3[%add3A_15] : memref<640000xi32, #tpu.memory_space<hbm>> -> memref<80xi32, #tpu.memory_space<hbm>>
    %dma_start3A_17 = tpu.memref_slice %arg3[%add3A_15] : memref<640000xi32, #tpu.memory_space<hbm>> -> memref<80xi32, #tpu.memory_space<hbm>>
    tpu.enqueue_dma source(%dma_start3A_17 : memref<80xi32, #tpu.memory_space<hbm>>) target(%arg6 : memref<80xi32, #tpu.memory_space<vmem>>) target_semaphore(%arg29 : memref<!tpu.dma_semaphore, #tpu.memory_space<semaphore_mem>>)
    %add3A_18 = arith.constant 320000 : i32
    %add3A_19 = arith.addi %add3A_18, %mul3A_4 : i32
    %add3A_20 = arith.constant 80 : i32
    %add3A_21 = arith.addi %add3A_19, %add3A_20 : i32
    %dma_start3A_22 = tpu.memref_slice %arg3[%add3A_21] : memref<640000xi32, #tpu.memory_space<hbm>> -> memref<80xi32, #tpu.memory_space<hbm>>
    %dma_start3A_23 = tpu.memref_slice %arg3[%add3A_21] : memref<640000xi32, #tpu.memory_space<hbm>> -> memref<80xi32, #tpu.memory_space<hbm>>
    tpu.enqueue_dma source(%dma_start3A_23 : memref<80xi32, #tpu.memory_space<hbm>>) target(%arg10 : memref<80xi32, #tpu.memory_space<vmem>>) target_semaphore(%arg29 : memref<!tpu.dma_semaphore, #tpu.memory_space<semaphore_mem>>)
    %add3A_24 = arith.constant 160 : i32
    %add3A_25 = arith.addi %mul3A_4, %add3A_24 : i32
    %dma_start3A_26 = tpu.memref_slice %arg3[%add3A_25] : memref<640000xi32, #tpu.memory_space<hbm>> -> memref<80xi32, #tpu.memory_space<hbm>>
    %dma_start3A_27 = tpu.memref_slice %arg3[%add3A_25] : memref<640000xi32, #tpu.memory_space<hbm>> -> memref<80xi32, #tpu.memory_space<hbm>>
    tpu.enqueue_dma source(%dma_start3A_27 : memref<80xi32, #tpu.memory_space<hbm>>) target(%arg7 : memref<80xi32, #tpu.memory_space<vmem>>) target_semaphore(%arg30 : memref<!tpu.dma_semaphore, #tpu.memory_space<semaphore_mem>>)
    %add3A_28 = arith.constant 320000 : i32
    %add3A_29 = arith.addi %add3A_28, %mul3A_4 : i32
    %add3A_30 = arith.constant 160 : i32
    %add3A_31 = arith.addi %add3A_29, %add3A_30 : i32
    %dma_start3A_32 = tpu.memref_slice %arg3[%add3A_31] : memref<640000xi32, #tpu.memory_space<hbm>> -> memref<80xi32, #tpu.memory_space<hbm>>
    %dma_start3A_33 = tpu.memref_slice %arg3[%add3A_31] : memref<640000xi32, #tpu.memory_space<hbm>> -> memref<80xi32, #tpu.memory_space<hbm>>
    tpu.enqueue_dma source(%dma_start3A_33 : memref<80xi32, #tpu.memory_space<hbm>>) target(%arg11 : memref<80xi32, #tpu.memory_space<vmem>>) target_semaphore(%arg30 : memref<!tpu.dma_semaphore, #tpu.memory_space<semaphore_mem>>)
    %add3A_34 = arith.constant 240 : i32
    %add3A_35 = arith.addi %mul3A_4, %add3A_34 : i32
    %dma_start3A_36 = tpu.memref_slice %arg3[%add3A_35] : memref<640000xi32, #tpu.memory_space<hbm>> -> memref<80xi32, #tpu.memory_space<hbm>>
    %dma_start3A_37 = tpu.memref_slice %arg3[%add3A_35] : memref<640000xi32, #tpu.memory_space<hbm>> -> memref<80xi32, #tpu.memory_space<hbm>>
    tpu.enqueue_dma source(%dma_start3A_37 : memref<80xi32, #tpu.memory_space<hbm>>) target(%arg8 : memref<80xi32, #tpu.memory_space<vmem>>) target_semaphore(%arg31 : memref<!tpu.dma_semaphore, #tpu.memory_space<semaphore_mem>>)
    %add3A_38 = arith.constant 320000 : i32
    %add3A_39 = arith.addi %add3A_38, %mul3A_4 : i32
    %add3A_40 = arith.constant 240 : i32
    %add3A_41 = arith.addi %add3A_39, %add3A_40 : i32
    %dma_start3A_42 = tpu.memref_slice %arg3[%add3A_41] : memref<640000xi32, #tpu.memory_space<hbm>> -> memref<80xi32, #tpu.memory_space<hbm>>
    %dma_start3A_43 = tpu.memref_slice %arg3[%add3A_41] : memref<640000xi32, #tpu.memory_space<hbm>> -> memref<80xi32, #tpu.memory_space<hbm>>
    tpu.enqueue_dma source(%dma_start3A_43 : memref<80xi32, #tpu.memory_space<hbm>>) target(%arg12 : memref<80xi32, #tpu.memory_space<vmem>>) target_semaphore(%arg31 : memref<!tpu.dma_semaphore, #tpu.memory_space<semaphore_mem>>)
    %iota3A = tpu.iota {dimensions = array<i32: 0>} : vector<16xi32>
    %add3A_44 = arith.constant 0 : i32
    %add3A_45 = vector.broadcast %add3A_44 : i32 to vector<16xi32>
    %add3A_46 = arith.addi %iota3A, %add3A_45 : vector<16xi32>
    %mul3A_47 = arith.constant 37 : i32
    %mul3A_48 = vector.broadcast %mul3A_47 : i32 to vector<16xi32>
    %mul3A_49 = arith.muli %add3A_46, %mul3A_48 : vector<16xi32>
    %add3A_50 = vector.broadcast %add3A : i32 to vector<16xi32>
    %add3A_51 = arith.addi %mul3A_49, %add3A_50 : vector<16xi32>
    %jit3A = arith.constant 10000 : i32
    %eq3A = arith.constant 0 : i32
    %eq3A_52 = arith.cmpi eq, %jit3A, %eq3A : i32
    %jit3A_53 = arith.constant 1 : i32
    %select_n3A = arith.select %eq3A_52, %jit3A_53, %jit3A : i32
    %rem3A = vector.broadcast %select_n3A : i32 to vector<16xi32>
    %rem3A_54 = arith.remsi %add3A_51, %rem3A : vector<16xi32>
    %ne3A = arith.constant 0 : i32
    %ne3A_55 = vector.broadcast %ne3A : i32 to vector<16xi32>
    %ne3A_56 = arith.cmpi ne, %rem3A_54, %ne3A_55 : vector<16xi32>
    %lt3A = arith.constant 0 : i32
    %lt3A_57 = vector.broadcast %lt3A : i32 to vector<16xi32>
    %lt3A_58 = arith.cmpi slt, %rem3A_54, %lt3A_57 : vector<16xi32>
    %lt3A_59 = arith.constant 0 : i32
    %lt3A_60 = arith.cmpi slt, %select_n3A, %lt3A_59 : i32
    %ne3A_61 = vector.broadcast %lt3A_60 : i1 to vector<16xi1>
    %ne3A_62 = vector.broadcast %ne3A_61 : vector<16xi1> to vector<16xi1>
    %ne3A_63 = arith.xori %lt3A_58, %ne3A_62 : vector<16xi1>
    %and3A = arith.andi %ne3A_63, %ne3A_56 : vector<16xi1>
    %add3A_64 = vector.broadcast %select_n3A : i32 to vector<16xi32>
    %add3A_65 = arith.addi %rem3A_54, %add3A_64 : vector<16xi32>
    %select_n3A_66 = arith.select %and3A, %add3A_65, %rem3A_54 : vector<16xi1>, vector<16xi32>
    %swap3A = arith.constant 0 : index
    %swap3A_67 = tpu.vector_load %arg13[%swap3A] {strides = array<i32>} : memref<80xi32, #tpu.memory_space<vmem>>, vector<16xi32>,
    %swap3A_68 = vector.shape_cast %swap3A_67 : vector<16xi32> to vector<16xi32>
    %swap3A_69 = vector.shape_cast %select_n3A_66 : vector<16xi32> to vector<16xi32>
    tpu.vector_store %arg13[%swap3A], %swap3A_69 {strides = array<i32>} : memref<80xi32, #tpu.memory_space<vmem>>, vector<16xi32>,
    %mul3A_70 = arith.constant 8 : i32
    %mul3A_71 = arith.muli %add3A, %mul3A_70 : i32
    %add3A_72 = vector.broadcast %mul3A_71 : i32 to vector<16xi32>
    %add3A_73 = arith.addi %add3A_46, %add3A_72 : vector<16xi32>
    %jit3A_74 = arith.constant 248 : i32
    %eq3A_75 = arith.constant 0 : i32
    %eq3A_76 = arith.cmpi eq, %jit3A_74, %eq3A_75 : i32
    %jit3A_77 = arith.constant 1 : i32
    %select_n3A_78 = arith.select %eq3A_76, %jit3A_77, %jit3A_74 : i32
    %rem3A_79 = vector.broadcast %select_n3A_78 : i32 to vector<16xi32>
    %rem3A_80 = arith.remsi %add3A_73, %rem3A_79 : vector<16xi32>
    %ne3A_81 = arith.constant 0 : i32
    %ne3A_82 = vector.broadcast %ne3A_81 : i32 to vector<16xi32>
    %ne3A_83 = arith.cmpi ne, %rem3A_80, %ne3A_82 : vector<16xi32>
    %lt3A_84 = arith.constant 0 : i32
    %lt3A_85 = vector.broadcast %lt3A_84 : i32 to vector<16xi32>
    %lt3A_86 = arith.cmpi slt, %rem3A_80, %lt3A_85 : vector<16xi32>
    %lt3A_87 = arith.constant 0 : i32
    %lt3A_88 = arith.cmpi slt, %select_n3A_78, %lt3A_87 : i32
    %ne3A_89 = vector.broadcast %lt3A_88 : i1 to vector<16xi1>
    %ne3A_90 = vector.broadcast %ne3A_89 : vector<16xi1> to vector<16xi1>
    %ne3A_91 = arith.xori %lt3A_86, %ne3A_90 : vector<16xi1>
    %and3A_92 = arith.andi %ne3A_91, %ne3A_83 : vector<16xi1>
    %add3A_93 = vector.broadcast %select_n3A_78 : i32 to vector<16xi32>
    %add3A_94 = arith.addi %rem3A_80, %add3A_93 : vector<16xi32>
    %select_n3A_95 = arith.select %and3A_92, %add3A_94, %rem3A_80 : vector<16xi1>, vector<16xi32>
    %add3A_96 = arith.constant 10000 : i32
    %add3A_97 = vector.broadcast %add3A_96 : i32 to vector<16xi32>
    %add3A_98 = arith.addi %add3A_97, %select_n3A_95 : vector<16xi32>
    %swap3A_99 = arith.constant 0 : index
    %swap3A_100 = tpu.vector_load %arg16[%swap3A_99] {strides = array<i32>} : memref<80xi32, #tpu.memory_space<vmem>>, vector<16xi32>,
    %swap3A_101 = vector.shape_cast %swap3A_100 : vector<16xi32> to vector<16xi32>
    %swap3A_102 = vector.shape_cast %add3A_98 : vector<16xi32> to vector<16xi32>
    tpu.vector_store %arg16[%swap3A_99], %swap3A_102 {strides = array<i32>} : memref<80xi32, #tpu.memory_space<vmem>>, vector<16xi32>,
    %add3A_103 = arith.constant 16 : i32
    %add3A_104 = vector.broadcast %add3A_103 : i32 to vector<16xi32>
    %add3A_105 = arith.addi %iota3A, %add3A_104 : vector<16xi32>
    %mul3A_106 = arith.constant 37 : i32
    %mul3A_107 = vector.broadcast %mul3A_106 : i32 to vector<16xi32>
    %mul3A_108 = arith.muli %add3A_105, %mul3A_107 : vector<16xi32>
    %add3A_109 = vector.broadcast %add3A : i32 to vector<16xi32>
    %add3A_110 = arith.addi %mul3A_108, %add3A_109 : vector<16xi32>
    %jit3A_111 = arith.constant 10000 : i32
    %eq3A_112 = arith.constant 0 : i32
    %eq3A_113 = arith.cmpi eq, %jit3A_111, %eq3A_112 : i32
    %jit3A_114 = arith.constant 1 : i32
    %select_n3A_115 = arith.select %eq3A_113, %jit3A_114, %jit3A_111 : i32
    %rem3A_116 = vector.broadcast %select_n3A_115 : i32 to vector<16xi32>
    %rem3A_117 = arith.remsi %add3A_110, %rem3A_116 : vector<16xi32>
    %ne3A_118 = arith.constant 0 : i32
    %ne3A_119 = vector.broadcast %ne3A_118 : i32 to vector<16xi32>
    %ne3A_120 = arith.cmpi ne, %rem3A_117, %ne3A_119 : vector<16xi32>
    %lt3A_121 = arith.constant 0 : i32
    %lt3A_122 = vector.broadcast %lt3A_121 : i32 to vector<16xi32>
    %lt3A_123 = arith.cmpi slt, %rem3A_117, %lt3A_122 : vector<16xi32>
    %lt3A_124 = arith.constant 0 : i32
    %lt3A_125 = arith.cmpi slt, %select_n3A_115, %lt3A_124 : i32
    %ne3A_126 = vector.broadcast %lt3A_125 : i1 to vector<16xi1>
    %ne3A_127 = vector.broadcast %ne3A_126 : vector<16xi1> to vector<16xi1>
    %ne3A_128 = arith.xori %lt3A_123, %ne3A_127 : vector<16xi1>
    %and3A_129 = arith.andi %ne3A_128, %ne3A_120 : vector<16xi1>
    %add3A_130 = vector.broadcast %select_n3A_115 : i32 to vector<16xi32>
    %add3A_131 = arith.addi %rem3A_117, %add3A_130 : vector<16xi32>
    %select_n3A_132 = arith.select %and3A_129, %add3A_131, %rem3A_117 : vector<16xi1>, vector<16xi32>
    %swap3A_133 = arith.constant 16 : index
    %swap3A_134 = tpu.vector_load %arg13[%swap3A_133] {strides = array<i32>} : memref<80xi32, #tpu.memory_space<vmem>>, vector<16xi32>,
    %swap3A_135 = vector.shape_cast %swap3A_134 : vector<16xi32> to vector<16xi32>
    %swap3A_136 = vector.shape_cast %select_n3A_132 : vector<16xi32> to vector<16xi32>
    tpu.vector_store %arg13[%swap3A_133], %swap3A_136 {strides = array<i32>} : memref<80xi32, #tpu.memory_space<vmem>>, vector<16xi32>,
    %mul3A_137 = arith.constant 8 : i32
    %mul3A_138 = arith.muli %add3A, %mul3A_137 : i32
    %add3A_139 = vector.broadcast %mul3A_138 : i32 to vector<16xi32>
    %add3A_140 = arith.addi %add3A_105, %add3A_139 : vector<16xi32>
    %jit3A_141 = arith.constant 248 : i32
    %eq3A_142 = arith.constant 0 : i32
    %eq3A_143 = arith.cmpi eq, %jit3A_141, %eq3A_142 : i32
    %jit3A_144 = arith.constant 1 : i32
    %select_n3A_145 = arith.select %eq3A_143, %jit3A_144, %jit3A_141 : i32
    %rem3A_146 = vector.broadcast %select_n3A_145 : i32 to vector<16xi32>
    %rem3A_147 = arith.remsi %add3A_140, %rem3A_146 : vector<16xi32>
    %ne3A_148 = arith.constant 0 : i32
    %ne3A_149 = vector.broadcast %ne3A_148 : i32 to vector<16xi32>
    %ne3A_150 = arith.cmpi ne, %rem3A_147, %ne3A_149 : vector<16xi32>
    %lt3A_151 = arith.constant 0 : i32
    %lt3A_152 = vector.broadcast %lt3A_151 : i32 to vector<16xi32>
    %lt3A_153 = arith.cmpi slt, %rem3A_147, %lt3A_152 : vector<16xi32>
    %lt3A_154 = arith.constant 0 : i32
    %lt3A_155 = arith.cmpi slt, %select_n3A_145, %lt3A_154 : i32
    %ne3A_156 = vector.broadcast %lt3A_155 : i1 to vector<16xi1>
    %ne3A_157 = vector.broadcast %ne3A_156 : vector<16xi1> to vector<16xi1>
    %ne3A_158 = arith.xori %lt3A_153, %ne3A_157 : vector<16xi1>
    %and3A_159 = arith.andi %ne3A_158, %ne3A_150 : vector<16xi1>
    %add3A_160 = vector.broadcast %select_n3A_145 : i32 to vector<16xi32>
    %add3A_161 = arith.addi %rem3A_147, %add3A_160 : vector<16xi32>
    %select_n3A_162 = arith.select %and3A_159, %add3A_161, %rem3A_147 : vector<16xi1>, vector<16xi32>
    %add3A_163 = arith.constant 10000 : i32
    %add3A_164 = vector.broadcast %add3A_163 : i32 to vector<16xi32>
    %add3A_165 = arith.addi %add3A_164, %select_n3A_162 : vector<16xi32>
    %swap3A_166 = arith.constant 16 : index
    %swap3A_167 = tpu.vector_load %arg16[%swap3A_166] {strides = array<i32>} : memref<80xi32, #tpu.memory_space<vmem>>, vector<16xi32>,
    %swap3A_168 = vector.shape_cast %swap3A_167 : vector<16xi32> to vector<16xi32>
    %swap3A_169 = vector.shape_cast %add3A_165 : vector<16xi32> to vector<16xi32>
    tpu.vector_store %arg16[%swap3A_166], %swap3A_169 {strides = array<i32>} : memref<80xi32, #tpu.memory_space<vmem>>, vector<16xi32>,
    %add3A_170 = arith.constant 32 : i32
    %add3A_171 = vector.broadcast %add3A_170 : i32 to vector<16xi32>
    %add3A_172 = arith.addi %iota3A, %add3A_171 : vector<16xi32>
    %mul3A_173 = arith.constant 37 : i32
    %mul3A_174 = vector.broadcast %mul3A_173 : i32 to vector<16xi32>
    %mul3A_175 = arith.muli %add3A_172, %mul3A_174 : vector<16xi32>
    %add3A_176 = vector.broadcast %add3A : i32 to vector<16xi32>
    %add3A_177 = arith.addi %mul3A_175, %add3A_176 : vector<16xi32>
    %jit3A_178 = arith.constant 10000 : i32
    %eq3A_179 = arith.constant 0 : i32
    %eq3A_180 = arith.cmpi eq, %jit3A_178, %eq3A_179 : i32
    %jit3A_181 = arith.constant 1 : i32
    %select_n3A_182 = arith.select %eq3A_180, %jit3A_181, %jit3A_178 : i32
    %rem3A_183 = vector.broadcast %select_n3A_182 : i32 to vector<16xi32>
    %rem3A_184 = arith.remsi %add3A_177, %rem3A_183 : vector<16xi32>
    %ne3A_185 = arith.constant 0 : i32
    %ne3A_186 = vector.broadcast %ne3A_185 : i32 to vector<16xi32>
    %ne3A_187 = arith.cmpi ne, %rem3A_184, %ne3A_186 : vector<16xi32>
    %lt3A_188 = arith.constant 0 : i32
    %lt3A_189 = vector.broadcast %lt3A_188 : i32 to vector<16xi32>
    %lt3A_190 = arith.cmpi slt, %rem3A_184, %lt3A_189 : vector<16xi32>
    %lt3A_191 = arith.constant 0 : i32
    %lt3A_192 = arith.cmpi slt, %select_n3A_182, %lt3A_191 : i32
    %ne3A_193 = vector.broadcast %lt3A_192 : i1 to vector<16xi1>
    %ne3A_194 = vector.broadcast %ne3A_193 : vector<16xi1> to vector<16xi1>
    %ne3A_195 = arith.xori %lt3A_190, %ne3A_194 : vector<16xi1>
    %and3A_196 = arith.andi %ne3A_195, %ne3A_187 : vector<16xi1>
    %add3A_197 = vector.broadcast %select_n3A_182 : i32 to vector<16xi32>
    %add3A_198 = arith.addi %rem3A_184, %add3A_197 : vector<16xi32>
    %select_n3A_199 = arith.select %and3A_196, %add3A_198, %rem3A_184 : vector<16xi1>, vector<16xi32>
    %swap3A_200 = arith.constant 32 : index
    %swap3A_201 = tpu.vector_load %arg13[%swap3A_200] {strides = array<i32>} : memref<80xi32, #tpu.memory_space<vmem>>, vector<16xi32>,
    %swap3A_202 = vector.shape_cast %swap3A_201 : vector<16xi32> to vector<16xi32>
    %swap3A_203 = vector.shape_cast %select_n3A_199 : vector<16xi32> to vector<16xi32>
    tpu.vector_store %arg13[%swap3A_200], %swap3A_203 {strides = array<i32>} : memref<80xi32, #tpu.memory_space<vmem>>, vector<16xi32>,
    %mul3A_204 = arith.constant 8 : i32
    %mul3A_205 = arith.muli %add3A, %mul3A_204 : i32
    %add3A_206 = vector.broadcast %mul3A_205 : i32 to vector<16xi32>
    %add3A_207 = arith.addi %add3A_172, %add3A_206 : vector<16xi32>
    %jit3A_208 = arith.constant 248 : i32
    %eq3A_209 = arith.constant 0 : i32
    %eq3A_210 = arith.cmpi eq, %jit3A_208, %eq3A_209 : i32
    %jit3A_211 = arith.constant 1 : i32
    %select_n3A_212 = arith.select %eq3A_210, %jit3A_211, %jit3A_208 : i32
    %rem3A_213 = vector.broadcast %select_n3A_212 : i32 to vector<16xi32>
    %rem3A_214 = arith.remsi %add3A_207, %rem3A_213 : vector<16xi32>
    %ne3A_215 = arith.constant 0 : i32
    %ne3A_216 = vector.broadcast %ne3A_215 : i32 to vector<16xi32>
    %ne3A_217 = arith.cmpi ne, %rem3A_214, %ne3A_216 : vector<16xi32>
    %lt3A_218 = arith.constant 0 : i32
    %lt3A_219 = vector.broadcast %lt3A_218 : i32 to vector<16xi32>
    %lt3A_220 = arith.cmpi slt, %rem3A_214, %lt3A_219 : vector<16xi32>
    %lt3A_221 = arith.constant 0 : i32
    %lt3A_222 = arith.cmpi slt, %select_n3A_212, %lt3A_221 : i32
    %ne3A_223 = vector.broadcast %lt3A_222 : i1 to vector<16xi1>
    %ne3A_224 = vector.broadcast %ne3A_223 : vector<16xi1> to vector<16xi1>
    %ne3A_225 = arith.xori %lt3A_220, %ne3A_224 : vector<16xi1>
    %and3A_226 = arith.andi %ne3A_225, %ne3A_217 : vector<16xi1>
    %add3A_227 = vector.broadcast %select_n3A_212 : i32 to vector<16xi32>
    %add3A_228 = arith.addi %rem3A_214, %add3A_227 : vector<16xi32>
    %select_n3A_229 = arith.select %and3A_226, %add3A_228, %rem3A_214 : vector<16xi1>, vector<16xi32>
    %add3A_230 = arith.constant 10000 : i32
    %add3A_231 = vector.broadcast %add3A_230 : i32 to vector<16xi32>
    %add3A_232 = arith.addi %add3A_231, %select_n3A_229 : vector<16xi32>
    %swap3A_233 = arith.constant 32 : index
    %swap3A_234 = tpu.vector_load %arg16[%swap3A_233] {strides = array<i32>} : memref<80xi32, #tpu.memory_space<vmem>>, vector<16xi32>,
    %swap3A_235 = vector.shape_cast %swap3A_234 : vector<16xi32> to vector<16xi32>
    %swap3A_236 = vector.shape_cast %add3A_232 : vector<16xi32> to vector<16xi32>
    tpu.vector_store %arg16[%swap3A_233], %swap3A_236 {strides = array<i32>} : memref<80xi32, #tpu.memory_space<vmem>>, vector<16xi32>,
    %add3A_237 = arith.constant 48 : i32
    %add3A_238 = vector.broadcast %add3A_237 : i32 to vector<16xi32>
    %add3A_239 = arith.addi %iota3A, %add3A_238 : vector<16xi32>
    %mul3A_240 = arith.constant 37 : i32
    %mul3A_241 = vector.broadcast %mul3A_240 : i32 to vector<16xi32>
    %mul3A_242 = arith.muli %add3A_239, %mul3A_241 : vector<16xi32>
    %add3A_243 = vector.broadcast %add3A : i32 to vector<16xi32>
    %add3A_244 = arith.addi %mul3A_242, %add3A_243 : vector<16xi32>
    %jit3A_245 = arith.constant 10000 : i32
    %eq3A_246 = arith.constant 0 : i32
    %eq3A_247 = arith.cmpi eq, %jit3A_245, %eq3A_246 : i32
    %jit3A_248 = arith.constant 1 : i32
    %select_n3A_249 = arith.select %eq3A_247, %jit3A_248, %jit3A_245 : i32
    %rem3A_250 = vector.broadcast %select_n3A_249 : i32 to vector<16xi32>
    %rem3A_251 = arith.remsi %add3A_244, %rem3A_250 : vector<16xi32>
    %ne3A_252 = arith.constant 0 : i32
    %ne3A_253 = vector.broadcast %ne3A_252 : i32 to vector<16xi32>
    %ne3A_254 = arith.cmpi ne, %rem3A_251, %ne3A_253 : vector<16xi32>
    %lt3A_255 = arith.constant 0 : i32
    %lt3A_256 = vector.broadcast %lt3A_255 : i32 to vector<16xi32>
    %lt3A_257 = arith.cmpi slt, %rem3A_251, %lt3A_256 : vector<16xi32>
    %lt3A_258 = arith.constant 0 : i32
    %lt3A_259 = arith.cmpi slt, %select_n3A_249, %lt3A_258 : i32
    %ne3A_260 = vector.broadcast %lt3A_259 : i1 to vector<16xi1>
    %ne3A_261 = vector.broadcast %ne3A_260 : vector<16xi1> to vector<16xi1>
    %ne3A_262 = arith.xori %lt3A_257, %ne3A_261 : vector<16xi1>
    %and3A_263 = arith.andi %ne3A_262, %ne3A_254 : vector<16xi1>
    %add3A_264 = vector.broadcast %select_n3A_249 : i32 to vector<16xi32>
    %add3A_265 = arith.addi %rem3A_251, %add3A_264 : vector<16xi32>
    %select_n3A_266 = arith.select %and3A_263, %add3A_265, %rem3A_251 : vector<16xi1>, vector<16xi32>
    %swap3A_267 = arith.constant 48 : index
    %swap3A_268 = tpu.vector_load %arg13[%swap3A_267] {strides = array<i32>} : memref<80xi32, #tpu.memory_space<vmem>>, vector<16xi32>,
    %swap3A_269 = vector.shape_cast %swap3A_268 : vector<16xi32> to vector<16xi32>
    %swap3A_270 = vector.shape_cast %select_n3A_266 : vector<16xi32> to vector<16xi32>
    tpu.vector_store %arg13[%swap3A_267], %swap3A_270 {strides = array<i32>} : memref<80xi32, #tpu.memory_space<vmem>>, vector<16xi32>,
    %mul3A_271 = arith.constant 8 : i32
    %mul3A_272 = arith.muli %add3A, %mul3A_271 : i32
    %add3A_273 = vector.broadcast %mul3A_272 : i32 to vector<16xi32>
    %add3A_274 = arith.addi %add3A_239, %add3A_273 : vector<16xi32>
    %jit3A_275 = arith.constant 248 : i32
    %eq3A_276 = arith.constant 0 : i32
    %eq3A_277 = arith.cmpi eq, %jit3A_275, %eq3A_276 : i32
    %jit3A_278 = arith.constant 1 : i32
    %select_n3A_279 = arith.select %eq3A_277, %jit3A_278, %jit3A_275 : i32
    %rem3A_280 = vector.broadcast %select_n3A_279 : i32 to vector<16xi32>
    %rem3A_281 = arith.remsi %add3A_274, %rem3A_280 : vector<16xi32>
    %ne3A_282 = arith.constant 0 : i32
    %ne3A_283 = vector.broadcast %ne3A_282 : i32 to vector<16xi32>
    %ne3A_284 = arith.cmpi ne, %rem3A_281, %ne3A_283 : vector<16xi32>
    %lt3A_285 = arith.constant 0 : i32
    %lt3A_286 = vector.broadcast %lt3A_285 : i32 to vector<16xi32>
    %lt3A_287 = arith.cmpi slt, %rem3A_281, %lt3A_286 : vector<16xi32>
    %lt3A_288 = arith.constant 0 : i32
    %lt3A_289 = arith.cmpi slt, %select_n3A_279, %lt3A_288 : i32
    %ne3A_290 = vector.broadcast %lt3A_289 : i1 to vector<16xi1>
    %ne3A_291 = vector.broadcast %ne3A_290 : vector<16xi1> to vector<16xi1>
    %ne3A_292 = arith.xori %lt3A_287, %ne3A_291 : vector<16xi1>
    %and3A_293 = arith.andi %ne3A_292, %ne3A_284 : vector<16xi1>
    %add3A_294 = vector.broadcast %select_n3A_279 : i32 to vector<16xi32>
    %add3A_295 = arith.addi %rem3A_281, %add3A_294 : vector<16xi32>
    %select_n3A_296 = arith.select %and3A_293, %add3A_295, %rem3A_281 : vector<16xi1>, vector<16xi32>
    %add3A_297 = arith.constant 10000 : i32
    %add3A_298 = vector.broadcast %add3A_297 : i32 to vector<16xi32>
    %add3A_299 = arith.addi %add3A_298, %select_n3A_296 : vector<16xi32>
    %swap3A_300 = arith.constant 48 : index
    %swap3A_301 = tpu.vector_load %arg16[%swap3A_300] {strides = array<i32>} : memref<80xi32, #tpu.memory_space<vmem>>, vector<16xi32>,
    %swap3A_302 = vector.shape_cast %swap3A_301 : vector<16xi32> to vector<16xi32>
    %swap3A_303 = vector.shape_cast %add3A_299 : vector<16xi32> to vector<16xi32>
    tpu.vector_store %arg16[%swap3A_300], %swap3A_303 {strides = array<i32>} : memref<80xi32, #tpu.memory_space<vmem>>, vector<16xi32>,
    %add3A_304 = arith.constant 64 : i32
    %add3A_305 = vector.broadcast %add3A_304 : i32 to vector<16xi32>
    %add3A_306 = arith.addi %iota3A, %add3A_305 : vector<16xi32>
    %mul3A_307 = arith.constant 37 : i32
    %mul3A_308 = vector.broadcast %mul3A_307 : i32 to vector<16xi32>
    %mul3A_309 = arith.muli %add3A_306, %mul3A_308 : vector<16xi32>
    %add3A_310 = vector.broadcast %add3A : i32 to vector<16xi32>
    %add3A_311 = arith.addi %mul3A_309, %add3A_310 : vector<16xi32>
    %jit3A_312 = arith.constant 10000 : i32
    %eq3A_313 = arith.constant 0 : i32
    %eq3A_314 = arith.cmpi eq, %jit3A_312, %eq3A_313 : i32
    %jit3A_315 = arith.constant 1 : i32
    %select_n3A_316 = arith.select %eq3A_314, %jit3A_315, %jit3A_312 : i32
    %rem3A_317 = vector.broadcast %select_n3A_316 : i32 to vector<16xi32>
    %rem3A_318 = arith.remsi %add3A_311, %rem3A_317 : vector<16xi32>
    %ne3A_319 = arith.constant 0 : i32
    %ne3A_320 = vector.broadcast %ne3A_319 : i32 to vector<16xi32>
    %ne3A_321 = arith.cmpi ne, %rem3A_318, %ne3A_320 : vector<16xi32>
    %lt3A_322 = arith.constant 0 : i32
    %lt3A_323 = vector.broadcast %lt3A_322 : i32 to vector<16xi32>
    %lt3A_324 = arith.cmpi slt, %rem3A_318, %lt3A_323 : vector<16xi32>
    %lt3A_325 = arith.constant 0 : i32
    %lt3A_326 = arith.cmpi slt, %select_n3A_316, %lt3A_325 : i32
    %ne3A_327 = vector.broadcast %lt3A_326 : i1 to vector<16xi1>
    %ne3A_328 = vector.broadcast %ne3A_327 : vector<16xi1> to vector<16xi1>
    %ne3A_329 = arith.xori %lt3A_324, %ne3A_328 : vector<16xi1>
    %and3A_330 = arith.andi %ne3A_329, %ne3A_321 : vector<16xi1>
    %add3A_331 = vector.broadcast %select_n3A_316 : i32 to vector<16xi32>
    %add3A_332 = arith.addi %rem3A_318, %add3A_331 : vector<16xi32>
    %select_n3A_333 = arith.select %and3A_330, %add3A_332, %rem3A_318 : vector<16xi1>, vector<16xi32>
    %swap3A_334 = arith.constant 64 : index
    %swap3A_335 = tpu.vector_load %arg13[%swap3A_334] {strides = array<i32>} : memref<80xi32, #tpu.memory_space<vmem>>, vector<16xi32>,
    %swap3A_336 = vector.shape_cast %swap3A_335 : vector<16xi32> to vector<16xi32>
    %swap3A_337 = vector.shape_cast %select_n3A_333 : vector<16xi32> to vector<16xi32>
    tpu.vector_store %arg13[%swap3A_334], %swap3A_337 {strides = array<i32>} : memref<80xi32, #tpu.memory_space<vmem>>, vector<16xi32>,
    %mul3A_338 = arith.constant 8 : i32
    %mul3A_339 = arith.muli %add3A, %mul3A_338 : i32
    %add3A_340 = vector.broadcast %mul3A_339 : i32 to vector<16xi32>
    %add3A_341 = arith.addi %add3A_306, %add3A_340 : vector<16xi32>
    %jit3A_342 = arith.constant 248 : i32
    %eq3A_343 = arith.constant 0 : i32
    %eq3A_344 = arith.cmpi eq, %jit3A_342, %eq3A_343 : i32
    %jit3A_345 = arith.constant 1 : i32
    %select_n3A_346 = arith.select %eq3A_344, %jit3A_345, %jit3A_342 : i32
    %rem3A_347 = vector.broadcast %select_n3A_346 : i32 to vector<16xi32>
    %rem3A_348 = arith.remsi %add3A_341, %rem3A_347 : vector<16xi32>
    %ne3A_349 = arith.constant 0 : i32
    %ne3A_350 = vector.broadcast %ne3A_349 : i32 to vector<16xi32>
    %ne3A_351 = arith.cmpi ne, %rem3A_348, %ne3A_350 : vector<16xi32>
    %lt3A_352 = arith.constant 0 : i32
    %lt3A_353 = vector.broadcast %lt3A_352 : i32 to vector<16xi32>
    %lt3A_354 = arith.cmpi slt, %rem3A_348, %lt3A_353 : vector<16xi32>
    %lt3A_355 = arith.constant 0 : i32
    %lt3A_356 = arith.cmpi slt, %select_n3A_346, %lt3A_355 : i32
    %ne3A_357 = vector.broadcast %lt3A_356 : i1 to vector<16xi1>
    %ne3A_358 = vector.broadcast %ne3A_357 : vector<16xi1> to vector<16xi1>
    %ne3A_359 = arith.xori %lt3A_354, %ne3A_358 : vector<16xi1>
    %and3A_360 = arith.andi %ne3A_359, %ne3A_351 : vector<16xi1>
    %add3A_361 = vector.broadcast %select_n3A_346 : i32 to vector<16xi32>
    %add3A_362 = arith.addi %rem3A_348, %add3A_361 : vector<16xi32>
    %select_n3A_363 = arith.select %and3A_360, %add3A_362, %rem3A_348 : vector<16xi1>, vector<16xi32>
    %add3A_364 = arith.constant 10000 : i32
    %add3A_365 = vector.broadcast %add3A_364 : i32 to vector<16xi32>
    %add3A_366 = arith.addi %add3A_365, %select_n3A_363 : vector<16xi32>
    %swap3A_367 = arith.constant 64 : index
    %swap3A_368 = tpu.vector_load %arg16[%swap3A_367] {strides = array<i32>} : memref<80xi32, #tpu.memory_space<vmem>>, vector<16xi32>,
    %swap3A_369 = vector.shape_cast %swap3A_368 : vector<16xi32> to vector<16xi32>
    %swap3A_370 = vector.shape_cast %add3A_366 : vector<16xi32> to vector<16xi32>
    tpu.vector_store %arg16[%swap3A_367], %swap3A_370 {strides = array<i32>} : memref<80xi32, #tpu.memory_space<vmem>>, vector<16xi32>,
    %add3A_371 = arith.constant 80 : i32
    %add3A_372 = vector.broadcast %add3A_371 : i32 to vector<16xi32>
    %add3A_373 = arith.addi %iota3A, %add3A_372 : vector<16xi32>
    %mul3A_374 = arith.constant 37 : i32
    %mul3A_375 = vector.broadcast %mul3A_374 : i32 to vector<16xi32>
    %mul3A_376 = arith.muli %add3A_373, %mul3A_375 : vector<16xi32>
    %add3A_377 = vector.broadcast %add3A : i32 to vector<16xi32>
    %add3A_378 = arith.addi %mul3A_376, %add3A_377 : vector<16xi32>
    %jit3A_379 = arith.constant 10000 : i32
    %eq3A_380 = arith.constant 0 : i32
    %eq3A_381 = arith.cmpi eq, %jit3A_379, %eq3A_380 : i32
    %jit3A_382 = arith.constant 1 : i32
    %select_n3A_383 = arith.select %eq3A_381, %jit3A_382, %jit3A_379 : i32
    %rem3A_384 = vector.broadcast %select_n3A_383 : i32 to vector<16xi32>
    %rem3A_385 = arith.remsi %add3A_378, %rem3A_384 : vector<16xi32>
    %ne3A_386 = arith.constant 0 : i32
    %ne3A_387 = vector.broadcast %ne3A_386 : i32 to vector<16xi32>
    %ne3A_388 = arith.cmpi ne, %rem3A_385, %ne3A_387 : vector<16xi32>
    %lt3A_389 = arith.constant 0 : i32
    %lt3A_390 = vector.broadcast %lt3A_389 : i32 to vector<16xi32>
    %lt3A_391 = arith.cmpi slt, %rem3A_385, %lt3A_390 : vector<16xi32>
    %lt3A_392 = arith.constant 0 : i32
    %lt3A_393 = arith.cmpi slt, %select_n3A_383, %lt3A_392 : i32
    %ne3A_394 = vector.broadcast %lt3A_393 : i1 to vector<16xi1>
    %ne3A_395 = vector.broadcast %ne3A_394 : vector<16xi1> to vector<16xi1>
    %ne3A_396 = arith.xori %lt3A_391, %ne3A_395 : vector<16xi1>
    %and3A_397 = arith.andi %ne3A_396, %ne3A_388 : vector<16xi1>
    %add3A_398 = vector.broadcast %select_n3A_383 : i32 to vector<16xi32>
    %add3A_399 = arith.addi %rem3A_385, %add3A_398 : vector<16xi32>
    %select_n3A_400 = arith.select %and3A_397, %add3A_399, %rem3A_385 : vector<16xi1>, vector<16xi32>
    %swap3A_401 = arith.constant 0 : index
    %swap3A_402 = tpu.vector_load %arg14[%swap3A_401] {strides = array<i32>} : memref<80xi32, #tpu.memory_space<vmem>>, vector<16xi32>,
    %swap3A_403 = vector.shape_cast %swap3A_402 : vector<16xi32> to vector<16xi32>
    %swap3A_404 = vector.shape_cast %select_n3A_400 : vector<16xi32> to vector<16xi32>
    tpu.vector_store %arg14[%swap3A_401], %swap3A_404 {strides = array<i32>} : memref<80xi32, #tpu.memory_space<vmem>>, vector<16xi32>,
    %mul3A_405 = arith.constant 8 : i32
    %mul3A_406 = arith.muli %add3A, %mul3A_405 : i32
    %add3A_407 = vector.broadcast %mul3A_406 : i32 to vector<16xi32>
    %add3A_408 = arith.addi %add3A_373, %add3A_407 : vector<16xi32>
    %jit3A_409 = arith.constant 248 : i32
    %eq3A_410 = arith.constant 0 : i32
    %eq3A_411 = arith.cmpi eq, %jit3A_409, %eq3A_410 : i32
    %jit3A_412 = arith.constant 1 : i32
    %select_n3A_413 = arith.select %eq3A_411, %jit3A_412, %jit3A_409 : i32
    %rem3A_414 = vector.broadcast %select_n3A_413 : i32 to vector<16xi32>
    %rem3A_415 = arith.remsi %add3A_408, %rem3A_414 : vector<16xi32>
    %ne3A_416 = arith.constant 0 : i32
    %ne3A_417 = vector.broadcast %ne3A_416 : i32 to vector<16xi32>
    %ne3A_418 = arith.cmpi ne, %rem3A_415, %ne3A_417 : vector<16xi32>
    %lt3A_419 = arith.constant 0 : i32
    %lt3A_420 = vector.broadcast %lt3A_419 : i32 to vector<16xi32>
    %lt3A_421 = arith.cmpi slt, %rem3A_415, %lt3A_420 : vector<16xi32>
    %lt3A_422 = arith.constant 0 : i32
    %lt3A_423 = arith.cmpi slt, %select_n3A_413, %lt3A_422 : i32
    %ne3A_424 = vector.broadcast %lt3A_423 : i1 to vector<16xi1>
    %ne3A_425 = vector.broadcast %ne3A_424 : vector<16xi1> to vector<16xi1>
    %ne3A_426 = arith.xori %lt3A_421, %ne3A_425 : vector<16xi1>
    %and3A_427 = arith.andi %ne3A_426, %ne3A_418 : vector<16xi1>
    %add3A_428 = vector.broadcast %select_n3A_413 : i32 to vector<16xi32>
    %add3A_429 = arith.addi %rem3A_415, %add3A_428 : vector<16xi32>
    %select_n3A_430 = arith.select %and3A_427, %add3A_429, %rem3A_415 : vector<16xi1>, vector<16xi32>
    %add3A_431 = arith.constant 10000 : i32
    %add3A_432 = vector.broadcast %add3A_431 : i32 to vector<16xi32>
    %add3A_433 = arith.addi %add3A_432, %select_n3A_430 : vector<16xi32>
    %swap3A_434 = arith.constant 0 : index
    %swap3A_435 = tpu.vector_load %arg17[%swap3A_434] {strides = array<i32>} : memref<80xi32, #tpu.memory_space<vmem>>, vector<16xi32>,
    %swap3A_436 = vector.shape_cast %swap3A_435 : vector<16xi32> to vector<16xi32>
    %swap3A_437 = vector.shape_cast %add3A_433 : vector<16xi32> to vector<16xi32>
    tpu.vector_store %arg17[%swap3A_434], %swap3A_437 {strides = array<i32>} : memref<80xi32, #tpu.memory_space<vmem>>, vector<16xi32>,
    %add3A_438 = arith.constant 96 : i32
    %add3A_439 = vector.broadcast %add3A_438 : i32 to vector<16xi32>
    %add3A_440 = arith.addi %iota3A, %add3A_439 : vector<16xi32>
    %mul3A_441 = arith.constant 37 : i32
    %mul3A_442 = vector.broadcast %mul3A_441 : i32 to vector<16xi32>
    %mul3A_443 = arith.muli %add3A_440, %mul3A_442 : vector<16xi32>
    %add3A_444 = vector.broadcast %add3A : i32 to vector<16xi32>
    %add3A_445 = arith.addi %mul3A_443, %add3A_444 : vector<16xi32>
    %jit3A_446 = arith.constant 10000 : i32
    %eq3A_447 = arith.constant 0 : i32
    %eq3A_448 = arith.cmpi eq, %jit3A_446, %eq3A_447 : i32
    %jit3A_449 = arith.constant 1 : i32
    %select_n3A_450 = arith.select %eq3A_448, %jit3A_449, %jit3A_446 : i32
    %rem3A_451 = vector.broadcast %select_n3A_450 : i32 to vector<16xi32>
    %rem3A_452 = arith.remsi %add3A_445, %rem3A_451 : vector<16xi32>
    %ne3A_453 = arith.constant 0 : i32
    %ne3A_454 = vector.broadcast %ne3A_453 : i32 to vector<16xi32>
    %ne3A_455 = arith.cmpi ne, %rem3A_452, %ne3A_454 : vector<16xi32>
    %lt3A_456 = arith.constant 0 : i32
    %lt3A_457 = vector.broadcast %lt3A_456 : i32 to vector<16xi32>
    %lt3A_458 = arith.cmpi slt, %rem3A_452, %lt3A_457 : vector<16xi32>
    %lt3A_459 = arith.constant 0 : i32
    %lt3A_460 = arith.cmpi slt, %select_n3A_450, %lt3A_459 : i32
    %ne3A_461 = vector.broadcast %lt3A_460 : i1 to vector<16xi1>
    %ne3A_462 = vector.broadcast %ne3A_461 : vector<16xi1> to vector<16xi1>
    %ne3A_463 = arith.xori %lt3A_458, %ne3A_462 : vector<16xi1>
    %and3A_464 = arith.andi %ne3A_463, %ne3A_455 : vector<16xi1>
    %add3A_465 = vector.broadcast %select_n3A_450 : i32 to vector<16xi32>
    %add3A_466 = arith.addi %rem3A_452, %add3A_465 : vector<16xi32>
    %select_n3A_467 = arith.select %and3A_464, %add3A_466, %rem3A_452 : vector<16xi1>, vector<16xi32>
    %swap3A_468 = arith.constant 16 : index
    %swap3A_469 = tpu.vector_load %arg14[%swap3A_468] {strides = array<i32>} : memref<80xi32, #tpu.memory_space<vmem>>, vector<16xi32>,
    %swap3A_470 = vector.shape_cast %swap3A_469 : vector<16xi32> to vector<16xi32>
    %swap3A_471 = vector.shape_cast %select_n3A_467 : vector<16xi32> to vector<16xi32>
    tpu.vector_store %arg14[%swap3A_468], %swap3A_471 {strides = array<i32>} : memref<80xi32, #tpu.memory_space<vmem>>, vector<16xi32>,
    %mul3A_472 = arith.constant 8 : i32
    %mul3A_473 = arith.muli %add3A, %mul3A_472 : i32
    %add3A_474 = vector.broadcast %mul3A_473 : i32 to vector<16xi32>
    %add3A_475 = arith.addi %add3A_440, %add3A_474 : vector<16xi32>
    %jit3A_476 = arith.constant 248 : i32
    %eq3A_477 = arith.constant 0 : i32
    %eq3A_478 = arith.cmpi eq, %jit3A_476, %eq3A_477 : i32
    %jit3A_479 = arith.constant 1 : i32
    %select_n3A_480 = arith.select %eq3A_478, %jit3A_479, %jit3A_476 : i32
    %rem3A_481 = vector.broadcast %select_n3A_480 : i32 to vector<16xi32>
    %rem3A_482 = arith.remsi %add3A_475, %rem3A_481 : vector<16xi32>
    %ne3A_483 = arith.constant 0 : i32
    %ne3A_484 = vector.broadcast %ne3A_483 : i32 to vector<16xi32>
    %ne3A_485 = arith.cmpi ne, %rem3A_482, %ne3A_484 : vector<16xi32>
    %lt3A_486 = arith.constant 0 : i32
    %lt3A_487 = vector.broadcast %lt3A_486 : i32 to vector<16xi32>
    %lt3A_488 = arith.cmpi slt, %rem3A_482, %lt3A_487 : vector<16xi32>
    %lt3A_489 = arith.constant 0 : i32
    %lt3A_490 = arith.cmpi slt, %select_n3A_480, %lt3A_489 : i32
    %ne3A_491 = vector.broadcast %lt3A_490 : i1 to vector<16xi1>
    %ne3A_492 = vector.broadcast %ne3A_491 : vector<16xi1> to vector<16xi1>
    %ne3A_493 = arith.xori %lt3A_488, %ne3A_492 : vector<16xi1>
    %and3A_494 = arith.andi %ne3A_493, %ne3A_485 : vector<16xi1>
    %add3A_495 = vector.broadcast %select_n3A_480 : i32 to vector<16xi32>
    %add3A_496 = arith.addi %rem3A_482, %add3A_495 : vector<16xi32>
    %select_n3A_497 = arith.select %and3A_494, %add3A_496, %rem3A_482 : vector<16xi1>, vector<16xi32>
    %add3A_498 = arith.constant 10000 : i32
    %add3A_499 = vector.broadcast %add3A_498 : i32 to vector<16xi32>
    %add3A_500 = arith.addi %add3A_499, %select_n3A_497 : vector<16xi32>
    %swap3A_501 = arith.constant 16 : index
    %swap3A_502 = tpu.vector_load %arg17[%swap3A_501] {strides = array<i32>} : memref<80xi32, #tpu.memory_space<vmem>>, vector<16xi32>,
    %swap3A_503 = vector.shape_cast %swap3A_502 : vector<16xi32> to vector<16xi32>
    %swap3A_504 = vector.shape_cast %add3A_500 : vector<16xi32> to vector<16xi32>
    tpu.vector_store %arg17[%swap3A_501], %swap3A_504 {strides = array<i32>} : memref<80xi32, #tpu.memory_space<vmem>>, vector<16xi32>,
    %add3A_505 = arith.constant 112 : i32
    %add3A_506 = vector.broadcast %add3A_505 : i32 to vector<16xi32>
    %add3A_507 = arith.addi %iota3A, %add3A_506 : vector<16xi32>
    %mul3A_508 = arith.constant 37 : i32
    %mul3A_509 = vector.broadcast %mul3A_508 : i32 to vector<16xi32>
    %mul3A_510 = arith.muli %add3A_507, %mul3A_509 : vector<16xi32>
    %add3A_511 = vector.broadcast %add3A : i32 to vector<16xi32>
    %add3A_512 = arith.addi %mul3A_510, %add3A_511 : vector<16xi32>
    %jit3A_513 = arith.constant 10000 : i32
    %eq3A_514 = arith.constant 0 : i32
    %eq3A_515 = arith.cmpi eq, %jit3A_513, %eq3A_514 : i32
    %jit3A_516 = arith.constant 1 : i32
    %select_n3A_517 = arith.select %eq3A_515, %jit3A_516, %jit3A_513 : i32
    %rem3A_518 = vector.broadcast %select_n3A_517 : i32 to vector<16xi32>
    %rem3A_519 = arith.remsi %add3A_512, %rem3A_518 : vector<16xi32>
    %ne3A_520 = arith.constant 0 : i32
    %ne3A_521 = vector.broadcast %ne3A_520 : i32 to vector<16xi32>
    %ne3A_522 = arith.cmpi ne, %rem3A_519, %ne3A_521 : vector<16xi32>
    %lt3A_523 = arith.constant 0 : i32
    %lt3A_524 = vector.broadcast %lt3A_523 : i32 to vector<16xi32>
    %lt3A_525 = arith.cmpi slt, %rem3A_519, %lt3A_524 : vector<16xi32>
    %lt3A_526 = arith.constant 0 : i32
    %lt3A_527 = arith.cmpi slt, %select_n3A_517, %lt3A_526 : i32
    %ne3A_528 = vector.broadcast %lt3A_527 : i1 to vector<16xi1>
    %ne3A_529 = vector.broadcast %ne3A_528 : vector<16xi1> to vector<16xi1>
    %ne3A_530 = arith.xori %lt3A_525, %ne3A_529 : vector<16xi1>
    %and3A_531 = arith.andi %ne3A_530, %ne3A_522 : vector<16xi1>
    %add3A_532 = vector.broadcast %select_n3A_517 : i32 to vector<16xi32>
    %add3A_533 = arith.addi %rem3A_519, %add3A_532 : vector<16xi32>
    %select_n3A_534 = arith.select %and3A_531, %add3A_533, %rem3A_519 : vector<16xi1>, vector<16xi32>
    %swap3A_535 = arith.constant 32 : index
    %swap3A_536 = tpu.vector_load %arg14[%swap3A_535] {strides = array<i32>} : memref<80xi32, #tpu.memory_space<vmem>>, vector<16xi32>,
    %swap3A_537 = vector.shape_cast %swap3A_536 : vector<16xi32> to vector<16xi32>
    %swap3A_538 = vector.shape_cast %select_n3A_534 : vector<16xi32> to vector<16xi32>
    tpu.vector_store %arg14[%swap3A_535], %swap3A_538 {strides = array<i32>} : memref<80xi32, #tpu.memory_space<vmem>>, vector<16xi32>,
    %mul3A_539 = arith.constant 8 : i32
    %mul3A_540 = arith.muli %add3A, %mul3A_539 : i32
    %add3A_541 = vector.broadcast %mul3A_540 : i32 to vector<16xi32>
    %add3A_542 = arith.addi %add3A_507, %add3A_541 : vector<16xi32>
    %jit3A_543 = arith.constant 248 : i32
    %eq3A_544 = arith.constant 0 : i32
    %eq3A_545 = arith.cmpi eq, %jit3A_543, %eq3A_544 : i32
    %jit3A_546 = arith.constant 1 : i32
    %select_n3A_547 = arith.select %eq3A_545, %jit3A_546, %jit3A_543 : i32
    %rem3A_548 = vector.broadcast %select_n3A_547 : i32 to vector<16xi32>
    %rem3A_549 = arith.remsi %add3A_542, %rem3A_548 : vector<16xi32>
    %ne3A_550 = arith.constant 0 : i32
    %ne3A_551 = vector.broadcast %ne3A_550 : i32 to vector<16xi32>
    %ne3A_552 = arith.cmpi ne, %rem3A_549, %ne3A_551 : vector<16xi32>
    %lt3A_553 = arith.constant 0 : i32
    %lt3A_554 = vector.broadcast %lt3A_553 : i32 to vector<16xi32>
    %lt3A_555 = arith.cmpi slt, %rem3A_549, %lt3A_554 : vector<16xi32>
    %lt3A_556 = arith.constant 0 : i32
    %lt3A_557 = arith.cmpi slt, %select_n3A_547, %lt3A_556 : i32
    %ne3A_558 = vector.broadcast %lt3A_557 : i1 to vector<16xi1>
    %ne3A_559 = vector.broadcast %ne3A_558 : vector<16xi1> to vector<16xi1>
    %ne3A_560 = arith.xori %lt3A_555, %ne3A_559 : vector<16xi1>
    %and3A_561 = arith.andi %ne3A_560, %ne3A_552 : vector<16xi1>
    %add3A_562 = vector.broadcast %select_n3A_547 : i32 to vector<16xi32>
    %add3A_563 = arith.addi %rem3A_549, %add3A_562 : vector<16xi32>
    %select_n3A_564 = arith.select %and3A_561, %add3A_563, %rem3A_549 : vector<16xi1>, vector<16xi32>
    %add3A_565 = arith.constant 10000 : i32
    %add3A_566 = vector.broadcast %add3A_565 : i32 to vector<16xi32>
    %add3A_567 = arith.addi %add3A_566, %select_n3A_564 : vector<16xi32>
    %swap3A_568 = arith.constant 32 : index
    %swap3A_569 = tpu.vector_load %arg17[%swap3A_568] {strides = array<i32>} : memref<80xi32, #tpu.memory_space<vmem>>, vector<16xi32>,
    %swap3A_570 = vector.shape_cast %swap3A_569 : vector<16xi32> to vector<16xi32>
    %swap3A_571 = vector.shape_cast %add3A_567 : vector<16xi32> to vector<16xi32>
    tpu.vector_store %arg17[%swap3A_568], %swap3A_571 {strides = array<i32>} : memref<80xi32, #tpu.memory_space<vmem>>, vector<16xi32>,
    %add3A_572 = arith.constant 128 : i32
    %add3A_573 = vector.broadcast %add3A_572 : i32 to vector<16xi32>
    %add3A_574 = arith.addi %iota3A, %add3A_573 : vector<16xi32>
    %mul3A_575 = arith.constant 37 : i32
    %mul3A_576 = vector.broadcast %mul3A_575 : i32 to vector<16xi32>
    %mul3A_577 = arith.muli %add3A_574, %mul3A_576 : vector<16xi32>
    %add3A_578 = vector.broadcast %add3A : i32 to vector<16xi32>
    %add3A_579 = arith.addi %mul3A_577, %add3A_578 : vector<16xi32>
    %jit3A_580 = arith.constant 10000 : i32
    %eq3A_581 = arith.constant 0 : i32
    %eq3A_582 = arith.cmpi eq, %jit3A_580, %eq3A_581 : i32
    %jit3A_583 = arith.constant 1 : i32
    %select_n3A_584 = arith.select %eq3A_582, %jit3A_583, %jit3A_580 : i32
    %rem3A_585 = vector.broadcast %select_n3A_584 : i32 to vector<16xi32>
    %rem3A_586 = arith.remsi %add3A_579, %rem3A_585 : vector<16xi32>
    %ne3A_587 = arith.constant 0 : i32
    %ne3A_588 = vector.broadcast %ne3A_587 : i32 to vector<16xi32>
    %ne3A_589 = arith.cmpi ne, %rem3A_586, %ne3A_588 : vector<16xi32>
    %lt3A_590 = arith.constant 0 : i32
    %lt3A_591 = vector.broadcast %lt3A_590 : i32 to vector<16xi32>
    %lt3A_592 = arith.cmpi slt, %rem3A_586, %lt3A_591 : vector<16xi32>
    %lt3A_593 = arith.constant 0 : i32
    %lt3A_594 = arith.cmpi slt, %select_n3A_584, %lt3A_593 : i32
    %ne3A_595 = vector.broadcast %lt3A_594 : i1 to vector<16xi1>
    %ne3A_596 = vector.broadcast %ne3A_595 : vector<16xi1> to vector<16xi1>
    %ne3A_597 = arith.xori %lt3A_592, %ne3A_596 : vector<16xi1>
    %and3A_598 = arith.andi %ne3A_597, %ne3A_589 : vector<16xi1>
    %add3A_599 = vector.broadcast %select_n3A_584 : i32 to vector<16xi32>
    %add3A_600 = arith.addi %rem3A_586, %add3A_599 : vector<16xi32>
    %select_n3A_601 = arith.select %and3A_598, %add3A_600, %rem3A_586 : vector<16xi1>, vector<16xi32>
    %swap3A_602 = arith.constant 48 : index
    %swap3A_603 = tpu.vector_load %arg14[%swap3A_602] {strides = array<i32>} : memref<80xi32, #tpu.memory_space<vmem>>, vector<16xi32>,
    %swap3A_604 = vector.shape_cast %swap3A_603 : vector<16xi32> to vector<16xi32>
    %swap3A_605 = vector.shape_cast %select_n3A_601 : vector<16xi32> to vector<16xi32>
    tpu.vector_store %arg14[%swap3A_602], %swap3A_605 {strides = array<i32>} : memref<80xi32, #tpu.memory_space<vmem>>, vector<16xi32>,
    %mul3A_606 = arith.constant 8 : i32
    %mul3A_607 = arith.muli %add3A, %mul3A_606 : i32
    %add3A_608 = vector.broadcast %mul3A_607 : i32 to vector<16xi32>
    %add3A_609 = arith.addi %add3A_574, %add3A_608 : vector<16xi32>
    %jit3A_610 = arith.constant 248 : i32
    %eq3A_611 = arith.constant 0 : i32
    %eq3A_612 = arith.cmpi eq, %jit3A_610, %eq3A_611 : i32
    %jit3A_613 = arith.constant 1 : i32
    %select_n3A_614 = arith.select %eq3A_612, %jit3A_613, %jit3A_610 : i32
    %rem3A_615 = vector.broadcast %select_n3A_614 : i32 to vector<16xi32>
    %rem3A_616 = arith.remsi %add3A_609, %rem3A_615 : vector<16xi32>
    %ne3A_617 = arith.constant 0 : i32
    %ne3A_618 = vector.broadcast %ne3A_617 : i32 to vector<16xi32>
    %ne3A_619 = arith.cmpi ne, %rem3A_616, %ne3A_618 : vector<16xi32>
    %lt3A_620 = arith.constant 0 : i32
    %lt3A_621 = vector.broadcast %lt3A_620 : i32 to vector<16xi32>
    %lt3A_622 = arith.cmpi slt, %rem3A_616, %lt3A_621 : vector<16xi32>
    %lt3A_623 = arith.constant 0 : i32
    %lt3A_624 = arith.cmpi slt, %select_n3A_614, %lt3A_623 : i32
    %ne3A_625 = vector.broadcast %lt3A_624 : i1 to vector<16xi1>
    %ne3A_626 = vector.broadcast %ne3A_625 : vector<16xi1> to vector<16xi1>
    %ne3A_627 = arith.xori %lt3A_622, %ne3A_626 : vector<16xi1>
    %and3A_628 = arith.andi %ne3A_627, %ne3A_619 : vector<16xi1>
    %add3A_629 = vector.broadcast %select_n3A_614 : i32 to vector<16xi32>
    %add3A_630 = arith.addi %rem3A_616, %add3A_629 : vector<16xi32>
    %select_n3A_631 = arith.select %and3A_628, %add3A_630, %rem3A_616 : vector<16xi1>, vector<16xi32>
    %add3A_632 = arith.constant 10000 : i32
    %add3A_633 = vector.broadcast %add3A_632 : i32 to vector<16xi32>
    %add3A_634 = arith.addi %add3A_633, %select_n3A_631 : vector<16xi32>
    %swap3A_635 = arith.constant 48 : index
    %swap3A_636 = tpu.vector_load %arg17[%swap3A_635] {strides = array<i32>} : memref<80xi32, #tpu.memory_space<vmem>>, vector<16xi32>,
    %swap3A_637 = vector.shape_cast %swap3A_636 : vector<16xi32> to vector<16xi32>
    %swap3A_638 = vector.shape_cast %add3A_634 : vector<16xi32> to vector<16xi32>
    tpu.vector_store %arg17[%swap3A_635], %swap3A_638 {strides = array<i32>} : memref<80xi32, #tpu.memory_space<vmem>>, vector<16xi32>,
    %add3A_639 = arith.constant 144 : i32
    %add3A_640 = vector.broadcast %add3A_639 : i32 to vector<16xi32>
    %add3A_641 = arith.addi %iota3A, %add3A_640 : vector<16xi32>
    %mul3A_642 = arith.constant 37 : i32
    %mul3A_643 = vector.broadcast %mul3A_642 : i32 to vector<16xi32>
    %mul3A_644 = arith.muli %add3A_641, %mul3A_643 : vector<16xi32>
    %add3A_645 = vector.broadcast %add3A : i32 to vector<16xi32>
    %add3A_646 = arith.addi %mul3A_644, %add3A_645 : vector<16xi32>
    %jit3A_647 = arith.constant 10000 : i32
    %eq3A_648 = arith.constant 0 : i32
    %eq3A_649 = arith.cmpi eq, %jit3A_647, %eq3A_648 : i32
    %jit3A_650 = arith.constant 1 : i32
    %select_n3A_651 = arith.select %eq3A_649, %jit3A_650, %jit3A_647 : i32
    %rem3A_652 = vector.broadcast %select_n3A_651 : i32 to vector<16xi32>
    %rem3A_653 = arith.remsi %add3A_646, %rem3A_652 : vector<16xi32>
    %ne3A_654 = arith.constant 0 : i32
    %ne3A_655 = vector.broadcast %ne3A_654 : i32 to vector<16xi32>
    %ne3A_656 = arith.cmpi ne, %rem3A_653, %ne3A_655 : vector<16xi32>
    %lt3A_657 = arith.constant 0 : i32
    %lt3A_658 = vector.broadcast %lt3A_657 : i32 to vector<16xi32>
    %lt3A_659 = arith.cmpi slt, %rem3A_653, %lt3A_658 : vector<16xi32>
    %lt3A_660 = arith.constant 0 : i32
    %lt3A_661 = arith.cmpi slt, %select_n3A_651, %lt3A_660 : i32
    %ne3A_662 = vector.broadcast %lt3A_661 : i1 to vector<16xi1>
    %ne3A_663 = vector.broadcast %ne3A_662 : vector<16xi1> to vector<16xi1>
    %ne3A_664 = arith.xori %lt3A_659, %ne3A_663 : vector<16xi1>
    %and3A_665 = arith.andi %ne3A_664, %ne3A_656 : vector<16xi1>
    %add3A_666 = vector.broadcast %select_n3A_651 : i32 to vector<16xi32>
    %add3A_667 = arith.addi %rem3A_653, %add3A_666 : vector<16xi32>
    %select_n3A_668 = arith.select %and3A_665, %add3A_667, %rem3A_653 : vector<16xi1>, vector<16xi32>
    %swap3A_669 = arith.constant 64 : index
    %swap3A_670 = tpu.vector_load %arg14[%swap3A_669] {strides = array<i32>} : memref<80xi32, #tpu.memory_space<vmem>>, vector<16xi32>,
    %swap3A_671 = vector.shape_cast %swap3A_670 : vector<16xi32> to vector<16xi32>
    %swap3A_672 = vector.shape_cast %select_n3A_668 : vector<16xi32> to vector<16xi32>
    tpu.vector_store %arg14[%swap3A_669], %swap3A_672 {strides = array<i32>} : memref<80xi32, #tpu.memory_space<vmem>>, vector<16xi32>,
    %mul3A_673 = arith.constant 8 : i32
    %mul3A_674 = arith.muli %add3A, %mul3A_673 : i32
    %add3A_675 = vector.broadcast %mul3A_674 : i32 to vector<16xi32>
    %add3A_676 = arith.addi %add3A_641, %add3A_675 : vector<16xi32>
    %jit3A_677 = arith.constant 248 : i32
    %eq3A_678 = arith.constant 0 : i32
    %eq3A_679 = arith.cmpi eq, %jit3A_677, %eq3A_678 : i32
    %jit3A_680 = arith.constant 1 : i32
    %select_n3A_681 = arith.select %eq3A_679, %jit3A_680, %jit3A_677 : i32
    %rem3A_682 = vector.broadcast %select_n3A_681 : i32 to vector<16xi32>
    %rem3A_683 = arith.remsi %add3A_676, %rem3A_682 : vector<16xi32>
    %ne3A_684 = arith.constant 0 : i32
    %ne3A_685 = vector.broadcast %ne3A_684 : i32 to vector<16xi32>
    %ne3A_686 = arith.cmpi ne, %rem3A_683, %ne3A_685 : vector<16xi32>
    %lt3A_687 = arith.constant 0 : i32
    %lt3A_688 = vector.broadcast %lt3A_687 : i32 to vector<16xi32>
    %lt3A_689 = arith.cmpi slt, %rem3A_683, %lt3A_688 : vector<16xi32>
    %lt3A_690 = arith.constant 0 : i32
    %lt3A_691 = arith.cmpi slt, %select_n3A_681, %lt3A_690 : i32
    %ne3A_692 = vector.broadcast %lt3A_691 : i1 to vector<16xi1>
    %ne3A_693 = vector.broadcast %ne3A_692 : vector<16xi1> to vector<16xi1>
    %ne3A_694 = arith.xori %lt3A_689, %ne3A_693 : vector<16xi1>
    %and3A_695 = arith.andi %ne3A_694, %ne3A_686 : vector<16xi1>
    %add3A_696 = vector.broadcast %select_n3A_681 : i32 to vector<16xi32>
    %add3A_697 = arith.addi %rem3A_683, %add3A_696 : vector<16xi32>
    %select_n3A_698 = arith.select %and3A_695, %add3A_697, %rem3A_683 : vector<16xi1>, vector<16xi32>
    %add3A_699 = arith.constant 10000 : i32
    %add3A_700 = vector.broadcast %add3A_699 : i32 to vector<16xi32>
    %add3A_701 = arith.addi %add3A_700, %select_n3A_698 : vector<16xi32>
    %swap3A_702 = arith.constant 64 : index
    %swap3A_703 = tpu.vector_load %arg17[%swap3A_702] {strides = array<i32>} : memref<80xi32, #tpu.memory_space<vmem>>, vector<16xi32>,
    %swap3A_704 = vector.shape_cast %swap3A_703 : vector<16xi32> to vector<16xi32>
    %swap3A_705 = vector.shape_cast %add3A_701 : vector<16xi32> to vector<16xi32>
    tpu.vector_store %arg17[%swap3A_702], %swap3A_705 {strides = array<i32>} : memref<80xi32, #tpu.memory_space<vmem>>, vector<16xi32>,
    %add3A_706 = arith.constant 160 : i32
    %add3A_707 = vector.broadcast %add3A_706 : i32 to vector<16xi32>
    %add3A_708 = arith.addi %iota3A, %add3A_707 : vector<16xi32>
    %mul3A_709 = arith.constant 37 : i32
    %mul3A_710 = vector.broadcast %mul3A_709 : i32 to vector<16xi32>
    %mul3A_711 = arith.muli %add3A_708, %mul3A_710 : vector<16xi32>
    %add3A_712 = vector.broadcast %add3A : i32 to vector<16xi32>
    %add3A_713 = arith.addi %mul3A_711, %add3A_712 : vector<16xi32>
    %jit3A_714 = arith.constant 10000 : i32
    %eq3A_715 = arith.constant 0 : i32
    %eq3A_716 = arith.cmpi eq, %jit3A_714, %eq3A_715 : i32
    %jit3A_717 = arith.constant 1 : i32
    %select_n3A_718 = arith.select %eq3A_716, %jit3A_717, %jit3A_714 : i32
    %rem3A_719 = vector.broadcast %select_n3A_718 : i32 to vector<16xi32>
    %rem3A_720 = arith.remsi %add3A_713, %rem3A_719 : vector<16xi32>
    %ne3A_721 = arith.constant 0 : i32
    %ne3A_722 = vector.broadcast %ne3A_721 : i32 to vector<16xi32>
    %ne3A_723 = arith.cmpi ne, %rem3A_720, %ne3A_722 : vector<16xi32>
    %lt3A_724 = arith.constant 0 : i32
    %lt3A_725 = vector.broadcast %lt3A_724 : i32 to vector<16xi32>
    %lt3A_726 = arith.cmpi slt, %rem3A_720, %lt3A_725 : vector<16xi32>
    %lt3A_727 = arith.constant 0 : i32
    %lt3A_728 = arith.cmpi slt, %select_n3A_718, %lt3A_727 : i32
    %ne3A_729 = vector.broadcast %lt3A_728 : i1 to vector<16xi1>
    %ne3A_730 = vector.broadcast %ne3A_729 : vector<16xi1> to vector<16xi1>
    %ne3A_731 = arith.xori %lt3A_726, %ne3A_730 : vector<16xi1>
    %and3A_732 = arith.andi %ne3A_731, %ne3A_723 : vector<16xi1>
    %add3A_733 = vector.broadcast %select_n3A_718 : i32 to vector<16xi32>
    %add3A_734 = arith.addi %rem3A_720, %add3A_733 : vector<16xi32>
    %select_n3A_735 = arith.select %and3A_732, %add3A_734, %rem3A_720 : vector<16xi1>, vector<16xi32>
    %swap3A_736 = arith.constant 0 : index
    %swap3A_737 = tpu.vector_load %arg15[%swap3A_736] {strides = array<i32>} : memref<80xi32, #tpu.memory_space<vmem>>, vector<16xi32>,
    %swap3A_738 = vector.shape_cast %swap3A_737 : vector<16xi32> to vector<16xi32>
    %swap3A_739 = vector.shape_cast %select_n3A_735 : vector<16xi32> to vector<16xi32>
    tpu.vector_store %arg15[%swap3A_736], %swap3A_739 {strides = array<i32>} : memref<80xi32, #tpu.memory_space<vmem>>, vector<16xi32>,
    %mul3A_740 = arith.constant 8 : i32
    %mul3A_741 = arith.muli %add3A, %mul3A_740 : i32
    %add3A_742 = vector.broadcast %mul3A_741 : i32 to vector<16xi32>
    %add3A_743 = arith.addi %add3A_708, %add3A_742 : vector<16xi32>
    %jit3A_744 = arith.constant 248 : i32
    %eq3A_745 = arith.constant 0 : i32
    %eq3A_746 = arith.cmpi eq, %jit3A_744, %eq3A_745 : i32
    %jit3A_747 = arith.constant 1 : i32
    %select_n3A_748 = arith.select %eq3A_746, %jit3A_747, %jit3A_744 : i32
    %rem3A_749 = vector.broadcast %select_n3A_748 : i32 to vector<16xi32>
    %rem3A_750 = arith.remsi %add3A_743, %rem3A_749 : vector<16xi32>
    %ne3A_751 = arith.constant 0 : i32
    %ne3A_752 = vector.broadcast %ne3A_751 : i32 to vector<16xi32>
    %ne3A_753 = arith.cmpi ne, %rem3A_750, %ne3A_752 : vector<16xi32>
    %lt3A_754 = arith.constant 0 : i32
    %lt3A_755 = vector.broadcast %lt3A_754 : i32 to vector<16xi32>
    %lt3A_756 = arith.cmpi slt, %rem3A_750, %lt3A_755 : vector<16xi32>
    %lt3A_757 = arith.constant 0 : i32
    %lt3A_758 = arith.cmpi slt, %select_n3A_748, %lt3A_757 : i32
    %ne3A_759 = vector.broadcast %lt3A_758 : i1 to vector<16xi1>
    %ne3A_760 = vector.broadcast %ne3A_759 : vector<16xi1> to vector<16xi1>
    %ne3A_761 = arith.xori %lt3A_756, %ne3A_760 : vector<16xi1>
    %and3A_762 = arith.andi %ne3A_761, %ne3A_753 : vector<16xi1>
    %add3A_763 = vector.broadcast %select_n3A_748 : i32 to vector<16xi32>
    %add3A_764 = arith.addi %rem3A_750, %add3A_763 : vector<16xi32>
    %select_n3A_765 = arith.select %and3A_762, %add3A_764, %rem3A_750 : vector<16xi1>, vector<16xi32>
    %add3A_766 = arith.constant 10000 : i32
    %add3A_767 = vector.broadcast %add3A_766 : i32 to vector<16xi32>
    %add3A_768 = arith.addi %add3A_767, %select_n3A_765 : vector<16xi32>
    %swap3A_769 = arith.constant 0 : index
    %swap3A_770 = tpu.vector_load %arg18[%swap3A_769] {strides = array<i32>} : memref<80xi32, #tpu.memory_space<vmem>>, vector<16xi32>,
    %swap3A_771 = vector.shape_cast %swap3A_770 : vector<16xi32> to vector<16xi32>
    %swap3A_772 = vector.shape_cast %add3A_768 : vector<16xi32> to vector<16xi32>
    tpu.vector_store %arg18[%swap3A_769], %swap3A_772 {strides = array<i32>} : memref<80xi32, #tpu.memory_space<vmem>>, vector<16xi32>,
    %add3A_773 = arith.constant 176 : i32
    %add3A_774 = vector.broadcast %add3A_773 : i32 to vector<16xi32>
    %add3A_775 = arith.addi %iota3A, %add3A_774 : vector<16xi32>
    %mul3A_776 = arith.constant 37 : i32
    %mul3A_777 = vector.broadcast %mul3A_776 : i32 to vector<16xi32>
    %mul3A_778 = arith.muli %add3A_775, %mul3A_777 : vector<16xi32>
    %add3A_779 = vector.broadcast %add3A : i32 to vector<16xi32>
    %add3A_780 = arith.addi %mul3A_778, %add3A_779 : vector<16xi32>
    %jit3A_781 = arith.constant 10000 : i32
    %eq3A_782 = arith.constant 0 : i32
    %eq3A_783 = arith.cmpi eq, %jit3A_781, %eq3A_782 : i32
    %jit3A_784 = arith.constant 1 : i32
    %select_n3A_785 = arith.select %eq3A_783, %jit3A_784, %jit3A_781 : i32
    %rem3A_786 = vector.broadcast %select_n3A_785 : i32 to vector<16xi32>
    %rem3A_787 = arith.remsi %add3A_780, %rem3A_786 : vector<16xi32>
    %ne3A_788 = arith.constant 0 : i32
    %ne3A_789 = vector.broadcast %ne3A_788 : i32 to vector<16xi32>
    %ne3A_790 = arith.cmpi ne, %rem3A_787, %ne3A_789 : vector<16xi32>
    %lt3A_791 = arith.constant 0 : i32
    %lt3A_792 = vector.broadcast %lt3A_791 : i32 to vector<16xi32>
    %lt3A_793 = arith.cmpi slt, %rem3A_787, %lt3A_792 : vector<16xi32>
    %lt3A_794 = arith.constant 0 : i32
    %lt3A_795 = arith.cmpi slt, %select_n3A_785, %lt3A_794 : i32
    %ne3A_796 = vector.broadcast %lt3A_795 : i1 to vector<16xi1>
    %ne3A_797 = vector.broadcast %ne3A_796 : vector<16xi1> to vector<16xi1>
    %ne3A_798 = arith.xori %lt3A_793, %ne3A_797 : vector<16xi1>
    %and3A_799 = arith.andi %ne3A_798, %ne3A_790 : vector<16xi1>
    %add3A_800 = vector.broadcast %select_n3A_785 : i32 to vector<16xi32>
    %add3A_801 = arith.addi %rem3A_787, %add3A_800 : vector<16xi32>
    %select_n3A_802 = arith.select %and3A_799, %add3A_801, %rem3A_787 : vector<16xi1>, vector<16xi32>
    %swap3A_803 = arith.constant 16 : index
    %swap3A_804 = tpu.vector_load %arg15[%swap3A_803] {strides = array<i32>} : memref<80xi32, #tpu.memory_space<vmem>>, vector<16xi32>,
    %swap3A_805 = vector.shape_cast %swap3A_804 : vector<16xi32> to vector<16xi32>
    %swap3A_806 = vector.shape_cast %select_n3A_802 : vector<16xi32> to vector<16xi32>
    tpu.vector_store %arg15[%swap3A_803], %swap3A_806 {strides = array<i32>} : memref<80xi32, #tpu.memory_space<vmem>>, vector<16xi32>,
    %mul3A_807 = arith.constant 8 : i32
    %mul3A_808 = arith.muli %add3A, %mul3A_807 : i32
    %add3A_809 = vector.broadcast %mul3A_808 : i32 to vector<16xi32>
    %add3A_810 = arith.addi %add3A_775, %add3A_809 : vector<16xi32>
    %jit3A_811 = arith.constant 248 : i32
    %eq3A_812 = arith.constant 0 : i32
    %eq3A_813 = arith.cmpi eq, %jit3A_811, %eq3A_812 : i32
    %jit3A_814 = arith.constant 1 : i32
    %select_n3A_815 = arith.select %eq3A_813, %jit3A_814, %jit3A_811 : i32
    %rem3A_816 = vector.broadcast %select_n3A_815 : i32 to vector<16xi32>
    %rem3A_817 = arith.remsi %add3A_810, %rem3A_816 : vector<16xi32>
    %ne3A_818 = arith.constant 0 : i32
    %ne3A_819 = vector.broadcast %ne3A_818 : i32 to vector<16xi32>
    %ne3A_820 = arith.cmpi ne, %rem3A_817, %ne3A_819 : vector<16xi32>
    %lt3A_821 = arith.constant 0 : i32
    %lt3A_822 = vector.broadcast %lt3A_821 : i32 to vector<16xi32>
    %lt3A_823 = arith.cmpi slt, %rem3A_817, %lt3A_822 : vector<16xi32>
    %lt3A_824 = arith.constant 0 : i32
    %lt3A_825 = arith.cmpi slt, %select_n3A_815, %lt3A_824 : i32
    %ne3A_826 = vector.broadcast %lt3A_825 : i1 to vector<16xi1>
    %ne3A_827 = vector.broadcast %ne3A_826 : vector<16xi1> to vector<16xi1>
    %ne3A_828 = arith.xori %lt3A_823, %ne3A_827 : vector<16xi1>
    %and3A_829 = arith.andi %ne3A_828, %ne3A_820 : vector<16xi1>
    %add3A_830 = vector.broadcast %select_n3A_815 : i32 to vector<16xi32>
    %add3A_831 = arith.addi %rem3A_817, %add3A_830 : vector<16xi32>
    %select_n3A_832 = arith.select %and3A_829, %add3A_831, %rem3A_817 : vector<16xi1>, vector<16xi32>
    %add3A_833 = arith.constant 10000 : i32
    %add3A_834 = vector.broadcast %add3A_833 : i32 to vector<16xi32>
    %add3A_835 = arith.addi %add3A_834, %select_n3A_832 : vector<16xi32>
    %swap3A_836 = arith.constant 16 : index
    %swap3A_837 = tpu.vector_load %arg18[%swap3A_836] {strides = array<i32>} : memref<80xi32, #tpu.memory_space<vmem>>, vector<16xi32>,
    %swap3A_838 = vector.shape_cast %swap3A_837 : vector<16xi32> to vector<16xi32>
    %swap3A_839 = vector.shape_cast %add3A_835 : vector<16xi32> to vector<16xi32>
    tpu.vector_store %arg18[%swap3A_836], %swap3A_839 {strides = array<i32>} : memref<80xi32, #tpu.memory_space<vmem>>, vector<16xi32>,
    %add3A_840 = arith.constant 192 : i32
    %add3A_841 = vector.broadcast %add3A_840 : i32 to vector<16xi32>
    %add3A_842 = arith.addi %iota3A, %add3A_841 : vector<16xi32>
    %mul3A_843 = arith.constant 37 : i32
    %mul3A_844 = vector.broadcast %mul3A_843 : i32 to vector<16xi32>
    %mul3A_845 = arith.muli %add3A_842, %mul3A_844 : vector<16xi32>
    %add3A_846 = vector.broadcast %add3A : i32 to vector<16xi32>
    %add3A_847 = arith.addi %mul3A_845, %add3A_846 : vector<16xi32>
    %jit3A_848 = arith.constant 10000 : i32
    %eq3A_849 = arith.constant 0 : i32
    %eq3A_850 = arith.cmpi eq, %jit3A_848, %eq3A_849 : i32
    %jit3A_851 = arith.constant 1 : i32
    %select_n3A_852 = arith.select %eq3A_850, %jit3A_851, %jit3A_848 : i32
    %rem3A_853 = vector.broadcast %select_n3A_852 : i32 to vector<16xi32>
    %rem3A_854 = arith.remsi %add3A_847, %rem3A_853 : vector<16xi32>
    %ne3A_855 = arith.constant 0 : i32
    %ne3A_856 = vector.broadcast %ne3A_855 : i32 to vector<16xi32>
    %ne3A_857 = arith.cmpi ne, %rem3A_854, %ne3A_856 : vector<16xi32>
    %lt3A_858 = arith.constant 0 : i32
    %lt3A_859 = vector.broadcast %lt3A_858 : i32 to vector<16xi32>
    %lt3A_860 = arith.cmpi slt, %rem3A_854, %lt3A_859 : vector<16xi32>
    %lt3A_861 = arith.constant 0 : i32
    %lt3A_862 = arith.cmpi slt, %select_n3A_852, %lt3A_861 : i32
    %ne3A_863 = vector.broadcast %lt3A_862 : i1 to vector<16xi1>
    %ne3A_864 = vector.broadcast %ne3A_863 : vector<16xi1> to vector<16xi1>
    %ne3A_865 = arith.xori %lt3A_860, %ne3A_864 : vector<16xi1>
    %and3A_866 = arith.andi %ne3A_865, %ne3A_857 : vector<16xi1>
    %add3A_867 = vector.broadcast %select_n3A_852 : i32 to vector<16xi32>
    %add3A_868 = arith.addi %rem3A_854, %add3A_867 : vector<16xi32>
    %select_n3A_869 = arith.select %and3A_866, %add3A_868, %rem3A_854 : vector<16xi1>, vector<16xi32>
    %swap3A_870 = arith.constant 32 : index
    %swap3A_871 = tpu.vector_load %arg15[%swap3A_870] {strides = array<i32>} : memref<80xi32, #tpu.memory_space<vmem>>, vector<16xi32>,
    %swap3A_872 = vector.shape_cast %swap3A_871 : vector<16xi32> to vector<16xi32>
    %swap3A_873 = vector.shape_cast %select_n3A_869 : vector<16xi32> to vector<16xi32>
    tpu.vector_store %arg15[%swap3A_870], %swap3A_873 {strides = array<i32>} : memref<80xi32, #tpu.memory_space<vmem>>, vector<16xi32>,
    %mul3A_874 = arith.constant 8 : i32
    %mul3A_875 = arith.muli %add3A, %mul3A_874 : i32
    %add3A_876 = vector.broadcast %mul3A_875 : i32 to vector<16xi32>
    %add3A_877 = arith.addi %add3A_842, %add3A_876 : vector<16xi32>
    %jit3A_878 = arith.constant 248 : i32
    %eq3A_879 = arith.constant 0 : i32
    %eq3A_880 = arith.cmpi eq, %jit3A_878, %eq3A_879 : i32
    %jit3A_881 = arith.constant 1 : i32
    %select_n3A_882 = arith.select %eq3A_880, %jit3A_881, %jit3A_878 : i32
    %rem3A_883 = vector.broadcast %select_n3A_882 : i32 to vector<16xi32>
    %rem3A_884 = arith.remsi %add3A_877, %rem3A_883 : vector<16xi32>
    %ne3A_885 = arith.constant 0 : i32
    %ne3A_886 = vector.broadcast %ne3A_885 : i32 to vector<16xi32>
    %ne3A_887 = arith.cmpi ne, %rem3A_884, %ne3A_886 : vector<16xi32>
    %lt3A_888 = arith.constant 0 : i32
    %lt3A_889 = vector.broadcast %lt3A_888 : i32 to vector<16xi32>
    %lt3A_890 = arith.cmpi slt, %rem3A_884, %lt3A_889 : vector<16xi32>
    %lt3A_891 = arith.constant 0 : i32
    %lt3A_892 = arith.cmpi slt, %select_n3A_882, %lt3A_891 : i32
    %ne3A_893 = vector.broadcast %lt3A_892 : i1 to vector<16xi1>
    %ne3A_894 = vector.broadcast %ne3A_893 : vector<16xi1> to vector<16xi1>
    %ne3A_895 = arith.xori %lt3A_890, %ne3A_894 : vector<16xi1>
    %and3A_896 = arith.andi %ne3A_895, %ne3A_887 : vector<16xi1>
    %add3A_897 = vector.broadcast %select_n3A_882 : i32 to vector<16xi32>
    %add3A_898 = arith.addi %rem3A_884, %add3A_897 : vector<16xi32>
    %select_n3A_899 = arith.select %and3A_896, %add3A_898, %rem3A_884 : vector<16xi1>, vector<16xi32>
    %add3A_900 = arith.constant 10000 : i32
    %add3A_901 = vector.broadcast %add3A_900 : i32 to vector<16xi32>
    %add3A_902 = arith.addi %add3A_901, %select_n3A_899 : vector<16xi32>
    %swap3A_903 = arith.constant 32 : index
    %swap3A_904 = tpu.vector_load %arg18[%swap3A_903] {strides = array<i32>} : memref<80xi32, #tpu.memory_space<vmem>>, vector<16xi32>,
    %swap3A_905 = vector.shape_cast %swap3A_904 : vector<16xi32> to vector<16xi32>
    %swap3A_906 = vector.shape_cast %add3A_902 : vector<16xi32> to vector<16xi32>
    tpu.vector_store %arg18[%swap3A_903], %swap3A_906 {strides = array<i32>} : memref<80xi32, #tpu.memory_space<vmem>>, vector<16xi32>,
    %add3A_907 = arith.constant 208 : i32
    %add3A_908 = vector.broadcast %add3A_907 : i32 to vector<16xi32>
    %add3A_909 = arith.addi %iota3A, %add3A_908 : vector<16xi32>
    %mul3A_910 = arith.constant 37 : i32
    %mul3A_911 = vector.broadcast %mul3A_910 : i32 to vector<16xi32>
    %mul3A_912 = arith.muli %add3A_909, %mul3A_911 : vector<16xi32>
    %add3A_913 = vector.broadcast %add3A : i32 to vector<16xi32>
    %add3A_914 = arith.addi %mul3A_912, %add3A_913 : vector<16xi32>
    %jit3A_915 = arith.constant 10000 : i32
    %eq3A_916 = arith.constant 0 : i32
    %eq3A_917 = arith.cmpi eq, %jit3A_915, %eq3A_916 : i32
    %jit3A_918 = arith.constant 1 : i32
    %select_n3A_919 = arith.select %eq3A_917, %jit3A_918, %jit3A_915 : i32
    %rem3A_920 = vector.broadcast %select_n3A_919 : i32 to vector<16xi32>
    %rem3A_921 = arith.remsi %add3A_914, %rem3A_920 : vector<16xi32>
    %ne3A_922 = arith.constant 0 : i32
    %ne3A_923 = vector.broadcast %ne3A_922 : i32 to vector<16xi32>
    %ne3A_924 = arith.cmpi ne, %rem3A_921, %ne3A_923 : vector<16xi32>
    %lt3A_925 = arith.constant 0 : i32
    %lt3A_926 = vector.broadcast %lt3A_925 : i32 to vector<16xi32>
    %lt3A_927 = arith.cmpi slt, %rem3A_921, %lt3A_926 : vector<16xi32>
    %lt3A_928 = arith.constant 0 : i32
    %lt3A_929 = arith.cmpi slt, %select_n3A_919, %lt3A_928 : i32
    %ne3A_930 = vector.broadcast %lt3A_929 : i1 to vector<16xi1>
    %ne3A_931 = vector.broadcast %ne3A_930 : vector<16xi1> to vector<16xi1>
    %ne3A_932 = arith.xori %lt3A_927, %ne3A_931 : vector<16xi1>
    %and3A_933 = arith.andi %ne3A_932, %ne3A_924 : vector<16xi1>
    %add3A_934 = vector.broadcast %select_n3A_919 : i32 to vector<16xi32>
    %add3A_935 = arith.addi %rem3A_921, %add3A_934 : vector<16xi32>
    %select_n3A_936 = arith.select %and3A_933, %add3A_935, %rem3A_921 : vector<16xi1>, vector<16xi32>
    %swap3A_937 = arith.constant 48 : index
    %swap3A_938 = tpu.vector_load %arg15[%swap3A_937] {strides = array<i32>} : memref<80xi32, #tpu.memory_space<vmem>>, vector<16xi32>,
    %swap3A_939 = vector.shape_cast %swap3A_938 : vector<16xi32> to vector<16xi32>
    %swap3A_940 = vector.shape_cast %select_n3A_936 : vector<16xi32> to vector<16xi32>
    tpu.vector_store %arg15[%swap3A_937], %swap3A_940 {strides = array<i32>} : memref<80xi32, #tpu.memory_space<vmem>>, vector<16xi32>,
    %mul3A_941 = arith.constant 8 : i32
    %mul3A_942 = arith.muli %add3A, %mul3A_941 : i32
    %add3A_943 = vector.broadcast %mul3A_942 : i32 to vector<16xi32>
    %add3A_944 = arith.addi %add3A_909, %add3A_943 : vector<16xi32>
    %jit3A_945 = arith.constant 248 : i32
    %eq3A_946 = arith.constant 0 : i32
    %eq3A_947 = arith.cmpi eq, %jit3A_945, %eq3A_946 : i32
    %jit3A_948 = arith.constant 1 : i32
    %select_n3A_949 = arith.select %eq3A_947, %jit3A_948, %jit3A_945 : i32
    %rem3A_950 = vector.broadcast %select_n3A_949 : i32 to vector<16xi32>
    %rem3A_951 = arith.remsi %add3A_944, %rem3A_950 : vector<16xi32>
    %ne3A_952 = arith.constant 0 : i32
    %ne3A_953 = vector.broadcast %ne3A_952 : i32 to vector<16xi32>
    %ne3A_954 = arith.cmpi ne, %rem3A_951, %ne3A_953 : vector<16xi32>
    %lt3A_955 = arith.constant 0 : i32
    %lt3A_956 = vector.broadcast %lt3A_955 : i32 to vector<16xi32>
    %lt3A_957 = arith.cmpi slt, %rem3A_951, %lt3A_956 : vector<16xi32>
    %lt3A_958 = arith.constant 0 : i32
    %lt3A_959 = arith.cmpi slt, %select_n3A_949, %lt3A_958 : i32
    %ne3A_960 = vector.broadcast %lt3A_959 : i1 to vector<16xi1>
    %ne3A_961 = vector.broadcast %ne3A_960 : vector<16xi1> to vector<16xi1>
    %ne3A_962 = arith.xori %lt3A_957, %ne3A_961 : vector<16xi1>
    %and3A_963 = arith.andi %ne3A_962, %ne3A_954 : vector<16xi1>
    %add3A_964 = vector.broadcast %select_n3A_949 : i32 to vector<16xi32>
    %add3A_965 = arith.addi %rem3A_951, %add3A_964 : vector<16xi32>
    %select_n3A_966 = arith.select %and3A_963, %add3A_965, %rem3A_951 : vector<16xi1>, vector<16xi32>
    %add3A_967 = arith.constant 10000 : i32
    %add3A_968 = vector.broadcast %add3A_967 : i32 to vector<16xi32>
    %add3A_969 = arith.addi %add3A_968, %select_n3A_966 : vector<16xi32>
    %swap3A_970 = arith.constant 48 : index
    %swap3A_971 = tpu.vector_load %arg18[%swap3A_970] {strides = array<i32>} : memref<80xi32, #tpu.memory_space<vmem>>, vector<16xi32>,
    %swap3A_972 = vector.shape_cast %swap3A_971 : vector<16xi32> to vector<16xi32>
    %swap3A_973 = vector.shape_cast %add3A_969 : vector<16xi32> to vector<16xi32>
    tpu.vector_store %arg18[%swap3A_970], %swap3A_973 {strides = array<i32>} : memref<80xi32, #tpu.memory_space<vmem>>, vector<16xi32>,
    %add3A_974 = arith.constant 224 : i32
    %add3A_975 = vector.broadcast %add3A_974 : i32 to vector<16xi32>
    %add3A_976 = arith.addi %iota3A, %add3A_975 : vector<16xi32>
    %mul3A_977 = arith.constant 37 : i32
    %mul3A_978 = vector.broadcast %mul3A_977 : i32 to vector<16xi32>
    %mul3A_979 = arith.muli %add3A_976, %mul3A_978 : vector<16xi32>
    %add3A_980 = vector.broadcast %add3A : i32 to vector<16xi32>
    %add3A_981 = arith.addi %mul3A_979, %add3A_980 : vector<16xi32>
    %jit3A_982 = arith.constant 10000 : i32
    %eq3A_983 = arith.constant 0 : i32
    %eq3A_984 = arith.cmpi eq, %jit3A_982, %eq3A_983 : i32
    %jit3A_985 = arith.constant 1 : i32
    %select_n3A_986 = arith.select %eq3A_984, %jit3A_985, %jit3A_982 : i32
    %rem3A_987 = vector.broadcast %select_n3A_986 : i32 to vector<16xi32>
    %rem3A_988 = arith.remsi %add3A_981, %rem3A_987 : vector<16xi32>
    %ne3A_989 = arith.constant 0 : i32
    %ne3A_990 = vector.broadcast %ne3A_989 : i32 to vector<16xi32>
    %ne3A_991 = arith.cmpi ne, %rem3A_988, %ne3A_990 : vector<16xi32>
    %lt3A_992 = arith.constant 0 : i32
    %lt3A_993 = vector.broadcast %lt3A_992 : i32 to vector<16xi32>
    %lt3A_994 = arith.cmpi slt, %rem3A_988, %lt3A_993 : vector<16xi32>
    %lt3A_995 = arith.constant 0 : i32
    %lt3A_996 = arith.cmpi slt, %select_n3A_986, %lt3A_995 : i32
    %ne3A_997 = vector.broadcast %lt3A_996 : i1 to vector<16xi1>
    %ne3A_998 = vector.broadcast %ne3A_997 : vector<16xi1> to vector<16xi1>
    %ne3A_999 = arith.xori %lt3A_994, %ne3A_998 : vector<16xi1>
    %and3A_1000 = arith.andi %ne3A_999, %ne3A_991 : vector<16xi1>
    %add3A_1001 = vector.broadcast %select_n3A_986 : i32 to vector<16xi32>
    %add3A_1002 = arith.addi %rem3A_988, %add3A_1001 : vector<16xi32>
    %select_n3A_1003 = arith.select %and3A_1000, %add3A_1002, %rem3A_988 : vector<16xi1>, vector<16xi32>
    %swap3A_1004 = arith.constant 64 : index
    %swap3A_1005 = tpu.vector_load %arg15[%swap3A_1004] {strides = array<i32>} : memref<80xi32, #tpu.memory_space<vmem>>, vector<16xi32>,
    %swap3A_1006 = vector.shape_cast %swap3A_1005 : vector<16xi32> to vector<16xi32>
    %swap3A_1007 = vector.shape_cast %select_n3A_1003 : vector<16xi32> to vector<16xi32>
    tpu.vector_store %arg15[%swap3A_1004], %swap3A_1007 {strides = array<i32>} : memref<80xi32, #tpu.memory_space<vmem>>, vector<16xi32>,
    %mul3A_1008 = arith.constant 8 : i32
    %mul3A_1009 = arith.muli %add3A, %mul3A_1008 : i32
    %add3A_1010 = vector.broadcast %mul3A_1009 : i32 to vector<16xi32>
    %add3A_1011 = arith.addi %add3A_976, %add3A_1010 : vector<16xi32>
    %jit3A_1012 = arith.constant 248 : i32
    %eq3A_1013 = arith.constant 0 : i32
    %eq3A_1014 = arith.cmpi eq, %jit3A_1012, %eq3A_1013 : i32
    %jit3A_1015 = arith.constant 1 : i32
    %select_n3A_1016 = arith.select %eq3A_1014, %jit3A_1015, %jit3A_1012 : i32
    %rem3A_1017 = vector.broadcast %select_n3A_1016 : i32 to vector<16xi32>
    %rem3A_1018 = arith.remsi %add3A_1011, %rem3A_1017 : vector<16xi32>
    %ne3A_1019 = arith.constant 0 : i32
    %ne3A_1020 = vector.broadcast %ne3A_1019 : i32 to vector<16xi32>
    %ne3A_1021 = arith.cmpi ne, %rem3A_1018, %ne3A_1020 : vector<16xi32>
    %lt3A_1022 = arith.constant 0 : i32
    %lt3A_1023 = vector.broadcast %lt3A_1022 : i32 to vector<16xi32>
    %lt3A_1024 = arith.cmpi slt, %rem3A_1018, %lt3A_1023 : vector<16xi32>
    %lt3A_1025 = arith.constant 0 : i32
    %lt3A_1026 = arith.cmpi slt, %select_n3A_1016, %lt3A_1025 : i32
    %ne3A_1027 = vector.broadcast %lt3A_1026 : i1 to vector<16xi1>
    %ne3A_1028 = vector.broadcast %ne3A_1027 : vector<16xi1> to vector<16xi1>
    %ne3A_1029 = arith.xori %lt3A_1024, %ne3A_1028 : vector<16xi1>
    %and3A_1030 = arith.andi %ne3A_1029, %ne3A_1021 : vector<16xi1>
    %add3A_1031 = vector.broadcast %select_n3A_1016 : i32 to vector<16xi32>
    %add3A_1032 = arith.addi %rem3A_1018, %add3A_1031 : vector<16xi32>
    %select_n3A_1033 = arith.select %and3A_1030, %add3A_1032, %rem3A_1018 : vector<16xi1>, vector<16xi32>
    %add3A_1034 = arith.constant 10000 : i32
    %add3A_1035 = vector.broadcast %add3A_1034 : i32 to vector<16xi32>
    %add3A_1036 = arith.addi %add3A_1035, %select_n3A_1033 : vector<16xi32>
    %swap3A_1037 = arith.constant 64 : index
    %swap3A_1038 = tpu.vector_load %arg18[%swap3A_1037] {strides = array<i32>} : memref<80xi32, #tpu.memory_space<vmem>>, vector<16xi32>,
    %swap3A_1039 = vector.shape_cast %swap3A_1038 : vector<16xi32> to vector<16xi32>
    %swap3A_1040 = vector.shape_cast %add3A_1036 : vector<16xi32> to vector<16xi32>
    tpu.vector_store %arg18[%swap3A_1037], %swap3A_1040 {strides = array<i32>} : memref<80xi32, #tpu.memory_space<vmem>>, vector<16xi32>,
    %broadcast_in_dim3A = arith.constant 0.000000e+00 : f32
    %broadcast_in_dim3A_1041 = vector.broadcast %broadcast_in_dim3A : f32 to vector<16xf32>
    %scan3A = arith.constant 0 : i32
    %scan3A_1042 = arith.constant 0 : i32
    %scan3A_1043 = arith.constant 640 : i32
    %scan3A_1044 = arith.addi %scan3A_1042, %scan3A_1043 : i32
    %scan3A_1045 = arith.constant 1 : i32
    %scan3A_1046 = scf.for %scan3A_1219 = %scan3A_1042 to %scan3A_1044 step %scan3A_1045 iter_args(%scan3A_1220 = %scan3A) -> (i32)  : i32 {
      %jit3A_1221 = arith.constant 8 : i32
      %div3A = arith.divsi %scan3A_1219, %jit3A_1221 : i32
      %sign3A = arith.constant 0 : i32
      %sign3A_1222 = arith.cmpi sgt, %scan3A_1219, %sign3A : i32
      %sign3A_1223 = arith.extui %sign3A_1222 : i1 to i32
      %sign3A_1224 = arith.constant 0 : i32
      %sign3A_1225 = arith.cmpi slt, %scan3A_1219, %sign3A_1224 : i32
      %sign3A_1226 = arith.extui %sign3A_1225 : i1 to i32
      %sign3A_1227 = arith.subi %sign3A_1223, %sign3A_1226 : i32
      %sign3A_1228 = arith.constant 0 : i32
      %sign3A_1229 = arith.cmpi sgt, %jit3A_1221, %sign3A_1228 : i32
      %sign3A_1230 = arith.extui %sign3A_1229 : i1 to i32
      %sign3A_1231 = arith.constant 0 : i32
      %sign3A_1232 = arith.cmpi slt, %jit3A_1221, %sign3A_1231 : i32
      %sign3A_1233 = arith.extui %sign3A_1232 : i1 to i32
      %sign3A_1234 = arith.subi %sign3A_1230, %sign3A_1233 : i32
      %ne3A_1235 = arith.cmpi ne, %sign3A_1227, %sign3A_1234 : i32
      %rem3A_1236 = arith.remsi %scan3A_1219, %jit3A_1221 : i32
      %ne3A_1237 = arith.constant 0 : i32
      %ne3A_1238 = arith.cmpi ne, %rem3A_1236, %ne3A_1237 : i32
      %and3A_1239 = arith.andi %ne3A_1235, %ne3A_1238 : i1
      %sub3A = arith.constant 1 : i32
      %sub3A_1240 = arith.subi %div3A, %sub3A : i32
      %select_n3A_1241 = arith.select %and3A_1239, %sub3A_1240, %div3A : i32
      %jit3A_1242 = arith.constant 8 : i32
      %eq3A_1243 = arith.constant 0 : i32
      %eq3A_1244 = arith.cmpi eq, %jit3A_1242, %eq3A_1243 : i32
      %jit3A_1245 = arith.constant 1 : i32
      %select_n3A_1246 = arith.select %eq3A_1244, %jit3A_1245, %jit3A_1242 : i32
      %rem3A_1247 = arith.remsi %scan3A_1219, %select_n3A_1246 : i32
      %ne3A_1248 = arith.constant 0 : i32
      %ne3A_1249 = arith.cmpi ne, %rem3A_1247, %ne3A_1248 : i32
      %lt3A_1250 = arith.constant 0 : i32
      %lt3A_1251 = arith.cmpi slt, %rem3A_1247, %lt3A_1250 : i32
      %lt3A_1252 = arith.constant 0 : i32
      %lt3A_1253 = arith.cmpi slt, %select_n3A_1246, %lt3A_1252 : i32
      %ne3A_1254 = arith.xori %lt3A_1251, %lt3A_1253 : i1
      %and3A_1255 = arith.andi %ne3A_1254, %ne3A_1249 : i1
      %add3A_1256 = arith.addi %rem3A_1247, %select_n3A_1246 : i32
      %select_n3A_1257 = arith.select %and3A_1255, %add3A_1256, %rem3A_1247 : i32
      %mul3A_1258 = arith.constant 16 : i32
      %mul3A_1259 = arith.muli %select_n3A_1257, %mul3A_1258 : i32
      %swap3A_1260 = arith.index_cast %select_n3A_1241 : i32 to index
      %swap3A_1261 = arith.index_cast %mul3A_1259 : i32 to index
      %swap3A_1262 = tpu.vector_load %arg19[%swap3A_1260, %swap3A_1261] {strides = array<i32>} : memref<80x128xf32, #tpu.memory_space<vmem>>, vector<1x16xf32>,
      %swap3A_1263 = vector.shape_cast %swap3A_1262 : vector<1x16xf32> to vector<16xf32>
      %swap3A_1264 = vector.shape_cast %broadcast_in_dim3A_1041 : vector<16xf32> to vector<1x16xf32>
      tpu.vector_store %arg19[%swap3A_1260, %swap3A_1261], %swap3A_1264 {strides = array<i32>} : memref<80x128xf32, #tpu.memory_space<vmem>>, vector<1x16xf32>,
      %scan3A_1265 = arith.constant 0 : i32
      scf.yield %scan3A_1265 : i32
    }
    %scan3A_1047 = arith.constant 640 : i32
    %add3A_1048 = arith.constant 0 : i32
    %add3A_1049 = arith.addi %arg1, %add3A_1048 : i32
    %lt3A_1050 = arith.constant 125 : i32
    %lt3A_1051 = arith.cmpi slt, %add3A_1049, %lt3A_1050 : i32
    %convert_element_type3A = arith.extui %lt3A_1051 : i1 to i32
    %cond3A = arith.constant 0 : i32
    %cond3A_1052 = arith.cmpi ne, %convert_element_type3A, %cond3A : i32
    scf.if %cond3A_1052 {
      %mul3A_1219 = arith.constant 80 : i32
      %mul3A_1220 = arith.muli %add3A_1049, %mul3A_1219 : i32
      "tpu.region"() ({
        %run_scoped3A = tpu.sem_alloc : memref<!tpu.dma_semaphore, #tpu.memory_space<semaphore_mem>>
        %dma_start3A_1221 = arith.constant 0 : i32
        %dma_start3A_1222 = tpu.memref_slice %arg23[%mul3A_1220, %dma_start3A_1221] : memref<10248x128xf32, #tpu.memory_space<vmem_shared>> -> memref<80x128xf32, #tpu.memory_space<vmem_shared>>
        %dma_start3A_1223 = arith.constant 0 : i32
        %dma_start3A_1224 = tpu.memref_slice %arg23[%mul3A_1220, %dma_start3A_1223] : memref<10248x128xf32, #tpu.memory_space<vmem_shared>> -> memref<80x128xf32, #tpu.memory_space<vmem_shared>>
        tpu.enqueue_dma source(%arg19 : memref<80x128xf32, #tpu.memory_space<vmem>>) target(%dma_start3A_1224 : memref<80x128xf32, #tpu.memory_space<vmem_shared>>) target_semaphore(%run_scoped3A : memref<!tpu.dma_semaphore, #tpu.memory_space<semaphore_mem>>)
        %dma_wait3A_1225 = arith.constant 0 : i32
        %dma_wait3A_1226 = tpu.memref_slice %arg23[%mul3A_1220, %dma_wait3A_1225] : memref<10248x128xf32, #tpu.memory_space<vmem_shared>> -> memref<80x128xf32, #tpu.memory_space<vmem_shared>>
        %dma_wait3A_1227 = arith.constant 0 : i32
        %dma_wait3A_1228 = tpu.memref_slice %arg23[%mul3A_1220, %dma_wait3A_1227] : memref<10248x128xf32, #tpu.memory_space<vmem_shared>> -> memref<80x128xf32, #tpu.memory_space<vmem_shared>>
        tpu.wait_dma2 semaphore(%run_scoped3A : memref<!tpu.dma_semaphore, #tpu.memory_space<semaphore_mem>>) src(%arg19 : memref<80x128xf32, #tpu.memory_space<vmem>>) dst(%dma_wait3A_1228 : memref<80x128xf32, #tpu.memory_space<vmem_shared>>)
        tpu.yield
      }) : () -> ()
    } else {
    }
    %add3A_1053 = arith.constant 16 : i32
    %add3A_1054 = arith.addi %arg1, %add3A_1053 : i32
    %lt3A_1055 = arith.constant 125 : i32
    %lt3A_1056 = arith.cmpi slt, %add3A_1054, %lt3A_1055 : i32
    %convert_element_type3A_1057 = arith.extui %lt3A_1056 : i1 to i32
    %cond3A_1058 = arith.constant 0 : i32
    %cond3A_1059 = arith.cmpi ne, %convert_element_type3A_1057, %cond3A_1058 : i32
    scf.if %cond3A_1059 {
      %mul3A_1219 = arith.constant 80 : i32
      %mul3A_1220 = arith.muli %add3A_1054, %mul3A_1219 : i32
      "tpu.region"() ({
        %run_scoped3A = tpu.sem_alloc : memref<!tpu.dma_semaphore, #tpu.memory_space<semaphore_mem>>
        %dma_start3A_1221 = arith.constant 0 : i32
        %dma_start3A_1222 = tpu.memref_slice %arg23[%mul3A_1220, %dma_start3A_1221] : memref<10248x128xf32, #tpu.memory_space<vmem_shared>> -> memref<80x128xf32, #tpu.memory_space<vmem_shared>>
        %dma_start3A_1223 = arith.constant 0 : i32
        %dma_start3A_1224 = tpu.memref_slice %arg23[%mul3A_1220, %dma_start3A_1223] : memref<10248x128xf32, #tpu.memory_space<vmem_shared>> -> memref<80x128xf32, #tpu.memory_space<vmem_shared>>
        tpu.enqueue_dma source(%arg19 : memref<80x128xf32, #tpu.memory_space<vmem>>) target(%dma_start3A_1224 : memref<80x128xf32, #tpu.memory_space<vmem_shared>>) target_semaphore(%run_scoped3A : memref<!tpu.dma_semaphore, #tpu.memory_space<semaphore_mem>>)
        %dma_wait3A_1225 = arith.constant 0 : i32
        %dma_wait3A_1226 = tpu.memref_slice %arg23[%mul3A_1220, %dma_wait3A_1225] : memref<10248x128xf32, #tpu.memory_space<vmem_shared>> -> memref<80x128xf32, #tpu.memory_space<vmem_shared>>
        %dma_wait3A_1227 = arith.constant 0 : i32
        %dma_wait3A_1228 = tpu.memref_slice %arg23[%mul3A_1220, %dma_wait3A_1227] : memref<10248x128xf32, #tpu.memory_space<vmem_shared>> -> memref<80x128xf32, #tpu.memory_space<vmem_shared>>
        tpu.wait_dma2 semaphore(%run_scoped3A : memref<!tpu.dma_semaphore, #tpu.memory_space<semaphore_mem>>) src(%arg19 : memref<80x128xf32, #tpu.memory_space<vmem>>) dst(%dma_wait3A_1228 : memref<80x128xf32, #tpu.memory_space<vmem_shared>>)
        tpu.yield
      }) : () -> ()
    } else {
    }
    %add3A_1060 = arith.constant 32 : i32
    %add3A_1061 = arith.addi %arg1, %add3A_1060 : i32
    %lt3A_1062 = arith.constant 125 : i32
    %lt3A_1063 = arith.cmpi slt, %add3A_1061, %lt3A_1062 : i32
    %convert_element_type3A_1064 = arith.extui %lt3A_1063 : i1 to i32
    %cond3A_1065 = arith.constant 0 : i32
    %cond3A_1066 = arith.cmpi ne, %convert_element_type3A_1064, %cond3A_1065 : i32
    scf.if %cond3A_1066 {
      %mul3A_1219 = arith.constant 80 : i32
      %mul3A_1220 = arith.muli %add3A_1061, %mul3A_1219 : i32
      "tpu.region"() ({
        %run_scoped3A = tpu.sem_alloc : memref<!tpu.dma_semaphore, #tpu.memory_space<semaphore_mem>>
        %dma_start3A_1221 = arith.constant 0 : i32
        %dma_start3A_1222 = tpu.memref_slice %arg23[%mul3A_1220, %dma_start3A_1221] : memref<10248x128xf32, #tpu.memory_space<vmem_shared>> -> memref<80x128xf32, #tpu.memory_space<vmem_shared>>
        %dma_start3A_1223 = arith.constant 0 : i32
        %dma_start3A_1224 = tpu.memref_slice %arg23[%mul3A_1220, %dma_start3A_1223] : memref<10248x128xf32, #tpu.memory_space<vmem_shared>> -> memref<80x128xf32, #tpu.memory_space<vmem_shared>>
        tpu.enqueue_dma source(%arg19 : memref<80x128xf32, #tpu.memory_space<vmem>>) target(%dma_start3A_1224 : memref<80x128xf32, #tpu.memory_space<vmem_shared>>) target_semaphore(%run_scoped3A : memref<!tpu.dma_semaphore, #tpu.memory_space<semaphore_mem>>)
        %dma_wait3A_1225 = arith.constant 0 : i32
        %dma_wait3A_1226 = tpu.memref_slice %arg23[%mul3A_1220, %dma_wait3A_1225] : memref<10248x128xf32, #tpu.memory_space<vmem_shared>> -> memref<80x128xf32, #tpu.memory_space<vmem_shared>>
        %dma_wait3A_1227 = arith.constant 0 : i32
        %dma_wait3A_1228 = tpu.memref_slice %arg23[%mul3A_1220, %dma_wait3A_1227] : memref<10248x128xf32, #tpu.memory_space<vmem_shared>> -> memref<80x128xf32, #tpu.memory_space<vmem_shared>>
        tpu.wait_dma2 semaphore(%run_scoped3A : memref<!tpu.dma_semaphore, #tpu.memory_space<semaphore_mem>>) src(%arg19 : memref<80x128xf32, #tpu.memory_space<vmem>>) dst(%dma_wait3A_1228 : memref<80x128xf32, #tpu.memory_space<vmem_shared>>)
        tpu.yield
      }) : () -> ()
    } else {
    }
    %add3A_1067 = arith.constant 48 : i32
    %add3A_1068 = arith.addi %arg1, %add3A_1067 : i32
    %lt3A_1069 = arith.constant 125 : i32
    %lt3A_1070 = arith.cmpi slt, %add3A_1068, %lt3A_1069 : i32
    %convert_element_type3A_1071 = arith.extui %lt3A_1070 : i1 to i32
    %cond3A_1072 = arith.constant 0 : i32
    %cond3A_1073 = arith.cmpi ne, %convert_element_type3A_1071, %cond3A_1072 : i32
    scf.if %cond3A_1073 {
      %mul3A_1219 = arith.constant 80 : i32
      %mul3A_1220 = arith.muli %add3A_1068, %mul3A_1219 : i32
      "tpu.region"() ({
        %run_scoped3A = tpu.sem_alloc : memref<!tpu.dma_semaphore, #tpu.memory_space<semaphore_mem>>
        %dma_start3A_1221 = arith.constant 0 : i32
        %dma_start3A_1222 = tpu.memref_slice %arg23[%mul3A_1220, %dma_start3A_1221] : memref<10248x128xf32, #tpu.memory_space<vmem_shared>> -> memref<80x128xf32, #tpu.memory_space<vmem_shared>>
        %dma_start3A_1223 = arith.constant 0 : i32
        %dma_start3A_1224 = tpu.memref_slice %arg23[%mul3A_1220, %dma_start3A_1223] : memref<10248x128xf32, #tpu.memory_space<vmem_shared>> -> memref<80x128xf32, #tpu.memory_space<vmem_shared>>
        tpu.enqueue_dma source(%arg19 : memref<80x128xf32, #tpu.memory_space<vmem>>) target(%dma_start3A_1224 : memref<80x128xf32, #tpu.memory_space<vmem_shared>>) target_semaphore(%run_scoped3A : memref<!tpu.dma_semaphore, #tpu.memory_space<semaphore_mem>>)
        %dma_wait3A_1225 = arith.constant 0 : i32
        %dma_wait3A_1226 = tpu.memref_slice %arg23[%mul3A_1220, %dma_wait3A_1225] : memref<10248x128xf32, #tpu.memory_space<vmem_shared>> -> memref<80x128xf32, #tpu.memory_space<vmem_shared>>
        %dma_wait3A_1227 = arith.constant 0 : i32
        %dma_wait3A_1228 = tpu.memref_slice %arg23[%mul3A_1220, %dma_wait3A_1227] : memref<10248x128xf32, #tpu.memory_space<vmem_shared>> -> memref<80x128xf32, #tpu.memory_space<vmem_shared>>
        tpu.wait_dma2 semaphore(%run_scoped3A : memref<!tpu.dma_semaphore, #tpu.memory_space<semaphore_mem>>) src(%arg19 : memref<80x128xf32, #tpu.memory_space<vmem>>) dst(%dma_wait3A_1228 : memref<80x128xf32, #tpu.memory_space<vmem_shared>>)
        tpu.yield
      }) : () -> ()
    } else {
    }
    %add3A_1074 = arith.constant 64 : i32
    %add3A_1075 = arith.addi %arg1, %add3A_1074 : i32
    %lt3A_1076 = arith.constant 125 : i32
    %lt3A_1077 = arith.cmpi slt, %add3A_1075, %lt3A_1076 : i32
    %convert_element_type3A_1078 = arith.extui %lt3A_1077 : i1 to i32
    %cond3A_1079 = arith.constant 0 : i32
    %cond3A_1080 = arith.cmpi ne, %convert_element_type3A_1078, %cond3A_1079 : i32
    scf.if %cond3A_1080 {
      %mul3A_1219 = arith.constant 80 : i32
      %mul3A_1220 = arith.muli %add3A_1075, %mul3A_1219 : i32
      "tpu.region"() ({
        %run_scoped3A = tpu.sem_alloc : memref<!tpu.dma_semaphore, #tpu.memory_space<semaphore_mem>>
        %dma_start3A_1221 = arith.constant 0 : i32
        %dma_start3A_1222 = tpu.memref_slice %arg23[%mul3A_1220, %dma_start3A_1221] : memref<10248x128xf32, #tpu.memory_space<vmem_shared>> -> memref<80x128xf32, #tpu.memory_space<vmem_shared>>
        %dma_start3A_1223 = arith.constant 0 : i32
        %dma_start3A_1224 = tpu.memref_slice %arg23[%mul3A_1220, %dma_start3A_1223] : memref<10248x128xf32, #tpu.memory_space<vmem_shared>> -> memref<80x128xf32, #tpu.memory_space<vmem_shared>>
        tpu.enqueue_dma source(%arg19 : memref<80x128xf32, #tpu.memory_space<vmem>>) target(%dma_start3A_1224 : memref<80x128xf32, #tpu.memory_space<vmem_shared>>) target_semaphore(%run_scoped3A : memref<!tpu.dma_semaphore, #tpu.memory_space<semaphore_mem>>)
        %dma_wait3A_1225 = arith.constant 0 : i32
        %dma_wait3A_1226 = tpu.memref_slice %arg23[%mul3A_1220, %dma_wait3A_1225] : memref<10248x128xf32, #tpu.memory_space<vmem_shared>> -> memref<80x128xf32, #tpu.memory_space<vmem_shared>>
        %dma_wait3A_1227 = arith.constant 0 : i32
        %dma_wait3A_1228 = tpu.memref_slice %arg23[%mul3A_1220, %dma_wait3A_1227] : memref<10248x128xf32, #tpu.memory_space<vmem_shared>> -> memref<80x128xf32, #tpu.memory_space<vmem_shared>>
        tpu.wait_dma2 semaphore(%run_scoped3A : memref<!tpu.dma_semaphore, #tpu.memory_space<semaphore_mem>>) src(%arg19 : memref<80x128xf32, #tpu.memory_space<vmem>>) dst(%dma_wait3A_1228 : memref<80x128xf32, #tpu.memory_space<vmem_shared>>)
        tpu.yield
      }) : () -> ()
    } else {
    }
    %add3A_1081 = arith.constant 80 : i32
    %add3A_1082 = arith.addi %arg1, %add3A_1081 : i32
    %lt3A_1083 = arith.constant 125 : i32
    %lt3A_1084 = arith.cmpi slt, %add3A_1082, %lt3A_1083 : i32
    %convert_element_type3A_1085 = arith.extui %lt3A_1084 : i1 to i32
    %cond3A_1086 = arith.constant 0 : i32
    %cond3A_1087 = arith.cmpi ne, %convert_element_type3A_1085, %cond3A_1086 : i32
    scf.if %cond3A_1087 {
      %mul3A_1219 = arith.constant 80 : i32
      %mul3A_1220 = arith.muli %add3A_1082, %mul3A_1219 : i32
      "tpu.region"() ({
        %run_scoped3A = tpu.sem_alloc : memref<!tpu.dma_semaphore, #tpu.memory_space<semaphore_mem>>
        %dma_start3A_1221 = arith.constant 0 : i32
        %dma_start3A_1222 = tpu.memref_slice %arg23[%mul3A_1220, %dma_start3A_1221] : memref<10248x128xf32, #tpu.memory_space<vmem_shared>> -> memref<80x128xf32, #tpu.memory_space<vmem_shared>>
        %dma_start3A_1223 = arith.constant 0 : i32
        %dma_start3A_1224 = tpu.memref_slice %arg23[%mul3A_1220, %dma_start3A_1223] : memref<10248x128xf32, #tpu.memory_space<vmem_shared>> -> memref<80x128xf32, #tpu.memory_space<vmem_shared>>
        tpu.enqueue_dma source(%arg19 : memref<80x128xf32, #tpu.memory_space<vmem>>) target(%dma_start3A_1224 : memref<80x128xf32, #tpu.memory_space<vmem_shared>>) target_semaphore(%run_scoped3A : memref<!tpu.dma_semaphore, #tpu.memory_space<semaphore_mem>>)
        %dma_wait3A_1225 = arith.constant 0 : i32
        %dma_wait3A_1226 = tpu.memref_slice %arg23[%mul3A_1220, %dma_wait3A_1225] : memref<10248x128xf32, #tpu.memory_space<vmem_shared>> -> memref<80x128xf32, #tpu.memory_space<vmem_shared>>
        %dma_wait3A_1227 = arith.constant 0 : i32
        %dma_wait3A_1228 = tpu.memref_slice %arg23[%mul3A_1220, %dma_wait3A_1227] : memref<10248x128xf32, #tpu.memory_space<vmem_shared>> -> memref<80x128xf32, #tpu.memory_space<vmem_shared>>
        tpu.wait_dma2 semaphore(%run_scoped3A : memref<!tpu.dma_semaphore, #tpu.memory_space<semaphore_mem>>) src(%arg19 : memref<80x128xf32, #tpu.memory_space<vmem>>) dst(%dma_wait3A_1228 : memref<80x128xf32, #tpu.memory_space<vmem_shared>>)
        tpu.yield
      }) : () -> ()
    } else {
    }
    %add3A_1088 = arith.constant 96 : i32
    %add3A_1089 = arith.addi %arg1, %add3A_1088 : i32
    %lt3A_1090 = arith.constant 125 : i32
    %lt3A_1091 = arith.cmpi slt, %add3A_1089, %lt3A_1090 : i32
    %convert_element_type3A_1092 = arith.extui %lt3A_1091 : i1 to i32
    %cond3A_1093 = arith.constant 0 : i32
    %cond3A_1094 = arith.cmpi ne, %convert_element_type3A_1092, %cond3A_1093 : i32
    scf.if %cond3A_1094 {
      %mul3A_1219 = arith.constant 80 : i32
      %mul3A_1220 = arith.muli %add3A_1089, %mul3A_1219 : i32
      "tpu.region"() ({
        %run_scoped3A = tpu.sem_alloc : memref<!tpu.dma_semaphore, #tpu.memory_space<semaphore_mem>>
        %dma_start3A_1221 = arith.constant 0 : i32
        %dma_start3A_1222 = tpu.memref_slice %arg23[%mul3A_1220, %dma_start3A_1221] : memref<10248x128xf32, #tpu.memory_space<vmem_shared>> -> memref<80x128xf32, #tpu.memory_space<vmem_shared>>
        %dma_start3A_1223 = arith.constant 0 : i32
        %dma_start3A_1224 = tpu.memref_slice %arg23[%mul3A_1220, %dma_start3A_1223] : memref<10248x128xf32, #tpu.memory_space<vmem_shared>> -> memref<80x128xf32, #tpu.memory_space<vmem_shared>>
        tpu.enqueue_dma source(%arg19 : memref<80x128xf32, #tpu.memory_space<vmem>>) target(%dma_start3A_1224 : memref<80x128xf32, #tpu.memory_space<vmem_shared>>) target_semaphore(%run_scoped3A : memref<!tpu.dma_semaphore, #tpu.memory_space<semaphore_mem>>)
        %dma_wait3A_1225 = arith.constant 0 : i32
        %dma_wait3A_1226 = tpu.memref_slice %arg23[%mul3A_1220, %dma_wait3A_1225] : memref<10248x128xf32, #tpu.memory_space<vmem_shared>> -> memref<80x128xf32, #tpu.memory_space<vmem_shared>>
        %dma_wait3A_1227 = arith.constant 0 : i32
        %dma_wait3A_1228 = tpu.memref_slice %arg23[%mul3A_1220, %dma_wait3A_1227] : memref<10248x128xf32, #tpu.memory_space<vmem_shared>> -> memref<80x128xf32, #tpu.memory_space<vmem_shared>>
        tpu.wait_dma2 semaphore(%run_scoped3A : memref<!tpu.dma_semaphore, #tpu.memory_space<semaphore_mem>>) src(%arg19 : memref<80x128xf32, #tpu.memory_space<vmem>>) dst(%dma_wait3A_1228 : memref<80x128xf32, #tpu.memory_space<vmem_shared>>)
        tpu.yield
      }) : () -> ()
    } else {
    }
    %add3A_1095 = arith.constant 112 : i32
    %add3A_1096 = arith.addi %arg1, %add3A_1095 : i32
    %lt3A_1097 = arith.constant 125 : i32
    %lt3A_1098 = arith.cmpi slt, %add3A_1096, %lt3A_1097 : i32
    %convert_element_type3A_1099 = arith.extui %lt3A_1098 : i1 to i32
    %cond3A_1100 = arith.constant 0 : i32
    %cond3A_1101 = arith.cmpi ne, %convert_element_type3A_1099, %cond3A_1100 : i32
    scf.if %cond3A_1101 {
      %mul3A_1219 = arith.constant 80 : i32
      %mul3A_1220 = arith.muli %add3A_1096, %mul3A_1219 : i32
      "tpu.region"() ({
        %run_scoped3A = tpu.sem_alloc : memref<!tpu.dma_semaphore, #tpu.memory_space<semaphore_mem>>
        %dma_start3A_1221 = arith.constant 0 : i32
        %dma_start3A_1222 = tpu.memref_slice %arg23[%mul3A_1220, %dma_start3A_1221] : memref<10248x128xf32, #tpu.memory_space<vmem_shared>> -> memref<80x128xf32, #tpu.memory_space<vmem_shared>>
        %dma_start3A_1223 = arith.constant 0 : i32
        %dma_start3A_1224 = tpu.memref_slice %arg23[%mul3A_1220, %dma_start3A_1223] : memref<10248x128xf32, #tpu.memory_space<vmem_shared>> -> memref<80x128xf32, #tpu.memory_space<vmem_shared>>
        tpu.enqueue_dma source(%arg19 : memref<80x128xf32, #tpu.memory_space<vmem>>) target(%dma_start3A_1224 : memref<80x128xf32, #tpu.memory_space<vmem_shared>>) target_semaphore(%run_scoped3A : memref<!tpu.dma_semaphore, #tpu.memory_space<semaphore_mem>>)
        %dma_wait3A_1225 = arith.constant 0 : i32
        %dma_wait3A_1226 = tpu.memref_slice %arg23[%mul3A_1220, %dma_wait3A_1225] : memref<10248x128xf32, #tpu.memory_space<vmem_shared>> -> memref<80x128xf32, #tpu.memory_space<vmem_shared>>
        %dma_wait3A_1227 = arith.constant 0 : i32
        %dma_wait3A_1228 = tpu.memref_slice %arg23[%mul3A_1220, %dma_wait3A_1227] : memref<10248x128xf32, #tpu.memory_space<vmem_shared>> -> memref<80x128xf32, #tpu.memory_space<vmem_shared>>
        tpu.wait_dma2 semaphore(%run_scoped3A : memref<!tpu.dma_semaphore, #tpu.memory_space<semaphore_mem>>) src(%arg19 : memref<80x128xf32, #tpu.memory_space<vmem>>) dst(%dma_wait3A_1228 : memref<80x128xf32, #tpu.memory_space<vmem_shared>>)
        tpu.yield
      }) : () -> ()
    } else {
    }
    %add3A_1102 = arith.constant 0 : i32
    %add3A_1103 = arith.addi %mul3A_4, %add3A_1102 : i32
    %dma_wait3A = tpu.memref_slice %arg3[%add3A_1103] : memref<640000xi32, #tpu.memory_space<hbm>> -> memref<80xi32, #tpu.memory_space<hbm>>
    %dma_wait3A_1104 = tpu.memref_slice %arg3[%add3A_1103] : memref<640000xi32, #tpu.memory_space<hbm>> -> memref<80xi32, #tpu.memory_space<hbm>>
    tpu.wait_dma2 semaphore(%arg28 : memref<!tpu.dma_semaphore, #tpu.memory_space<semaphore_mem>>) src(%dma_wait3A_1104 : memref<80xi32, #tpu.memory_space<hbm>>) dst(%arg5 : memref<80xi32, #tpu.memory_space<vmem>>)
    %add3A_1105 = arith.constant 320000 : i32
    %add3A_1106 = arith.addi %add3A_1105, %mul3A_4 : i32
    %add3A_1107 = arith.constant 0 : i32
    %add3A_1108 = arith.addi %add3A_1106, %add3A_1107 : i32
    %dma_wait3A_1109 = tpu.memref_slice %arg3[%add3A_1108] : memref<640000xi32, #tpu.memory_space<hbm>> -> memref<80xi32, #tpu.memory_space<hbm>>
    %dma_wait3A_1110 = tpu.memref_slice %arg3[%add3A_1108] : memref<640000xi32, #tpu.memory_space<hbm>> -> memref<80xi32, #tpu.memory_space<hbm>>
    tpu.wait_dma2 semaphore(%arg28 : memref<!tpu.dma_semaphore, #tpu.memory_space<semaphore_mem>>) src(%dma_wait3A_1110 : memref<80xi32, #tpu.memory_space<hbm>>) dst(%arg9 : memref<80xi32, #tpu.memory_space<vmem>>)
    %dma_start3A_1111 = arith.constant 0 : i32
    %dma_start3A_1112 = arith.constant 0 : i32
    %dma_start3A_1113 = tpu.memref_slice %arg2[%dma_start3A_1111, %dma_start3A_1112] : memref<10000x128xf32, #tpu.memory_space<hbm>> -> memref<10000x128xf32, #tpu.memory_space<hbm>>
    tpu.enqueue_indirect_dma source(%dma_start3A_1113 : memref<10000x128xf32, #tpu.memory_space<hbm>>) target(%arg19 : memref<80x128xf32, #tpu.memory_space<vmem>>) offsets(%arg5 : memref<80xi32, #tpu.memory_space<vmem>>) semaphore(%arg24 : memref<!tpu.dma_semaphore, #tpu.memory_space<semaphore_mem>>)
    %add3A_1114 = arith.constant 80 : i32
    %add3A_1115 = arith.addi %mul3A_4, %add3A_1114 : i32
    %dma_wait3A_1116 = tpu.memref_slice %arg3[%add3A_1115] : memref<640000xi32, #tpu.memory_space<hbm>> -> memref<80xi32, #tpu.memory_space<hbm>>
    %dma_wait3A_1117 = tpu.memref_slice %arg3[%add3A_1115] : memref<640000xi32, #tpu.memory_space<hbm>> -> memref<80xi32, #tpu.memory_space<hbm>>
    tpu.wait_dma2 semaphore(%arg29 : memref<!tpu.dma_semaphore, #tpu.memory_space<semaphore_mem>>) src(%dma_wait3A_1117 : memref<80xi32, #tpu.memory_space<hbm>>) dst(%arg6 : memref<80xi32, #tpu.memory_space<vmem>>)
    %add3A_1118 = arith.constant 320000 : i32
    %add3A_1119 = arith.addi %add3A_1118, %mul3A_4 : i32
    %add3A_1120 = arith.constant 80 : i32
    %add3A_1121 = arith.addi %add3A_1119, %add3A_1120 : i32
    %dma_wait3A_1122 = tpu.memref_slice %arg3[%add3A_1121] : memref<640000xi32, #tpu.memory_space<hbm>> -> memref<80xi32, #tpu.memory_space<hbm>>
    %dma_wait3A_1123 = tpu.memref_slice %arg3[%add3A_1121] : memref<640000xi32, #tpu.memory_space<hbm>> -> memref<80xi32, #tpu.memory_space<hbm>>
    tpu.wait_dma2 semaphore(%arg29 : memref<!tpu.dma_semaphore, #tpu.memory_space<semaphore_mem>>) src(%dma_wait3A_1123 : memref<80xi32, #tpu.memory_space<hbm>>) dst(%arg10 : memref<80xi32, #tpu.memory_space<vmem>>)
    %dma_start3A_1124 = arith.constant 0 : i32
    %dma_start3A_1125 = arith.constant 0 : i32
    %dma_start3A_1126 = tpu.memref_slice %arg2[%dma_start3A_1124, %dma_start3A_1125] : memref<10000x128xf32, #tpu.memory_space<hbm>> -> memref<10000x128xf32, #tpu.memory_space<hbm>>
    tpu.enqueue_indirect_dma source(%dma_start3A_1126 : memref<10000x128xf32, #tpu.memory_space<hbm>>) target(%arg20 : memref<80x128xf32, #tpu.memory_space<vmem>>) offsets(%arg6 : memref<80xi32, #tpu.memory_space<vmem>>) semaphore(%arg25 : memref<!tpu.dma_semaphore, #tpu.memory_space<semaphore_mem>>)
    %add3A_1127 = arith.constant 160 : i32
    %add3A_1128 = arith.addi %mul3A_4, %add3A_1127 : i32
    %dma_wait3A_1129 = tpu.memref_slice %arg3[%add3A_1128] : memref<640000xi32, #tpu.memory_space<hbm>> -> memref<80xi32, #tpu.memory_space<hbm>>
    %dma_wait3A_1130 = tpu.memref_slice %arg3[%add3A_1128] : memref<640000xi32, #tpu.memory_space<hbm>> -> memref<80xi32, #tpu.memory_space<hbm>>
    tpu.wait_dma2 semaphore(%arg30 : memref<!tpu.dma_semaphore, #tpu.memory_space<semaphore_mem>>) src(%dma_wait3A_1130 : memref<80xi32, #tpu.memory_space<hbm>>) dst(%arg7 : memref<80xi32, #tpu.memory_space<vmem>>)
    %add3A_1131 = arith.constant 320000 : i32
    %add3A_1132 = arith.addi %add3A_1131, %mul3A_4 : i32
    %add3A_1133 = arith.constant 160 : i32
    %add3A_1134 = arith.addi %add3A_1132, %add3A_1133 : i32
    %dma_wait3A_1135 = tpu.memref_slice %arg3[%add3A_1134] : memref<640000xi32, #tpu.memory_space<hbm>> -> memref<80xi32, #tpu.memory_space<hbm>>
    %dma_wait3A_1136 = tpu.memref_slice %arg3[%add3A_1134] : memref<640000xi32, #tpu.memory_space<hbm>> -> memref<80xi32, #tpu.memory_space<hbm>>
    tpu.wait_dma2 semaphore(%arg30 : memref<!tpu.dma_semaphore, #tpu.memory_space<semaphore_mem>>) src(%dma_wait3A_1136 : memref<80xi32, #tpu.memory_space<hbm>>) dst(%arg11 : memref<80xi32, #tpu.memory_space<vmem>>)
    %dma_start3A_1137 = arith.constant 0 : i32
    %dma_start3A_1138 = arith.constant 0 : i32
    %dma_start3A_1139 = tpu.memref_slice %arg2[%dma_start3A_1137, %dma_start3A_1138] : memref<10000x128xf32, #tpu.memory_space<hbm>> -> memref<10000x128xf32, #tpu.memory_space<hbm>>
    tpu.enqueue_indirect_dma source(%dma_start3A_1139 : memref<10000x128xf32, #tpu.memory_space<hbm>>) target(%arg21 : memref<80x128xf32, #tpu.memory_space<vmem>>) offsets(%arg7 : memref<80xi32, #tpu.memory_space<vmem>>) semaphore(%arg26 : memref<!tpu.dma_semaphore, #tpu.memory_space<semaphore_mem>>)
    %barrier3A = arith.constant 0 : index
    tpu.barrier barrier_id(%barrier3A)
    %scan3A_1140 = arith.constant 0 : i32
    %scan3A_1141 = arith.constant 0 : i32
    %scan3A_1142 = arith.constant 31 : i32
    %scan3A_1143 = arith.addi %scan3A_1141, %scan3A_1142 : i32
    %scan3A_1144 = arith.constant 1 : i32
    %scan3A_1145 = scf.for %scan3A_1219 = %scan3A_1141 to %scan3A_1143 step %scan3A_1144 iter_args(%scan3A_1220 = %scan3A_1140) -> (i32)  : i32 {
      %mul3A_1221 = arith.constant 4 : i32
      %mul3A_1222 = arith.muli %mul3A_1221, %scan3A_1219 : i32
      %add3A_1223 = arith.constant 0 : i32
      %add3A_1224 = arith.addi %mul3A_1222, %add3A_1223 : i32
      %dma_wait3A_1225 = arith.constant 0 : i32
      %dma_wait3A_1226 = arith.constant 0 : i32
      %dma_wait3A_1227 = tpu.memref_slice %arg2[%dma_wait3A_1225, %dma_wait3A_1226] : memref<10000x128xf32, #tpu.memory_space<hbm>> -> memref<10000x128xf32, #tpu.memory_space<hbm>>
      tpu.wait_indirect_dma semaphore(%arg24 : memref<!tpu.dma_semaphore, #tpu.memory_space<semaphore_mem>>) src(%dma_wait3A_1227 : memref<10000x128xf32, #tpu.memory_space<hbm>>) dst(%arg19 : memref<80x128xf32, #tpu.memory_space<vmem>>)
      "tpu.region"() ({
        %run_scoped3A = tpu.sem_alloc : memref<!tpu.dma_semaphore, #tpu.memory_space<semaphore_mem>>
        %dma_start3A_1333 = arith.constant 0 : i32
        %dma_start3A_1334 = arith.constant 0 : i32
        %dma_start3A_1335 = tpu.memref_slice %arg23[%dma_start3A_1333, %dma_start3A_1334] : memref<10248x128xf32, #tpu.memory_space<vmem_shared>> -> memref<10248x128xf32, #tpu.memory_space<vmem_shared>>
        tpu.enqueue_indirect_dma source(%arg19 : memref<80x128xf32, #tpu.memory_space<vmem>>) target(%dma_start3A_1335 : memref<10248x128xf32, #tpu.memory_space<vmem_shared>>) offsets(%arg9 : memref<80xi32, #tpu.memory_space<vmem>>) semaphore(%run_scoped3A : memref<!tpu.dma_semaphore, #tpu.memory_space<semaphore_mem>>) {add = true}
        %dma_wait3A_1336 = arith.constant 0 : i32
        %dma_wait3A_1337 = arith.constant 0 : i32
        %dma_wait3A_1338 = tpu.memref_slice %arg23[%dma_wait3A_1336, %dma_wait3A_1337] : memref<10248x128xf32, #tpu.memory_space<vmem_shared>> -> memref<10248x128xf32, #tpu.memory_space<vmem_shared>>
        tpu.wait_indirect_dma semaphore(%run_scoped3A : memref<!tpu.dma_semaphore, #tpu.memory_space<semaphore_mem>>) src(%arg19 : memref<80x128xf32, #tpu.memory_space<vmem>>) dst(%dma_wait3A_1338 : memref<10248x128xf32, #tpu.memory_space<vmem_shared>>)
        tpu.yield
      }) : () -> ()
      %add3A_1228 = arith.constant 4 : i32
      %add3A_1229 = arith.addi %add3A_1224, %add3A_1228 : i32
      %mul3A_1230 = arith.constant 80 : i32
      %mul3A_1231 = arith.muli %add3A_1229, %mul3A_1230 : i32
      %add3A_1232 = arith.addi %mul3A_4, %mul3A_1231 : i32
      %dma_start3A_1233 = tpu.memref_slice %arg3[%add3A_1232] : memref<640000xi32, #tpu.memory_space<hbm>> -> memref<80xi32, #tpu.memory_space<hbm>>
      %dma_start3A_1234 = tpu.memref_slice %arg3[%add3A_1232] : memref<640000xi32, #tpu.memory_space<hbm>> -> memref<80xi32, #tpu.memory_space<hbm>>
      tpu.enqueue_dma source(%dma_start3A_1234 : memref<80xi32, #tpu.memory_space<hbm>>) target(%arg5 : memref<80xi32, #tpu.memory_space<vmem>>) target_semaphore(%arg28 : memref<!tpu.dma_semaphore, #tpu.memory_space<semaphore_mem>>)
      %add3A_1235 = arith.constant 320000 : i32
      %add3A_1236 = arith.addi %add3A_1235, %mul3A_4 : i32
      %mul3A_1237 = arith.constant 80 : i32
      %mul3A_1238 = arith.muli %add3A_1229, %mul3A_1237 : i32
      %add3A_1239 = arith.addi %add3A_1236, %mul3A_1238 : i32
      %dma_start3A_1240 = tpu.memref_slice %arg3[%add3A_1239] : memref<640000xi32, #tpu.memory_space<hbm>> -> memref<80xi32, #tpu.memory_space<hbm>>
      %dma_start3A_1241 = tpu.memref_slice %arg3[%add3A_1239] : memref<640000xi32, #tpu.memory_space<hbm>> -> memref<80xi32, #tpu.memory_space<hbm>>
      tpu.enqueue_dma source(%dma_start3A_1241 : memref<80xi32, #tpu.memory_space<hbm>>) target(%arg9 : memref<80xi32, #tpu.memory_space<vmem>>) target_semaphore(%arg28 : memref<!tpu.dma_semaphore, #tpu.memory_space<semaphore_mem>>)
      %add3A_1242 = arith.constant 3 : i32
      %add3A_1243 = arith.addi %add3A_1224, %add3A_1242 : i32
      %mul3A_1244 = arith.constant 80 : i32
      %mul3A_1245 = arith.muli %add3A_1243, %mul3A_1244 : i32
      %add3A_1246 = arith.addi %mul3A_4, %mul3A_1245 : i32
      %dma_wait3A_1247 = tpu.memref_slice %arg3[%add3A_1246] : memref<640000xi32, #tpu.memory_space<hbm>> -> memref<80xi32, #tpu.memory_space<hbm>>
      %dma_wait3A_1248 = tpu.memref_slice %arg3[%add3A_1246] : memref<640000xi32, #tpu.memory_space<hbm>> -> memref<80xi32, #tpu.memory_space<hbm>>
      tpu.wait_dma2 semaphore(%arg31 : memref<!tpu.dma_semaphore, #tpu.memory_space<semaphore_mem>>) src(%dma_wait3A_1248 : memref<80xi32, #tpu.memory_space<hbm>>) dst(%arg8 : memref<80xi32, #tpu.memory_space<vmem>>)
      %add3A_1249 = arith.constant 320000 : i32
      %add3A_1250 = arith.addi %add3A_1249, %mul3A_4 : i32
      %mul3A_1251 = arith.constant 80 : i32
      %mul3A_1252 = arith.muli %add3A_1243, %mul3A_1251 : i32
      %add3A_1253 = arith.addi %add3A_1250, %mul3A_1252 : i32
      %dma_wait3A_1254 = tpu.memref_slice %arg3[%add3A_1253] : memref<640000xi32, #tpu.memory_space<hbm>> -> memref<80xi32, #tpu.memory_space<hbm>>
      %dma_wait3A_1255 = tpu.memref_slice %arg3[%add3A_1253] : memref<640000xi32, #tpu.memory_space<hbm>> -> memref<80xi32, #tpu.memory_space<hbm>>
      tpu.wait_dma2 semaphore(%arg31 : memref<!tpu.dma_semaphore, #tpu.memory_space<semaphore_mem>>) src(%dma_wait3A_1255 : memref<80xi32, #tpu.memory_space<hbm>>) dst(%arg12 : memref<80xi32, #tpu.memory_space<vmem>>)
      %dma_start3A_1256 = arith.constant 0 : i32
      %dma_start3A_1257 = arith.constant 0 : i32
      %dma_start3A_1258 = tpu.memref_slice %arg2[%dma_start3A_1256, %dma_start3A_1257] : memref<10000x128xf32, #tpu.memory_space<hbm>> -> memref<10000x128xf32, #tpu.memory_space<hbm>>
      tpu.enqueue_indirect_dma source(%dma_start3A_1258 : memref<10000x128xf32, #tpu.memory_space<hbm>>) target(%arg22 : memref<80x128xf32, #tpu.memory_space<vmem>>) offsets(%arg8 : memref<80xi32, #tpu.memory_space<vmem>>) semaphore(%arg27 : memref<!tpu.dma_semaphore, #tpu.memory_space<semaphore_mem>>)
      %mul3A_1259 = arith.constant 4 : i32
      %mul3A_1260 = arith.muli %mul3A_1259, %scan3A_1219 : i32
      %add3A_1261 = arith.constant 1 : i32
      %add3A_1262 = arith.addi %mul3A_1260, %add3A_1261 : i32
      %dma_wait3A_1263 = arith.constant 0 : i32
      %dma_wait3A_1264 = arith.constant 0 : i32
      %dma_wait3A_1265 = tpu.memref_slice %arg2[%dma_wait3A_1263, %dma_wait3A_1264] : memref<10000x128xf32, #tpu.memory_space<hbm>> -> memref<10000x128xf32, #tpu.memory_space<hbm>>
      tpu.wait_indirect_dma semaphore(%arg25 : memref<!tpu.dma_semaphore, #tpu.memory_space<semaphore_mem>>) src(%dma_wait3A_1265 : memref<10000x128xf32, #tpu.memory_space<hbm>>) dst(%arg20 : memref<80x128xf32, #tpu.memory_space<vmem>>)
      "tpu.region"() ({
        %run_scoped3A = tpu.sem_alloc : memref<!tpu.dma_semaphore, #tpu.memory_space<semaphore_mem>>
        %dma_start3A_1333 = arith.constant 0 : i32
        %dma_start3A_1334 = arith.constant 0 : i32
        %dma_start3A_1335 = tpu.memref_slice %arg23[%dma_start3A_1333, %dma_start3A_1334] : memref<10248x128xf32, #tpu.memory_space<vmem_shared>> -> memref<10248x128xf32, #tpu.memory_space<vmem_shared>>
        tpu.enqueue_indirect_dma source(%arg20 : memref<80x128xf32, #tpu.memory_space<vmem>>) target(%dma_start3A_1335 : memref<10248x128xf32, #tpu.memory_space<vmem_shared>>) offsets(%arg10 : memref<80xi32, #tpu.memory_space<vmem>>) semaphore(%run_scoped3A : memref<!tpu.dma_semaphore, #tpu.memory_space<semaphore_mem>>) {add = true}
        %dma_wait3A_1336 = arith.constant 0 : i32
        %dma_wait3A_1337 = arith.constant 0 : i32
        %dma_wait3A_1338 = tpu.memref_slice %arg23[%dma_wait3A_1336, %dma_wait3A_1337] : memref<10248x128xf32, #tpu.memory_space<vmem_shared>> -> memref<10248x128xf32, #tpu.memory_space<vmem_shared>>
        tpu.wait_indirect_dma semaphore(%run_scoped3A : memref<!tpu.dma_semaphore, #tpu.memory_space<semaphore_mem>>) src(%arg20 : memref<80x128xf32, #tpu.memory_space<vmem>>) dst(%dma_wait3A_1338 : memref<10248x128xf32, #tpu.memory_space<vmem_shared>>)
        tpu.yield
      }) : () -> ()
      %lt3A_1266 = arith.constant 30 : i32
      %lt3A_1267 = arith.cmpi slt, %scan3A_1219, %lt3A_1266 : i32
      %convert_element_type3A_1268 = arith.extui %lt3A_1267 : i1 to i32
      %cond3A_1269 = arith.constant 0 : i32
      %cond3A_1270 = arith.cmpi ne, %convert_element_type3A_1268, %cond3A_1269 : i32
      scf.if %cond3A_1270 {
        %add3A_1333 = arith.constant 4 : i32
        %add3A_1334 = arith.addi %add3A_1262, %add3A_1333 : i32
        %mul3A_1335 = arith.constant 80 : i32
        %mul3A_1336 = arith.muli %add3A_1334, %mul3A_1335 : i32
        %add3A_1337 = arith.addi %mul3A_4, %mul3A_1336 : i32
        %dma_start3A_1338 = tpu.memref_slice %arg3[%add3A_1337] : memref<640000xi32, #tpu.memory_space<hbm>> -> memref<80xi32, #tpu.memory_space<hbm>>
        %dma_start3A_1339 = tpu.memref_slice %arg3[%add3A_1337] : memref<640000xi32, #tpu.memory_space<hbm>> -> memref<80xi32, #tpu.memory_space<hbm>>
        tpu.enqueue_dma source(%dma_start3A_1339 : memref<80xi32, #tpu.memory_space<hbm>>) target(%arg6 : memref<80xi32, #tpu.memory_space<vmem>>) target_semaphore(%arg29 : memref<!tpu.dma_semaphore, #tpu.memory_space<semaphore_mem>>)
        %add3A_1340 = arith.constant 320000 : i32
        %add3A_1341 = arith.addi %add3A_1340, %mul3A_4 : i32
        %mul3A_1342 = arith.constant 80 : i32
        %mul3A_1343 = arith.muli %add3A_1334, %mul3A_1342 : i32
        %add3A_1344 = arith.addi %add3A_1341, %mul3A_1343 : i32
        %dma_start3A_1345 = tpu.memref_slice %arg3[%add3A_1344] : memref<640000xi32, #tpu.memory_space<hbm>> -> memref<80xi32, #tpu.memory_space<hbm>>
        %dma_start3A_1346 = tpu.memref_slice %arg3[%add3A_1344] : memref<640000xi32, #tpu.memory_space<hbm>> -> memref<80xi32, #tpu.memory_space<hbm>>
        tpu.enqueue_dma source(%dma_start3A_1346 : memref<80xi32, #tpu.memory_space<hbm>>) target(%arg10 : memref<80xi32, #tpu.memory_space<vmem>>) target_semaphore(%arg29 : memref<!tpu.dma_semaphore, #tpu.memory_space<semaphore_mem>>)
      } else {
      }
      %add3A_1271 = arith.constant 3 : i32
      %add3A_1272 = arith.addi %add3A_1262, %add3A_1271 : i32
      %mul3A_1273 = arith.constant 80 : i32
      %mul3A_1274 = arith.muli %add3A_1272, %mul3A_1273 : i32
      %add3A_1275 = arith.addi %mul3A_4, %mul3A_1274 : i32
      %dma_wait3A_1276 = tpu.memref_slice %arg3[%add3A_1275] : memref<640000xi32, #tpu.memory_space<hbm>> -> memref<80xi32, #tpu.memory_space<hbm>>
      %dma_wait3A_1277 = tpu.memref_slice %arg3[%add3A_1275] : memref<640000xi32, #tpu.memory_space<hbm>> -> memref<80xi32, #tpu.memory_space<hbm>>
      tpu.wait_dma2 semaphore(%arg28 : memref<!tpu.dma_semaphore, #tpu.memory_space<semaphore_mem>>) src(%dma_wait3A_1277 : memref<80xi32, #tpu.memory_space<hbm>>) dst(%arg5 : memref<80xi32, #tpu.memory_space<vmem>>)
      %add3A_1278 = arith.constant 320000 : i32
      %add3A_1279 = arith.addi %add3A_1278, %mul3A_4 : i32
      %mul3A_1280 = arith.constant 80 : i32
      %mul3A_1281 = arith.muli %add3A_1272, %mul3A_1280 : i32
      %add3A_1282 = arith.addi %add3A_1279, %mul3A_1281 : i32
      %dma_wait3A_1283 = tpu.memref_slice %arg3[%add3A_1282] : memref<640000xi32, #tpu.memory_space<hbm>> -> memref<80xi32, #tpu.memory_space<hbm>>
      %dma_wait3A_1284 = tpu.memref_slice %arg3[%add3A_1282] : memref<640000xi32, #tpu.memory_space<hbm>> -> memref<80xi32, #tpu.memory_space<hbm>>
      tpu.wait_dma2 semaphore(%arg28 : memref<!tpu.dma_semaphore, #tpu.memory_space<semaphore_mem>>) src(%dma_wait3A_1284 : memref<80xi32, #tpu.memory_space<hbm>>) dst(%arg9 : memref<80xi32, #tpu.memory_space<vmem>>)
      %dma_start3A_1285 = arith.constant 0 : i32
      %dma_start3A_1286 = arith.constant 0 : i32
      %dma_start3A_1287 = tpu.memref_slice %arg2[%dma_start3A_1285, %dma_start3A_1286] : memref<10000x128xf32, #tpu.memory_space<hbm>> -> memref<10000x128xf32, #tpu.memory_space<hbm>>
      tpu.enqueue_indirect_dma source(%dma_start3A_1287 : memref<10000x128xf32, #tpu.memory_space<hbm>>) target(%arg19 : memref<80x128xf32, #tpu.memory_space<vmem>>) offsets(%arg5 : memref<80xi32, #tpu.memory_space<vmem>>) semaphore(%arg24 : memref<!tpu.dma_semaphore, #tpu.memory_space<semaphore_mem>>)
      %mul3A_1288 = arith.constant 4 : i32
      %mul3A_1289 = arith.muli %mul3A_1288, %scan3A_1219 : i32
      %add3A_1290 = arith.constant 2 : i32
      %add3A_1291 = arith.addi %mul3A_1289, %add3A_1290 : i32
      %dma_wait3A_1292 = arith.constant 0 : i32
      %dma_wait3A_1293 = arith.constant 0 : i32
      %dma_wait3A_1294 = tpu.memref_slice %arg2[%dma_wait3A_1292, %dma_wait3A_1293] : memref<10000x128xf32, #tpu.memory_space<hbm>> -> memref<10000x128xf32, #tpu.memory_space<hbm>>
      tpu.wait_indirect_dma semaphore(%arg26 : memref<!tpu.dma_semaphore, #tpu.memory_space<semaphore_mem>>) src(%dma_wait3A_1294 : memref<10000x128xf32, #tpu.memory_space<hbm>>) dst(%arg21 : memref<80x128xf32, #tpu.memory_space<vmem>>)
      "tpu.region"() ({
        %run_scoped3A = tpu.sem_alloc : memref<!tpu.dma_semaphore, #tpu.memory_space<semaphore_mem>>
        %dma_start3A_1333 = arith.constant 0 : i32
        %dma_start3A_1334 = arith.constant 0 : i32
        %dma_start3A_1335 = tpu.memref_slice %arg23[%dma_start3A_1333, %dma_start3A_1334] : memref<10248x128xf32, #tpu.memory_space<vmem_shared>> -> memref<10248x128xf32, #tpu.memory_space<vmem_shared>>
        tpu.enqueue_indirect_dma source(%arg21 : memref<80x128xf32, #tpu.memory_space<vmem>>) target(%dma_start3A_1335 : memref<10248x128xf32, #tpu.memory_space<vmem_shared>>) offsets(%arg11 : memref<80xi32, #tpu.memory_space<vmem>>) semaphore(%run_scoped3A : memref<!tpu.dma_semaphore, #tpu.memory_space<semaphore_mem>>) {add = true}
        %dma_wait3A_1336 = arith.constant 0 : i32
        %dma_wait3A_1337 = arith.constant 0 : i32
        %dma_wait3A_1338 = tpu.memref_slice %arg23[%dma_wait3A_1336, %dma_wait3A_1337] : memref<10248x128xf32, #tpu.memory_space<vmem_shared>> -> memref<10248x128xf32, #tpu.memory_space<vmem_shared>>
        tpu.wait_indirect_dma semaphore(%run_scoped3A : memref<!tpu.dma_semaphore, #tpu.memory_space<semaphore_mem>>) src(%arg21 : memref<80x128xf32, #tpu.memory_space<vmem>>) dst(%dma_wait3A_1338 : memref<10248x128xf32, #tpu.memory_space<vmem_shared>>)
        tpu.yield
      }) : () -> ()
      %lt3A_1295 = arith.constant 30 : i32
      %lt3A_1296 = arith.cmpi slt, %scan3A_1219, %lt3A_1295 : i32
      %convert_element_type3A_1297 = arith.extui %lt3A_1296 : i1 to i32
      %cond3A_1298 = arith.constant 0 : i32
      %cond3A_1299 = arith.cmpi ne, %convert_element_type3A_1297, %cond3A_1298 : i32
      scf.if %cond3A_1299 {
        %add3A_1333 = arith.constant 4 : i32
        %add3A_1334 = arith.addi %add3A_1291, %add3A_1333 : i32
        %mul3A_1335 = arith.constant 80 : i32
        %mul3A_1336 = arith.muli %add3A_1334, %mul3A_1335 : i32
        %add3A_1337 = arith.addi %mul3A_4, %mul3A_1336 : i32
        %dma_start3A_1338 = tpu.memref_slice %arg3[%add3A_1337] : memref<640000xi32, #tpu.memory_space<hbm>> -> memref<80xi32, #tpu.memory_space<hbm>>
        %dma_start3A_1339 = tpu.memref_slice %arg3[%add3A_1337] : memref<640000xi32, #tpu.memory_space<hbm>> -> memref<80xi32, #tpu.memory_space<hbm>>
        tpu.enqueue_dma source(%dma_start3A_1339 : memref<80xi32, #tpu.memory_space<hbm>>) target(%arg7 : memref<80xi32, #tpu.memory_space<vmem>>) target_semaphore(%arg30 : memref<!tpu.dma_semaphore, #tpu.memory_space<semaphore_mem>>)
        %add3A_1340 = arith.constant 320000 : i32
        %add3A_1341 = arith.addi %add3A_1340, %mul3A_4 : i32
        %mul3A_1342 = arith.constant 80 : i32
        %mul3A_1343 = arith.muli %add3A_1334, %mul3A_1342 : i32
        %add3A_1344 = arith.addi %add3A_1341, %mul3A_1343 : i32
        %dma_start3A_1345 = tpu.memref_slice %arg3[%add3A_1344] : memref<640000xi32, #tpu.memory_space<hbm>> -> memref<80xi32, #tpu.memory_space<hbm>>
        %dma_start3A_1346 = tpu.memref_slice %arg3[%add3A_1344] : memref<640000xi32, #tpu.memory_space<hbm>> -> memref<80xi32, #tpu.memory_space<hbm>>
        tpu.enqueue_dma source(%dma_start3A_1346 : memref<80xi32, #tpu.memory_space<hbm>>) target(%arg11 : memref<80xi32, #tpu.memory_space<vmem>>) target_semaphore(%arg30 : memref<!tpu.dma_semaphore, #tpu.memory_space<semaphore_mem>>)
      } else {
      }
      %lt3A_1300 = arith.constant 30 : i32
      %lt3A_1301 = arith.cmpi slt, %scan3A_1219, %lt3A_1300 : i32
      %convert_element_type3A_1302 = arith.extui %lt3A_1301 : i1 to i32
      %cond3A_1303 = arith.constant 0 : i32
      %cond3A_1304 = arith.cmpi ne, %convert_element_type3A_1302, %cond3A_1303 : i32
      scf.if %cond3A_1304 {
        %add3A_1333 = arith.constant 3 : i32
        %add3A_1334 = arith.addi %add3A_1291, %add3A_1333 : i32
        %mul3A_1335 = arith.constant 80 : i32
        %mul3A_1336 = arith.muli %add3A_1334, %mul3A_1335 : i32
        %add3A_1337 = arith.addi %mul3A_4, %mul3A_1336 : i32
        %dma_wait3A_1338 = tpu.memref_slice %arg3[%add3A_1337] : memref<640000xi32, #tpu.memory_space<hbm>> -> memref<80xi32, #tpu.memory_space<hbm>>
        %dma_wait3A_1339 = tpu.memref_slice %arg3[%add3A_1337] : memref<640000xi32, #tpu.memory_space<hbm>> -> memref<80xi32, #tpu.memory_space<hbm>>
        tpu.wait_dma2 semaphore(%arg29 : memref<!tpu.dma_semaphore, #tpu.memory_space<semaphore_mem>>) src(%dma_wait3A_1339 : memref<80xi32, #tpu.memory_space<hbm>>) dst(%arg6 : memref<80xi32, #tpu.memory_space<vmem>>)
        %add3A_1340 = arith.constant 320000 : i32
        %add3A_1341 = arith.addi %add3A_1340, %mul3A_4 : i32
        %mul3A_1342 = arith.constant 80 : i32
        %mul3A_1343 = arith.muli %add3A_1334, %mul3A_1342 : i32
        %add3A_1344 = arith.addi %add3A_1341, %mul3A_1343 : i32
        %dma_wait3A_1345 = tpu.memref_slice %arg3[%add3A_1344] : memref<640000xi32, #tpu.memory_space<hbm>> -> memref<80xi32, #tpu.memory_space<hbm>>
        %dma_wait3A_1346 = tpu.memref_slice %arg3[%add3A_1344] : memref<640000xi32, #tpu.memory_space<hbm>> -> memref<80xi32, #tpu.memory_space<hbm>>
        tpu.wait_dma2 semaphore(%arg29 : memref<!tpu.dma_semaphore, #tpu.memory_space<semaphore_mem>>) src(%dma_wait3A_1346 : memref<80xi32, #tpu.memory_space<hbm>>) dst(%arg10 : memref<80xi32, #tpu.memory_space<vmem>>)
        %dma_start3A_1347 = arith.constant 0 : i32
        %dma_start3A_1348 = arith.constant 0 : i32
        %dma_start3A_1349 = tpu.memref_slice %arg2[%dma_start3A_1347, %dma_start3A_1348] : memref<10000x128xf32, #tpu.memory_space<hbm>> -> memref<10000x128xf32, #tpu.memory_space<hbm>>
        tpu.enqueue_indirect_dma source(%dma_start3A_1349 : memref<10000x128xf32, #tpu.memory_space<hbm>>) target(%arg20 : memref<80x128xf32, #tpu.memory_space<vmem>>) offsets(%arg6 : memref<80xi32, #tpu.memory_space<vmem>>) semaphore(%arg25 : memref<!tpu.dma_semaphore, #tpu.memory_space<semaphore_mem>>)
      } else {
      }
      %eq3A_1305 = arith.constant 30 : i32
      %eq3A_1306 = arith.cmpi eq, %scan3A_1219, %eq3A_1305 : i32
      %convert_element_type3A_1307 = arith.extui %eq3A_1306 : i1 to i32
      %cond3A_1308 = arith.constant 0 : i32
      %cond3A_1309 = arith.cmpi ne, %convert_element_type3A_1307, %cond3A_1308 : i32
      scf.if %cond3A_1309 {
        %dma_start3A_1333 = arith.constant 0 : i32
        %dma_start3A_1334 = arith.constant 0 : i32
        %dma_start3A_1335 = tpu.memref_slice %arg2[%dma_start3A_1333, %dma_start3A_1334] : memref<10000x128xf32, #tpu.memory_space<hbm>> -> memref<10000x128xf32, #tpu.memory_space<hbm>>
        tpu.enqueue_indirect_dma source(%dma_start3A_1335 : memref<10000x128xf32, #tpu.memory_space<hbm>>) target(%arg20 : memref<80x128xf32, #tpu.memory_space<vmem>>) offsets(%arg13 : memref<80xi32, #tpu.memory_space<vmem>>) semaphore(%arg25 : memref<!tpu.dma_semaphore, #tpu.memory_space<semaphore_mem>>)
      } else {
      }
      %mul3A_1310 = arith.constant 4 : i32
      %mul3A_1311 = arith.muli %mul3A_1310, %scan3A_1219 : i32
      %add3A_1312 = arith.constant 3 : i32
      %add3A_1313 = arith.addi %mul3A_1311, %add3A_1312 : i32
      %dma_wait3A_1314 = arith.constant 0 : i32
      %dma_wait3A_1315 = arith.constant 0 : i32
      %dma_wait3A_1316 = tpu.memref_slice %arg2[%dma_wait3A_1314, %dma_wait3A_1315] : memref<10000x128xf32, #tpu.memory_space<hbm>> -> memref<10000x128xf32, #tpu.memory_space<hbm>>
      tpu.wait_indirect_dma semaphore(%arg27 : memref<!tpu.dma_semaphore, #tpu.memory_space<semaphore_mem>>) src(%dma_wait3A_1316 : memref<10000x128xf32, #tpu.memory_space<hbm>>) dst(%arg22 : memref<80x128xf32, #tpu.memory_space<vmem>>)
      "tpu.region"() ({
        %run_scoped3A = tpu.sem_alloc : memref<!tpu.dma_semaphore, #tpu.memory_space<semaphore_mem>>
        %dma_start3A_1333 = arith.constant 0 : i32
        %dma_start3A_1334 = arith.constant 0 : i32
        %dma_start3A_1335 = tpu.memref_slice %arg23[%dma_start3A_1333, %dma_start3A_1334] : memref<10248x128xf32, #tpu.memory_space<vmem_shared>> -> memref<10248x128xf32, #tpu.memory_space<vmem_shared>>
        tpu.enqueue_indirect_dma source(%arg22 : memref<80x128xf32, #tpu.memory_space<vmem>>) target(%dma_start3A_1335 : memref<10248x128xf32, #tpu.memory_space<vmem_shared>>) offsets(%arg12 : memref<80xi32, #tpu.memory_space<vmem>>) semaphore(%run_scoped3A : memref<!tpu.dma_semaphore, #tpu.memory_space<semaphore_mem>>) {add = true}
        %dma_wait3A_1336 = arith.constant 0 : i32
        %dma_wait3A_1337 = arith.constant 0 : i32
        %dma_wait3A_1338 = tpu.memref_slice %arg23[%dma_wait3A_1336, %dma_wait3A_1337] : memref<10248x128xf32, #tpu.memory_space<vmem_shared>> -> memref<10248x128xf32, #tpu.memory_space<vmem_shared>>
        tpu.wait_indirect_dma semaphore(%run_scoped3A : memref<!tpu.dma_semaphore, #tpu.memory_space<semaphore_mem>>) src(%arg22 : memref<80x128xf32, #tpu.memory_space<vmem>>) dst(%dma_wait3A_1338 : memref<10248x128xf32, #tpu.memory_space<vmem_shared>>)
        tpu.yield
      }) : () -> ()
      %lt3A_1317 = arith.constant 30 : i32
      %lt3A_1318 = arith.cmpi slt, %scan3A_1219, %lt3A_1317 : i32
      %convert_element_type3A_1319 = arith.extui %lt3A_1318 : i1 to i32
      %cond3A_1320 = arith.constant 0 : i32
      %cond3A_1321 = arith.cmpi ne, %convert_element_type3A_1319, %cond3A_1320 : i32
      scf.if %cond3A_1321 {
        %add3A_1333 = arith.constant 4 : i32
        %add3A_1334 = arith.addi %add3A_1313, %add3A_1333 : i32
        %mul3A_1335 = arith.constant 80 : i32
        %mul3A_1336 = arith.muli %add3A_1334, %mul3A_1335 : i32
        %add3A_1337 = arith.addi %mul3A_4, %mul3A_1336 : i32
        %dma_start3A_1338 = tpu.memref_slice %arg3[%add3A_1337] : memref<640000xi32, #tpu.memory_space<hbm>> -> memref<80xi32, #tpu.memory_space<hbm>>
        %dma_start3A_1339 = tpu.memref_slice %arg3[%add3A_1337] : memref<640000xi32, #tpu.memory_space<hbm>> -> memref<80xi32, #tpu.memory_space<hbm>>
        tpu.enqueue_dma source(%dma_start3A_1339 : memref<80xi32, #tpu.memory_space<hbm>>) target(%arg8 : memref<80xi32, #tpu.memory_space<vmem>>) target_semaphore(%arg31 : memref<!tpu.dma_semaphore, #tpu.memory_space<semaphore_mem>>)
        %add3A_1340 = arith.constant 320000 : i32
        %add3A_1341 = arith.addi %add3A_1340, %mul3A_4 : i32
        %mul3A_1342 = arith.constant 80 : i32
        %mul3A_1343 = arith.muli %add3A_1334, %mul3A_1342 : i32
        %add3A_1344 = arith.addi %add3A_1341, %mul3A_1343 : i32
        %dma_start3A_1345 = tpu.memref_slice %arg3[%add3A_1344] : memref<640000xi32, #tpu.memory_space<hbm>> -> memref<80xi32, #tpu.memory_space<hbm>>
        %dma_start3A_1346 = tpu.memref_slice %arg3[%add3A_1344] : memref<640000xi32, #tpu.memory_space<hbm>> -> memref<80xi32, #tpu.memory_space<hbm>>
        tpu.enqueue_dma source(%dma_start3A_1346 : memref<80xi32, #tpu.memory_space<hbm>>) target(%arg12 : memref<80xi32, #tpu.memory_space<vmem>>) target_semaphore(%arg31 : memref<!tpu.dma_semaphore, #tpu.memory_space<semaphore_mem>>)
      } else {
      }
      %lt3A_1322 = arith.constant 30 : i32
      %lt3A_1323 = arith.cmpi slt, %scan3A_1219, %lt3A_1322 : i32
      %convert_element_type3A_1324 = arith.extui %lt3A_1323 : i1 to i32
      %cond3A_1325 = arith.constant 0 : i32
      %cond3A_1326 = arith.cmpi ne, %convert_element_type3A_1324, %cond3A_1325 : i32
      scf.if %cond3A_1326 {
        %add3A_1333 = arith.constant 3 : i32
        %add3A_1334 = arith.addi %add3A_1313, %add3A_1333 : i32
        %mul3A_1335 = arith.constant 80 : i32
        %mul3A_1336 = arith.muli %add3A_1334, %mul3A_1335 : i32
        %add3A_1337 = arith.addi %mul3A_4, %mul3A_1336 : i32
        %dma_wait3A_1338 = tpu.memref_slice %arg3[%add3A_1337] : memref<640000xi32, #tpu.memory_space<hbm>> -> memref<80xi32, #tpu.memory_space<hbm>>
        %dma_wait3A_1339 = tpu.memref_slice %arg3[%add3A_1337] : memref<640000xi32, #tpu.memory_space<hbm>> -> memref<80xi32, #tpu.memory_space<hbm>>
        tpu.wait_dma2 semaphore(%arg30 : memref<!tpu.dma_semaphore, #tpu.memory_space<semaphore_mem>>) src(%dma_wait3A_1339 : memref<80xi32, #tpu.memory_space<hbm>>) dst(%arg7 : memref<80xi32, #tpu.memory_space<vmem>>)
        %add3A_1340 = arith.constant 320000 : i32
        %add3A_1341 = arith.addi %add3A_1340, %mul3A_4 : i32
        %mul3A_1342 = arith.constant 80 : i32
        %mul3A_1343 = arith.muli %add3A_1334, %mul3A_1342 : i32
        %add3A_1344 = arith.addi %add3A_1341, %mul3A_1343 : i32
        %dma_wait3A_1345 = tpu.memref_slice %arg3[%add3A_1344] : memref<640000xi32, #tpu.memory_space<hbm>> -> memref<80xi32, #tpu.memory_space<hbm>>
        %dma_wait3A_1346 = tpu.memref_slice %arg3[%add3A_1344] : memref<640000xi32, #tpu.memory_space<hbm>> -> memref<80xi32, #tpu.memory_space<hbm>>
        tpu.wait_dma2 semaphore(%arg30 : memref<!tpu.dma_semaphore, #tpu.memory_space<semaphore_mem>>) src(%dma_wait3A_1346 : memref<80xi32, #tpu.memory_space<hbm>>) dst(%arg11 : memref<80xi32, #tpu.memory_space<vmem>>)
        %dma_start3A_1347 = arith.constant 0 : i32
        %dma_start3A_1348 = arith.constant 0 : i32
        %dma_start3A_1349 = tpu.memref_slice %arg2[%dma_start3A_1347, %dma_start3A_1348] : memref<10000x128xf32, #tpu.memory_space<hbm>> -> memref<10000x128xf32, #tpu.memory_space<hbm>>
        tpu.enqueue_indirect_dma source(%dma_start3A_1349 : memref<10000x128xf32, #tpu.memory_space<hbm>>) target(%arg21 : memref<80x128xf32, #tpu.memory_space<vmem>>) offsets(%arg7 : memref<80xi32, #tpu.memory_space<vmem>>) semaphore(%arg26 : memref<!tpu.dma_semaphore, #tpu.memory_space<semaphore_mem>>)
      } else {
      }
      %eq3A_1327 = arith.constant 30 : i32
      %eq3A_1328 = arith.cmpi eq, %scan3A_1219, %eq3A_1327 : i32
      %convert_element_type3A_1329 = arith.extui %eq3A_1328 : i1 to i32
      %cond3A_1330 = arith.constant 0 : i32
      %cond3A_1331 = arith.cmpi ne, %convert_element_type3A_1329, %cond3A_1330 : i32
      scf.if %cond3A_1331 {
        %dma_start3A_1333 = arith.constant 0 : i32
        %dma_start3A_1334 = arith.constant 0 : i32
        %dma_start3A_1335 = tpu.memref_slice %arg2[%dma_start3A_1333, %dma_start3A_1334] : memref<10000x128xf32, #tpu.memory_space<hbm>> -> memref<10000x128xf32, #tpu.memory_space<hbm>>
        tpu.enqueue_indirect_dma source(%dma_start3A_1335 : memref<10000x128xf32, #tpu.memory_space<hbm>>) target(%arg21 : memref<80x128xf32, #tpu.memory_space<vmem>>) offsets(%arg14 : memref<80xi32, #tpu.memory_space<vmem>>) semaphore(%arg26 : memref<!tpu.dma_semaphore, #tpu.memory_space<semaphore_mem>>)
      } else {
      }
      %scan3A_1332 = arith.constant 0 : i32
      scf.yield %scan3A_1332 : i32
    }
    %scan3A_1146 = arith.constant 31 : i32
    %dma_start3A_1147 = arith.constant 0 : i32
    %dma_start3A_1148 = arith.constant 0 : i32
    %dma_start3A_1149 = tpu.memref_slice %arg2[%dma_start3A_1147, %dma_start3A_1148] : memref<10000x128xf32, #tpu.memory_space<hbm>> -> memref<10000x128xf32, #tpu.memory_space<hbm>>
    tpu.enqueue_indirect_dma source(%dma_start3A_1149 : memref<10000x128xf32, #tpu.memory_space<hbm>>) target(%arg22 : memref<80x128xf32, #tpu.memory_space<vmem>>) offsets(%arg15 : memref<80xi32, #tpu.memory_space<vmem>>) semaphore(%arg27 : memref<!tpu.dma_semaphore, #tpu.memory_space<semaphore_mem>>)
    %dma_wait3A_1150 = arith.constant 0 : i32
    %dma_wait3A_1151 = arith.constant 0 : i32
    %dma_wait3A_1152 = tpu.memref_slice %arg2[%dma_wait3A_1150, %dma_wait3A_1151] : memref<10000x128xf32, #tpu.memory_space<hbm>> -> memref<10000x128xf32, #tpu.memory_space<hbm>>
    tpu.wait_indirect_dma semaphore(%arg24 : memref<!tpu.dma_semaphore, #tpu.memory_space<semaphore_mem>>) src(%dma_wait3A_1152 : memref<10000x128xf32, #tpu.memory_space<hbm>>) dst(%arg19 : memref<80x128xf32, #tpu.memory_space<vmem>>)
    "tpu.region"() ({
      %run_scoped3A = tpu.sem_alloc : memref<!tpu.dma_semaphore, #tpu.memory_space<semaphore_mem>>
      %dma_start3A_1219 = arith.constant 0 : i32
      %dma_start3A_1220 = arith.constant 0 : i32
      %dma_start3A_1221 = tpu.memref_slice %arg23[%dma_start3A_1219, %dma_start3A_1220] : memref<10248x128xf32, #tpu.memory_space<vmem_shared>> -> memref<10248x128xf32, #tpu.memory_space<vmem_shared>>
      tpu.enqueue_indirect_dma source(%arg19 : memref<80x128xf32, #tpu.memory_space<vmem>>) target(%dma_start3A_1221 : memref<10248x128xf32, #tpu.memory_space<vmem_shared>>) offsets(%arg9 : memref<80xi32, #tpu.memory_space<vmem>>) semaphore(%run_scoped3A : memref<!tpu.dma_semaphore, #tpu.memory_space<semaphore_mem>>) {add = true}
      %dma_wait3A_1222 = arith.constant 0 : i32
      %dma_wait3A_1223 = arith.constant 0 : i32
      %dma_wait3A_1224 = tpu.memref_slice %arg23[%dma_wait3A_1222, %dma_wait3A_1223] : memref<10248x128xf32, #tpu.memory_space<vmem_shared>> -> memref<10248x128xf32, #tpu.memory_space<vmem_shared>>
      tpu.wait_indirect_dma semaphore(%run_scoped3A : memref<!tpu.dma_semaphore, #tpu.memory_space<semaphore_mem>>) src(%arg19 : memref<80x128xf32, #tpu.memory_space<vmem>>) dst(%dma_wait3A_1224 : memref<10248x128xf32, #tpu.memory_space<vmem_shared>>)
      tpu.yield
    }) : () -> ()
    %dma_wait3A_1153 = arith.constant 0 : i32
    %dma_wait3A_1154 = arith.constant 0 : i32
    %dma_wait3A_1155 = tpu.memref_slice %arg2[%dma_wait3A_1153, %dma_wait3A_1154] : memref<10000x128xf32, #tpu.memory_space<hbm>> -> memref<10000x128xf32, #tpu.memory_space<hbm>>
    tpu.wait_indirect_dma semaphore(%arg25 : memref<!tpu.dma_semaphore, #tpu.memory_space<semaphore_mem>>) src(%dma_wait3A_1155 : memref<10000x128xf32, #tpu.memory_space<hbm>>) dst(%arg20 : memref<80x128xf32, #tpu.memory_space<vmem>>)
    "tpu.region"() ({
      %run_scoped3A = tpu.sem_alloc : memref<!tpu.dma_semaphore, #tpu.memory_space<semaphore_mem>>
      %dma_start3A_1219 = arith.constant 0 : i32
      %dma_start3A_1220 = arith.constant 0 : i32
      %dma_start3A_1221 = tpu.memref_slice %arg23[%dma_start3A_1219, %dma_start3A_1220] : memref<10248x128xf32, #tpu.memory_space<vmem_shared>> -> memref<10248x128xf32, #tpu.memory_space<vmem_shared>>
      tpu.enqueue_indirect_dma source(%arg20 : memref<80x128xf32, #tpu.memory_space<vmem>>) target(%dma_start3A_1221 : memref<10248x128xf32, #tpu.memory_space<vmem_shared>>) offsets(%arg16 : memref<80xi32, #tpu.memory_space<vmem>>) semaphore(%run_scoped3A : memref<!tpu.dma_semaphore, #tpu.memory_space<semaphore_mem>>) {add = true}
      %dma_wait3A_1222 = arith.constant 0 : i32
      %dma_wait3A_1223 = arith.constant 0 : i32
      %dma_wait3A_1224 = tpu.memref_slice %arg23[%dma_wait3A_1222, %dma_wait3A_1223] : memref<10248x128xf32, #tpu.memory_space<vmem_shared>> -> memref<10248x128xf32, #tpu.memory_space<vmem_shared>>
      tpu.wait_indirect_dma semaphore(%run_scoped3A : memref<!tpu.dma_semaphore, #tpu.memory_space<semaphore_mem>>) src(%arg20 : memref<80x128xf32, #tpu.memory_space<vmem>>) dst(%dma_wait3A_1224 : memref<10248x128xf32, #tpu.memory_space<vmem_shared>>)
      tpu.yield
    }) : () -> ()
    %dma_wait3A_1156 = arith.constant 0 : i32
    %dma_wait3A_1157 = arith.constant 0 : i32
    %dma_wait3A_1158 = tpu.memref_slice %arg2[%dma_wait3A_1156, %dma_wait3A_1157] : memref<10000x128xf32, #tpu.memory_space<hbm>> -> memref<10000x128xf32, #tpu.memory_space<hbm>>
    tpu.wait_indirect_dma semaphore(%arg26 : memref<!tpu.dma_semaphore, #tpu.memory_space<semaphore_mem>>) src(%dma_wait3A_1158 : memref<10000x128xf32, #tpu.memory_space<hbm>>) dst(%arg21 : memref<80x128xf32, #tpu.memory_space<vmem>>)
    "tpu.region"() ({
      %run_scoped3A = tpu.sem_alloc : memref<!tpu.dma_semaphore, #tpu.memory_space<semaphore_mem>>
      %dma_start3A_1219 = arith.constant 0 : i32
      %dma_start3A_1220 = arith.constant 0 : i32
      %dma_start3A_1221 = tpu.memref_slice %arg23[%dma_start3A_1219, %dma_start3A_1220] : memref<10248x128xf32, #tpu.memory_space<vmem_shared>> -> memref<10248x128xf32, #tpu.memory_space<vmem_shared>>
      tpu.enqueue_indirect_dma source(%arg21 : memref<80x128xf32, #tpu.memory_space<vmem>>) target(%dma_start3A_1221 : memref<10248x128xf32, #tpu.memory_space<vmem_shared>>) offsets(%arg17 : memref<80xi32, #tpu.memory_space<vmem>>) semaphore(%run_scoped3A : memref<!tpu.dma_semaphore, #tpu.memory_space<semaphore_mem>>) {add = true}
      %dma_wait3A_1222 = arith.constant 0 : i32
      %dma_wait3A_1223 = arith.constant 0 : i32
      %dma_wait3A_1224 = tpu.memref_slice %arg23[%dma_wait3A_1222, %dma_wait3A_1223] : memref<10248x128xf32, #tpu.memory_space<vmem_shared>> -> memref<10248x128xf32, #tpu.memory_space<vmem_shared>>
      tpu.wait_indirect_dma semaphore(%run_scoped3A : memref<!tpu.dma_semaphore, #tpu.memory_space<semaphore_mem>>) src(%arg21 : memref<80x128xf32, #tpu.memory_space<vmem>>) dst(%dma_wait3A_1224 : memref<10248x128xf32, #tpu.memory_space<vmem_shared>>)
      tpu.yield
    }) : () -> ()
    %dma_wait3A_1159 = arith.constant 0 : i32
    %dma_wait3A_1160 = arith.constant 0 : i32
    %dma_wait3A_1161 = tpu.memref_slice %arg2[%dma_wait3A_1159, %dma_wait3A_1160] : memref<10000x128xf32, #tpu.memory_space<hbm>> -> memref<10000x128xf32, #tpu.memory_space<hbm>>
    tpu.wait_indirect_dma semaphore(%arg27 : memref<!tpu.dma_semaphore, #tpu.memory_space<semaphore_mem>>) src(%dma_wait3A_1161 : memref<10000x128xf32, #tpu.memory_space<hbm>>) dst(%arg22 : memref<80x128xf32, #tpu.memory_space<vmem>>)
    "tpu.region"() ({
      %run_scoped3A = tpu.sem_alloc : memref<!tpu.dma_semaphore, #tpu.memory_space<semaphore_mem>>
      %dma_start3A_1219 = arith.constant 0 : i32
      %dma_start3A_1220 = arith.constant 0 : i32
      %dma_start3A_1221 = tpu.memref_slice %arg23[%dma_start3A_1219, %dma_start3A_1220] : memref<10248x128xf32, #tpu.memory_space<vmem_shared>> -> memref<10248x128xf32, #tpu.memory_space<vmem_shared>>
      tpu.enqueue_indirect_dma source(%arg22 : memref<80x128xf32, #tpu.memory_space<vmem>>) target(%dma_start3A_1221 : memref<10248x128xf32, #tpu.memory_space<vmem_shared>>) offsets(%arg18 : memref<80xi32, #tpu.memory_space<vmem>>) semaphore(%run_scoped3A : memref<!tpu.dma_semaphore, #tpu.memory_space<semaphore_mem>>) {add = true}
      %dma_wait3A_1222 = arith.constant 0 : i32
      %dma_wait3A_1223 = arith.constant 0 : i32
      %dma_wait3A_1224 = tpu.memref_slice %arg23[%dma_wait3A_1222, %dma_wait3A_1223] : memref<10248x128xf32, #tpu.memory_space<vmem_shared>> -> memref<10248x128xf32, #tpu.memory_space<vmem_shared>>
      tpu.wait_indirect_dma semaphore(%run_scoped3A : memref<!tpu.dma_semaphore, #tpu.memory_space<semaphore_mem>>) src(%arg22 : memref<80x128xf32, #tpu.memory_space<vmem>>) dst(%dma_wait3A_1224 : memref<10248x128xf32, #tpu.memory_space<vmem_shared>>)
      tpu.yield
    }) : () -> ()
    %barrier3A_1162 = arith.constant 0 : index
    tpu.barrier barrier_id(%barrier3A_1162)
    %add3A_1163 = arith.constant 0 : i32
    %add3A_1164 = arith.addi %arg1, %add3A_1163 : i32
    %lt3A_1165 = arith.constant 125 : i32
    %lt3A_1166 = arith.cmpi slt, %add3A_1164, %lt3A_1165 : i32
    %convert_element_type3A_1167 = arith.extui %lt3A_1166 : i1 to i32
    %cond3A_1168 = arith.constant 0 : i32
    %cond3A_1169 = arith.cmpi ne, %convert_element_type3A_1167, %cond3A_1168 : i32
    scf.if %cond3A_1169 {
      %mul3A_1219 = arith.constant 80 : i32
      %mul3A_1220 = arith.muli %add3A_1164, %mul3A_1219 : i32
      %mul3A_1221 = arith.constant 80 : i32
      %mul3A_1222 = arith.muli %add3A_1164, %mul3A_1221 : i32
      "tpu.region"() ({
        %run_scoped3A = tpu.sem_alloc : memref<!tpu.dma_semaphore, #tpu.memory_space<semaphore_mem>>
        %dma_start3A_1223 = arith.constant 0 : i32
        %dma_start3A_1224 = tpu.memref_slice %arg4[%arg0, %mul3A_1222, %dma_start3A_1223] : memref<2x10000x128xf32, #tpu.memory_space<hbm>> -> memref<1x80x128xf32, #tpu.memory_space<hbm>>
        %dma_start3A_1225 = tpu.memref_squeeze %dma_start3A_1224 : memref<1x80x128xf32, #tpu.memory_space<hbm>> -> memref<80x128xf32, #tpu.memory_space<hbm>>
        %dma_start3A_1226 = arith.constant 0 : i32
        %dma_start3A_1227 = tpu.memref_slice %arg23[%mul3A_1220, %dma_start3A_1226] : memref<10248x128xf32, #tpu.memory_space<vmem_shared>> -> memref<80x128xf32, #tpu.memory_space<vmem_shared>>
        tpu.enqueue_dma source(%dma_start3A_1227 : memref<80x128xf32, #tpu.memory_space<vmem_shared>>) target(%dma_start3A_1225 : memref<80x128xf32, #tpu.memory_space<hbm>>) target_semaphore(%run_scoped3A : memref<!tpu.dma_semaphore, #tpu.memory_space<semaphore_mem>>)
        %dma_wait3A_1228 = arith.constant 0 : i32
        %dma_wait3A_1229 = tpu.memref_slice %arg4[%arg0, %mul3A_1222, %dma_wait3A_1228] : memref<2x10000x128xf32, #tpu.memory_space<hbm>> -> memref<1x80x128xf32, #tpu.memory_space<hbm>>
        %dma_wait3A_1230 = tpu.memref_squeeze %dma_wait3A_1229 : memref<1x80x128xf32, #tpu.memory_space<hbm>> -> memref<80x128xf32, #tpu.memory_space<hbm>>
        %dma_wait3A_1231 = arith.constant 0 : i32
        %dma_wait3A_1232 = tpu.memref_slice %arg23[%mul3A_1220, %dma_wait3A_1231] : memref<10248x128xf32, #tpu.memory_space<vmem_shared>> -> memref<80x128xf32, #tpu.memory_space<vmem_shared>>
        tpu.wait_dma2 semaphore(%run_scoped3A : memref<!tpu.dma_semaphore, #tpu.memory_space<semaphore_mem>>) src(%dma_wait3A_1232 : memref<80x128xf32, #tpu.memory_space<vmem_shared>>) dst(%dma_wait3A_1230 : memref<80x128xf32, #tpu.memory_space<hbm>>)
        tpu.yield
      }) : () -> ()
    } else {
    }
    %add3A_1170 = arith.constant 16 : i32
    %add3A_1171 = arith.addi %arg1, %add3A_1170 : i32
    %lt3A_1172 = arith.constant 125 : i32
    %lt3A_1173 = arith.cmpi slt, %add3A_1171, %lt3A_1172 : i32
    %convert_element_type3A_1174 = arith.extui %lt3A_1173 : i1 to i32
    %cond3A_1175 = arith.constant 0 : i32
    %cond3A_1176 = arith.cmpi ne, %convert_element_type3A_1174, %cond3A_1175 : i32
    scf.if %cond3A_1176 {
      %mul3A_1219 = arith.constant 80 : i32
      %mul3A_1220 = arith.muli %add3A_1171, %mul3A_1219 : i32
      %mul3A_1221 = arith.constant 80 : i32
      %mul3A_1222 = arith.muli %add3A_1171, %mul3A_1221 : i32
      "tpu.region"() ({
        %run_scoped3A = tpu.sem_alloc : memref<!tpu.dma_semaphore, #tpu.memory_space<semaphore_mem>>
        %dma_start3A_1223 = arith.constant 0 : i32
        %dma_start3A_1224 = tpu.memref_slice %arg4[%arg0, %mul3A_1222, %dma_start3A_1223] : memref<2x10000x128xf32, #tpu.memory_space<hbm>> -> memref<1x80x128xf32, #tpu.memory_space<hbm>>
        %dma_start3A_1225 = tpu.memref_squeeze %dma_start3A_1224 : memref<1x80x128xf32, #tpu.memory_space<hbm>> -> memref<80x128xf32, #tpu.memory_space<hbm>>
        %dma_start3A_1226 = arith.constant 0 : i32
        %dma_start3A_1227 = tpu.memref_slice %arg23[%mul3A_1220, %dma_start3A_1226] : memref<10248x128xf32, #tpu.memory_space<vmem_shared>> -> memref<80x128xf32, #tpu.memory_space<vmem_shared>>
        tpu.enqueue_dma source(%dma_start3A_1227 : memref<80x128xf32, #tpu.memory_space<vmem_shared>>) target(%dma_start3A_1225 : memref<80x128xf32, #tpu.memory_space<hbm>>) target_semaphore(%run_scoped3A : memref<!tpu.dma_semaphore, #tpu.memory_space<semaphore_mem>>)
        %dma_wait3A_1228 = arith.constant 0 : i32
        %dma_wait3A_1229 = tpu.memref_slice %arg4[%arg0, %mul3A_1222, %dma_wait3A_1228] : memref<2x10000x128xf32, #tpu.memory_space<hbm>> -> memref<1x80x128xf32, #tpu.memory_space<hbm>>
        %dma_wait3A_1230 = tpu.memref_squeeze %dma_wait3A_1229 : memref<1x80x128xf32, #tpu.memory_space<hbm>> -> memref<80x128xf32, #tpu.memory_space<hbm>>
        %dma_wait3A_1231 = arith.constant 0 : i32
        %dma_wait3A_1232 = tpu.memref_slice %arg23[%mul3A_1220, %dma_wait3A_1231] : memref<10248x128xf32, #tpu.memory_space<vmem_shared>> -> memref<80x128xf32, #tpu.memory_space<vmem_shared>>
        tpu.wait_dma2 semaphore(%run_scoped3A : memref<!tpu.dma_semaphore, #tpu.memory_space<semaphore_mem>>) src(%dma_wait3A_1232 : memref<80x128xf32, #tpu.memory_space<vmem_shared>>) dst(%dma_wait3A_1230 : memref<80x128xf32, #tpu.memory_space<hbm>>)
        tpu.yield
      }) : () -> ()
    } else {
    }
    %add3A_1177 = arith.constant 32 : i32
    %add3A_1178 = arith.addi %arg1, %add3A_1177 : i32
    %lt3A_1179 = arith.constant 125 : i32
    %lt3A_1180 = arith.cmpi slt, %add3A_1178, %lt3A_1179 : i32
    %convert_element_type3A_1181 = arith.extui %lt3A_1180 : i1 to i32
    %cond3A_1182 = arith.constant 0 : i32
    %cond3A_1183 = arith.cmpi ne, %convert_element_type3A_1181, %cond3A_1182 : i32
    scf.if %cond3A_1183 {
      %mul3A_1219 = arith.constant 80 : i32
      %mul3A_1220 = arith.muli %add3A_1178, %mul3A_1219 : i32
      %mul3A_1221 = arith.constant 80 : i32
      %mul3A_1222 = arith.muli %add3A_1178, %mul3A_1221 : i32
      "tpu.region"() ({
        %run_scoped3A = tpu.sem_alloc : memref<!tpu.dma_semaphore, #tpu.memory_space<semaphore_mem>>
        %dma_start3A_1223 = arith.constant 0 : i32
        %dma_start3A_1224 = tpu.memref_slice %arg4[%arg0, %mul3A_1222, %dma_start3A_1223] : memref<2x10000x128xf32, #tpu.memory_space<hbm>> -> memref<1x80x128xf32, #tpu.memory_space<hbm>>
        %dma_start3A_1225 = tpu.memref_squeeze %dma_start3A_1224 : memref<1x80x128xf32, #tpu.memory_space<hbm>> -> memref<80x128xf32, #tpu.memory_space<hbm>>
        %dma_start3A_1226 = arith.constant 0 : i32
        %dma_start3A_1227 = tpu.memref_slice %arg23[%mul3A_1220, %dma_start3A_1226] : memref<10248x128xf32, #tpu.memory_space<vmem_shared>> -> memref<80x128xf32, #tpu.memory_space<vmem_shared>>
        tpu.enqueue_dma source(%dma_start3A_1227 : memref<80x128xf32, #tpu.memory_space<vmem_shared>>) target(%dma_start3A_1225 : memref<80x128xf32, #tpu.memory_space<hbm>>) target_semaphore(%run_scoped3A : memref<!tpu.dma_semaphore, #tpu.memory_space<semaphore_mem>>)
        %dma_wait3A_1228 = arith.constant 0 : i32
        %dma_wait3A_1229 = tpu.memref_slice %arg4[%arg0, %mul3A_1222, %dma_wait3A_1228] : memref<2x10000x128xf32, #tpu.memory_space<hbm>> -> memref<1x80x128xf32, #tpu.memory_space<hbm>>
        %dma_wait3A_1230 = tpu.memref_squeeze %dma_wait3A_1229 : memref<1x80x128xf32, #tpu.memory_space<hbm>> -> memref<80x128xf32, #tpu.memory_space<hbm>>
        %dma_wait3A_1231 = arith.constant 0 : i32
        %dma_wait3A_1232 = tpu.memref_slice %arg23[%mul3A_1220, %dma_wait3A_1231] : memref<10248x128xf32, #tpu.memory_space<vmem_shared>> -> memref<80x128xf32, #tpu.memory_space<vmem_shared>>
        tpu.wait_dma2 semaphore(%run_scoped3A : memref<!tpu.dma_semaphore, #tpu.memory_space<semaphore_mem>>) src(%dma_wait3A_1232 : memref<80x128xf32, #tpu.memory_space<vmem_shared>>) dst(%dma_wait3A_1230 : memref<80x128xf32, #tpu.memory_space<hbm>>)
        tpu.yield
      }) : () -> ()
    } else {
    }
    %add3A_1184 = arith.constant 48 : i32
    %add3A_1185 = arith.addi %arg1, %add3A_1184 : i32
    %lt3A_1186 = arith.constant 125 : i32
    %lt3A_1187 = arith.cmpi slt, %add3A_1185, %lt3A_1186 : i32
    %convert_element_type3A_1188 = arith.extui %lt3A_1187 : i1 to i32
    %cond3A_1189 = arith.constant 0 : i32
    %cond3A_1190 = arith.cmpi ne, %convert_element_type3A_1188, %cond3A_1189 : i32
    scf.if %cond3A_1190 {
      %mul3A_1219 = arith.constant 80 : i32
      %mul3A_1220 = arith.muli %add3A_1185, %mul3A_1219 : i32
      %mul3A_1221 = arith.constant 80 : i32
      %mul3A_1222 = arith.muli %add3A_1185, %mul3A_1221 : i32
      "tpu.region"() ({
        %run_scoped3A = tpu.sem_alloc : memref<!tpu.dma_semaphore, #tpu.memory_space<semaphore_mem>>
        %dma_start3A_1223 = arith.constant 0 : i32
        %dma_start3A_1224 = tpu.memref_slice %arg4[%arg0, %mul3A_1222, %dma_start3A_1223] : memref<2x10000x128xf32, #tpu.memory_space<hbm>> -> memref<1x80x128xf32, #tpu.memory_space<hbm>>
        %dma_start3A_1225 = tpu.memref_squeeze %dma_start3A_1224 : memref<1x80x128xf32, #tpu.memory_space<hbm>> -> memref<80x128xf32, #tpu.memory_space<hbm>>
        %dma_start3A_1226 = arith.constant 0 : i32
        %dma_start3A_1227 = tpu.memref_slice %arg23[%mul3A_1220, %dma_start3A_1226] : memref<10248x128xf32, #tpu.memory_space<vmem_shared>> -> memref<80x128xf32, #tpu.memory_space<vmem_shared>>
        tpu.enqueue_dma source(%dma_start3A_1227 : memref<80x128xf32, #tpu.memory_space<vmem_shared>>) target(%dma_start3A_1225 : memref<80x128xf32, #tpu.memory_space<hbm>>) target_semaphore(%run_scoped3A : memref<!tpu.dma_semaphore, #tpu.memory_space<semaphore_mem>>)
        %dma_wait3A_1228 = arith.constant 0 : i32
        %dma_wait3A_1229 = tpu.memref_slice %arg4[%arg0, %mul3A_1222, %dma_wait3A_1228] : memref<2x10000x128xf32, #tpu.memory_space<hbm>> -> memref<1x80x128xf32, #tpu.memory_space<hbm>>
        %dma_wait3A_1230 = tpu.memref_squeeze %dma_wait3A_1229 : memref<1x80x128xf32, #tpu.memory_space<hbm>> -> memref<80x128xf32, #tpu.memory_space<hbm>>
        %dma_wait3A_1231 = arith.constant 0 : i32
        %dma_wait3A_1232 = tpu.memref_slice %arg23[%mul3A_1220, %dma_wait3A_1231] : memref<10248x128xf32, #tpu.memory_space<vmem_shared>> -> memref<80x128xf32, #tpu.memory_space<vmem_shared>>
        tpu.wait_dma2 semaphore(%run_scoped3A : memref<!tpu.dma_semaphore, #tpu.memory_space<semaphore_mem>>) src(%dma_wait3A_1232 : memref<80x128xf32, #tpu.memory_space<vmem_shared>>) dst(%dma_wait3A_1230 : memref<80x128xf32, #tpu.memory_space<hbm>>)
        tpu.yield
      }) : () -> ()
    } else {
    }
    %add3A_1191 = arith.constant 64 : i32
    %add3A_1192 = arith.addi %arg1, %add3A_1191 : i32
    %lt3A_1193 = arith.constant 125 : i32
    %lt3A_1194 = arith.cmpi slt, %add3A_1192, %lt3A_1193 : i32
    %convert_element_type3A_1195 = arith.extui %lt3A_1194 : i1 to i32
    %cond3A_1196 = arith.constant 0 : i32
    %cond3A_1197 = arith.cmpi ne, %convert_element_type3A_1195, %cond3A_1196 : i32
    scf.if %cond3A_1197 {
      %mul3A_1219 = arith.constant 80 : i32
      %mul3A_1220 = arith.muli %add3A_1192, %mul3A_1219 : i32
      %mul3A_1221 = arith.constant 80 : i32
      %mul3A_1222 = arith.muli %add3A_1192, %mul3A_1221 : i32
      "tpu.region"() ({
        %run_scoped3A = tpu.sem_alloc : memref<!tpu.dma_semaphore, #tpu.memory_space<semaphore_mem>>
        %dma_start3A_1223 = arith.constant 0 : i32
        %dma_start3A_1224 = tpu.memref_slice %arg4[%arg0, %mul3A_1222, %dma_start3A_1223] : memref<2x10000x128xf32, #tpu.memory_space<hbm>> -> memref<1x80x128xf32, #tpu.memory_space<hbm>>
        %dma_start3A_1225 = tpu.memref_squeeze %dma_start3A_1224 : memref<1x80x128xf32, #tpu.memory_space<hbm>> -> memref<80x128xf32, #tpu.memory_space<hbm>>
        %dma_start3A_1226 = arith.constant 0 : i32
        %dma_start3A_1227 = tpu.memref_slice %arg23[%mul3A_1220, %dma_start3A_1226] : memref<10248x128xf32, #tpu.memory_space<vmem_shared>> -> memref<80x128xf32, #tpu.memory_space<vmem_shared>>
        tpu.enqueue_dma source(%dma_start3A_1227 : memref<80x128xf32, #tpu.memory_space<vmem_shared>>) target(%dma_start3A_1225 : memref<80x128xf32, #tpu.memory_space<hbm>>) target_semaphore(%run_scoped3A : memref<!tpu.dma_semaphore, #tpu.memory_space<semaphore_mem>>)
        %dma_wait3A_1228 = arith.constant 0 : i32
        %dma_wait3A_1229 = tpu.memref_slice %arg4[%arg0, %mul3A_1222, %dma_wait3A_1228] : memref<2x10000x128xf32, #tpu.memory_space<hbm>> -> memref<1x80x128xf32, #tpu.memory_space<hbm>>
        %dma_wait3A_1230 = tpu.memref_squeeze %dma_wait3A_1229 : memref<1x80x128xf32, #tpu.memory_space<hbm>> -> memref<80x128xf32, #tpu.memory_space<hbm>>
        %dma_wait3A_1231 = arith.constant 0 : i32
        %dma_wait3A_1232 = tpu.memref_slice %arg23[%mul3A_1220, %dma_wait3A_1231] : memref<10248x128xf32, #tpu.memory_space<vmem_shared>> -> memref<80x128xf32, #tpu.memory_space<vmem_shared>>
        tpu.wait_dma2 semaphore(%run_scoped3A : memref<!tpu.dma_semaphore, #tpu.memory_space<semaphore_mem>>) src(%dma_wait3A_1232 : memref<80x128xf32, #tpu.memory_space<vmem_shared>>) dst(%dma_wait3A_1230 : memref<80x128xf32, #tpu.memory_space<hbm>>)
        tpu.yield
      }) : () -> ()
    } else {
    }
    %add3A_1198 = arith.constant 80 : i32
    %add3A_1199 = arith.addi %arg1, %add3A_1198 : i32
    %lt3A_1200 = arith.constant 125 : i32
    %lt3A_1201 = arith.cmpi slt, %add3A_1199, %lt3A_1200 : i32
    %convert_element_type3A_1202 = arith.extui %lt3A_1201 : i1 to i32
    %cond3A_1203 = arith.constant 0 : i32
    %cond3A_1204 = arith.cmpi ne, %convert_element_type3A_1202, %cond3A_1203 : i32
    scf.if %cond3A_1204 {
      %mul3A_1219 = arith.constant 80 : i32
      %mul3A_1220 = arith.muli %add3A_1199, %mul3A_1219 : i32
      %mul3A_1221 = arith.constant 80 : i32
      %mul3A_1222 = arith.muli %add3A_1199, %mul3A_1221 : i32
      "tpu.region"() ({
        %run_scoped3A = tpu.sem_alloc : memref<!tpu.dma_semaphore, #tpu.memory_space<semaphore_mem>>
        %dma_start3A_1223 = arith.constant 0 : i32
        %dma_start3A_1224 = tpu.memref_slice %arg4[%arg0, %mul3A_1222, %dma_start3A_1223] : memref<2x10000x128xf32, #tpu.memory_space<hbm>> -> memref<1x80x128xf32, #tpu.memory_space<hbm>>
        %dma_start3A_1225 = tpu.memref_squeeze %dma_start3A_1224 : memref<1x80x128xf32, #tpu.memory_space<hbm>> -> memref<80x128xf32, #tpu.memory_space<hbm>>
        %dma_start3A_1226 = arith.constant 0 : i32
        %dma_start3A_1227 = tpu.memref_slice %arg23[%mul3A_1220, %dma_start3A_1226] : memref<10248x128xf32, #tpu.memory_space<vmem_shared>> -> memref<80x128xf32, #tpu.memory_space<vmem_shared>>
        tpu.enqueue_dma source(%dma_start3A_1227 : memref<80x128xf32, #tpu.memory_space<vmem_shared>>) target(%dma_start3A_1225 : memref<80x128xf32, #tpu.memory_space<hbm>>) target_semaphore(%run_scoped3A : memref<!tpu.dma_semaphore, #tpu.memory_space<semaphore_mem>>)
        %dma_wait3A_1228 = arith.constant 0 : i32
        %dma_wait3A_1229 = tpu.memref_slice %arg4[%arg0, %mul3A_1222, %dma_wait3A_1228] : memref<2x10000x128xf32, #tpu.memory_space<hbm>> -> memref<1x80x128xf32, #tpu.memory_space<hbm>>
        %dma_wait3A_1230 = tpu.memref_squeeze %dma_wait3A_1229 : memref<1x80x128xf32, #tpu.memory_space<hbm>> -> memref<80x128xf32, #tpu.memory_space<hbm>>
        %dma_wait3A_1231 = arith.constant 0 : i32
        %dma_wait3A_1232 = tpu.memref_slice %arg23[%mul3A_1220, %dma_wait3A_1231] : memref<10248x128xf32, #tpu.memory_space<vmem_shared>> -> memref<80x128xf32, #tpu.memory_space<vmem_shared>>
        tpu.wait_dma2 semaphore(%run_scoped3A : memref<!tpu.dma_semaphore, #tpu.memory_space<semaphore_mem>>) src(%dma_wait3A_1232 : memref<80x128xf32, #tpu.memory_space<vmem_shared>>) dst(%dma_wait3A_1230 : memref<80x128xf32, #tpu.memory_space<hbm>>)
        tpu.yield
      }) : () -> ()
    } else {
    }
    %add3A_1205 = arith.constant 96 : i32
    %add3A_1206 = arith.addi %arg1, %add3A_1205 : i32
    %lt3A_1207 = arith.constant 125 : i32
    %lt3A_1208 = arith.cmpi slt, %add3A_1206, %lt3A_1207 : i32
    %convert_element_type3A_1209 = arith.extui %lt3A_1208 : i1 to i32
    %cond3A_1210 = arith.constant 0 : i32
    %cond3A_1211 = arith.cmpi ne, %convert_element_type3A_1209, %cond3A_1210 : i32
    scf.if %cond3A_1211 {
      %mul3A_1219 = arith.constant 80 : i32
      %mul3A_1220 = arith.muli %add3A_1206, %mul3A_1219 : i32
      %mul3A_1221 = arith.constant 80 : i32
      %mul3A_1222 = arith.muli %add3A_1206, %mul3A_1221 : i32
      "tpu.region"() ({
        %run_scoped3A = tpu.sem_alloc : memref<!tpu.dma_semaphore, #tpu.memory_space<semaphore_mem>>
        %dma_start3A_1223 = arith.constant 0 : i32
        %dma_start3A_1224 = tpu.memref_slice %arg4[%arg0, %mul3A_1222, %dma_start3A_1223] : memref<2x10000x128xf32, #tpu.memory_space<hbm>> -> memref<1x80x128xf32, #tpu.memory_space<hbm>>
        %dma_start3A_1225 = tpu.memref_squeeze %dma_start3A_1224 : memref<1x80x128xf32, #tpu.memory_space<hbm>> -> memref<80x128xf32, #tpu.memory_space<hbm>>
        %dma_start3A_1226 = arith.constant 0 : i32
        %dma_start3A_1227 = tpu.memref_slice %arg23[%mul3A_1220, %dma_start3A_1226] : memref<10248x128xf32, #tpu.memory_space<vmem_shared>> -> memref<80x128xf32, #tpu.memory_space<vmem_shared>>
        tpu.enqueue_dma source(%dma_start3A_1227 : memref<80x128xf32, #tpu.memory_space<vmem_shared>>) target(%dma_start3A_1225 : memref<80x128xf32, #tpu.memory_space<hbm>>) target_semaphore(%run_scoped3A : memref<!tpu.dma_semaphore, #tpu.memory_space<semaphore_mem>>)
        %dma_wait3A_1228 = arith.constant 0 : i32
        %dma_wait3A_1229 = tpu.memref_slice %arg4[%arg0, %mul3A_1222, %dma_wait3A_1228] : memref<2x10000x128xf32, #tpu.memory_space<hbm>> -> memref<1x80x128xf32, #tpu.memory_space<hbm>>
        %dma_wait3A_1230 = tpu.memref_squeeze %dma_wait3A_1229 : memref<1x80x128xf32, #tpu.memory_space<hbm>> -> memref<80x128xf32, #tpu.memory_space<hbm>>
        %dma_wait3A_1231 = arith.constant 0 : i32
        %dma_wait3A_1232 = tpu.memref_slice %arg23[%mul3A_1220, %dma_wait3A_1231] : memref<10248x128xf32, #tpu.memory_space<vmem_shared>> -> memref<80x128xf32, #tpu.memory_space<vmem_shared>>
        tpu.wait_dma2 semaphore(%run_scoped3A : memref<!tpu.dma_semaphore, #tpu.memory_space<semaphore_mem>>) src(%dma_wait3A_1232 : memref<80x128xf32, #tpu.memory_space<vmem_shared>>) dst(%dma_wait3A_1230 : memref<80x128xf32, #tpu.memory_space<hbm>>)
        tpu.yield
      }) : () -> ()
    } else {
    }
    %add3A_1212 = arith.constant 112 : i32
    %add3A_1213 = arith.addi %arg1, %add3A_1212 : i32
    %lt3A_1214 = arith.constant 125 : i32
    %lt3A_1215 = arith.cmpi slt, %add3A_1213, %lt3A_1214 : i32
    %convert_element_type3A_1216 = arith.extui %lt3A_1215 : i1 to i32
    %cond3A_1217 = arith.constant 0 : i32
    %cond3A_1218 = arith.cmpi ne, %convert_element_type3A_1216, %cond3A_1217 : i32
    scf.if %cond3A_1218 {
      %mul3A_1219 = arith.constant 80 : i32
      %mul3A_1220 = arith.muli %add3A_1213, %mul3A_1219 : i32
      %mul3A_1221 = arith.constant 80 : i32
      %mul3A_1222 = arith.muli %add3A_1213, %mul3A_1221 : i32
      "tpu.region"() ({
        %run_scoped3A = tpu.sem_alloc : memref<!tpu.dma_semaphore, #tpu.memory_space<semaphore_mem>>
        %dma_start3A_1223 = arith.constant 0 : i32
        %dma_start3A_1224 = tpu.memref_slice %arg4[%arg0, %mul3A_1222, %dma_start3A_1223] : memref<2x10000x128xf32, #tpu.memory_space<hbm>> -> memref<1x80x128xf32, #tpu.memory_space<hbm>>
        %dma_start3A_1225 = tpu.memref_squeeze %dma_start3A_1224 : memref<1x80x128xf32, #tpu.memory_space<hbm>> -> memref<80x128xf32, #tpu.memory_space<hbm>>
        %dma_start3A_1226 = arith.constant 0 : i32
        %dma_start3A_1227 = tpu.memref_slice %arg23[%mul3A_1220, %dma_start3A_1226] : memref<10248x128xf32, #tpu.memory_space<vmem_shared>> -> memref<80x128xf32, #tpu.memory_space<vmem_shared>>
        tpu.enqueue_dma source(%dma_start3A_1227 : memref<80x128xf32, #tpu.memory_space<vmem_shared>>) target(%dma_start3A_1225 : memref<80x128xf32, #tpu.memory_space<hbm>>) target_semaphore(%run_scoped3A : memref<!tpu.dma_semaphore, #tpu.memory_space<semaphore_mem>>)
        %dma_wait3A_1228 = arith.constant 0 : i32
        %dma_wait3A_1229 = tpu.memref_slice %arg4[%arg0, %mul3A_1222, %dma_wait3A_1228] : memref<2x10000x128xf32, #tpu.memory_space<hbm>> -> memref<1x80x128xf32, #tpu.memory_space<hbm>>
        %dma_wait3A_1230 = tpu.memref_squeeze %dma_wait3A_1229 : memref<1x80x128xf32, #tpu.memory_space<hbm>> -> memref<80x128xf32, #tpu.memory_space<hbm>>
        %dma_wait3A_1231 = arith.constant 0 : i32
        %dma_wait3A_1232 = tpu.memref_slice %arg23[%mul3A_1220, %dma_wait3A_1231] : memref<10248x128xf32, #tpu.memory_space<vmem_shared>> -> memref<80x128xf32, #tpu.memory_space<vmem_shared>>
        tpu.wait_dma2 semaphore(%run_scoped3A : memref<!tpu.dma_semaphore, #tpu.memory_space<semaphore_mem>>) src(%dma_wait3A_1232 : memref<80x128xf32, #tpu.memory_space<vmem_shared>>) dst(%dma_wait3A_1230 : memref<80x128xf32, #tpu.memory_space<hbm>>)
        tpu.yield
      }) : () -> ()
    } else {
    }
    return
  }
}

module attributes {stable_mosaic.version = 14 : i64} {
  func.func @mlp_body(%arg0: i32, %arg1: memref<2000x128xf32, #tpu.memory_space<vmem>>, %arg2: memref<2x2000x128xf32, #tpu.memory_space<vmem>>, %arg3: memref<128x128xf32, #tpu.memory_space<vmem>>, %arg4: memref<1x128xf32, #tpu.memory_space<vmem>>, %arg5: memref<128x128xf32, #tpu.memory_space<vmem>>, %arg6: memref<1x128xf32, #tpu.memory_space<vmem>>, %arg7: memref<2000x128xf32, #tpu.memory_space<vmem>>) attributes {dimension_semantics = [#tpu.dimension_semantics<arbitrary>], iteration_bounds = array<i64: 5>, scalar_prefetch = 0 : i64, scratch_operands = 0 : i64, tpu.core_type = #tpu.core_type<tc>, window_params = [{transform_indices = @transform_0, window_bounds = array<i64: 2000, 128>}, {transform_indices = @transform_1, window_bounds = array<i64: 2, 2000, 128>}, {pipeline_mode = #tpu.pipeline_mode<synchronous>, transform_indices = @transform_2, window_bounds = array<i64: 128, 128>}, {pipeline_mode = #tpu.pipeline_mode<synchronous>, transform_indices = @transform_3, window_bounds = array<i64: 1, 128>}, {pipeline_mode = #tpu.pipeline_mode<synchronous>, transform_indices = @transform_4, window_bounds = array<i64: 128, 128>}, {pipeline_mode = #tpu.pipeline_mode<synchronous>, transform_indices = @transform_5, window_bounds = array<i64: 1, 128>}, {transform_indices = @transform_6, window_bounds = array<i64: 2000, 128>}]} {
    %get3A = arith.constant 0 : index
    %get3A_0 = arith.constant 0 : index
    %get3A_1 = vector.load %arg1[%get3A, %get3A_0] : memref<2000x128xf32, #tpu.memory_space<vmem>>, vector<2000x128xf32>
    %get3A_2 = arith.constant 0 : index
    %get3A_3 = arith.constant 0 : index
    %get3A_4 = arith.constant 0 : index
    %get3A_5 = vector.load %arg2[%get3A_2, %get3A_3, %get3A_4] : memref<2x2000x128xf32, #tpu.memory_space<vmem>>, vector<1x2000x128xf32>
    %get3A_6 = vector.shape_cast %get3A_5 : vector<1x2000x128xf32> to vector<2000x128xf32>
    %add3A = arith.addf %get3A_1, %get3A_6 : vector<2000x128xf32>
    %get3A_7 = arith.constant 1 : index
    %get3A_8 = arith.constant 0 : index
    %get3A_9 = arith.constant 0 : index
    %get3A_10 = vector.load %arg2[%get3A_7, %get3A_8, %get3A_9] : memref<2x2000x128xf32, #tpu.memory_space<vmem>>, vector<1x2000x128xf32>
    %get3A_11 = vector.shape_cast %get3A_10 : vector<1x2000x128xf32> to vector<2000x128xf32>
    %add3A_12 = arith.addf %add3A, %get3A_11 : vector<2000x128xf32>
    %get3A_13 = arith.constant 0 : index
    %get3A_14 = arith.constant 0 : index
    %get3A_15 = vector.load %arg3[%get3A_13, %get3A_14] : memref<128x128xf32, #tpu.memory_space<vmem>>, vector<128x128xf32>
    %dot_general3A = arith.constant dense<0.000000e+00> : vector<2000x128xf32>
    %dot_general3A_16 = tpu.matmul %add3A_12, %get3A_15, %dot_general3A {dimension_numbers = #tpu.dot_dimension_numbers<[1], [0], [0], [1], [0, 0, 1, 1], [], []>, transpose_lhs_hint = false} : vector<2000x128xf32>, vector<128x128xf32>, vector<2000x128xf32> -> vector<2000x128xf32>
    %get3A_17 = arith.constant 0 : index
    %get3A_18 = arith.constant 0 : index
    %get3A_19 = vector.load %arg4[%get3A_17, %get3A_18] : memref<1x128xf32, #tpu.memory_space<vmem>>, vector<1x128xf32>
    %add3A_20 = vector.broadcast %get3A_19 : vector<1x128xf32> to vector<2000x128xf32>
    %add3A_21 = arith.addf %dot_general3A_16, %add3A_20 : vector<2000x128xf32>
    %max3A = arith.constant 0.000000e+00 : f32
    %max3A_22 = vector.broadcast %max3A : f32 to vector<2000x128xf32>
    %max3A_23 = arith.maximumf %add3A_21, %max3A_22 : vector<2000x128xf32>
    %get3A_24 = arith.constant 0 : index
    %get3A_25 = arith.constant 0 : index
    %get3A_26 = vector.load %arg5[%get3A_24, %get3A_25] : memref<128x128xf32, #tpu.memory_space<vmem>>, vector<128x128xf32>
    %dot_general3A_27 = arith.constant dense<0.000000e+00> : vector<2000x128xf32>
    %dot_general3A_28 = tpu.matmul %max3A_23, %get3A_26, %dot_general3A_27 {dimension_numbers = #tpu.dot_dimension_numbers<[1], [0], [0], [1], [0, 0, 1, 1], [], []>, transpose_lhs_hint = false} : vector<2000x128xf32>, vector<128x128xf32>, vector<2000x128xf32> -> vector<2000x128xf32>
    %get3A_29 = arith.constant 0 : index
    %get3A_30 = arith.constant 0 : index
    %get3A_31 = vector.load %arg6[%get3A_29, %get3A_30] : memref<1x128xf32, #tpu.memory_space<vmem>>, vector<1x128xf32>
    %add3A_32 = vector.broadcast %get3A_31 : vector<1x128xf32> to vector<2000x128xf32>
    %add3A_33 = arith.addf %dot_general3A_28, %add3A_32 : vector<2000x128xf32>
    %swap3A = arith.constant 0 : index
    %swap3A_34 = arith.constant 0 : index
    %swap3A_35 = vector.load %arg7[%swap3A, %swap3A_34] : memref<2000x128xf32, #tpu.memory_space<vmem>>, vector<2000x128xf32>
    tpu.vector_store %arg7[%swap3A, %swap3A_34], %add3A_33 {strides = array<i32>} : memref<2000x128xf32, #tpu.memory_space<vmem>>, vector<2000x128xf32>,
    return
  }
  func.func @transform_0(%arg0: i32) -> (i32, i32) {
    %c0_i32 = arith.constant 0 : i32
    %c0_i32_0 = arith.constant 0 : i32
    return %arg0, %c0_i32 : i32, i32
  }
  func.func @transform_1(%arg0: i32) -> (i32, i32, i32) {
    %c0_i32 = arith.constant 0 : i32
    %c0_i32_0 = arith.constant 0 : i32
    %c0_i32_1 = arith.constant 0 : i32
    return %c0_i32, %arg0, %c0_i32_0 : i32, i32, i32
  }
  func.func @transform_2(%arg0: i32) -> (i32, i32) {
    %c0_i32 = arith.constant 0 : i32
    %c0_i32_0 = arith.constant 0 : i32
    %c0_i32_1 = arith.constant 0 : i32
    return %c0_i32, %c0_i32_0 : i32, i32
  }
  func.func @transform_3(%arg0: i32) -> (i32, i32) {
    %c0_i32 = arith.constant 0 : i32
    %c0_i32_0 = arith.constant 0 : i32
    %c0_i32_1 = arith.constant 0 : i32
    return %c0_i32, %c0_i32_0 : i32, i32
  }
  func.func @transform_4(%arg0: i32) -> (i32, i32) {
    %c0_i32 = arith.constant 0 : i32
    %c0_i32_0 = arith.constant 0 : i32
    %c0_i32_1 = arith.constant 0 : i32
    return %c0_i32, %c0_i32_0 : i32, i32
  }
  func.func @transform_5(%arg0: i32) -> (i32, i32) {
    %c0_i32 = arith.constant 0 : i32
    %c0_i32_0 = arith.constant 0 : i32
    %c0_i32_1 = arith.constant 0 : i32
    return %c0_i32, %c0_i32_0 : i32, i32
  }
  func.func @transform_6(%arg0: i32) -> (i32, i32) {
    %c0_i32 = arith.constant 0 : i32
    %c0_i32_0 = arith.constant 0 : i32
    return %arg0, %c0_i32 : i32, i32
  }
}

</mosaic_0001>

<sc_bundles>
// kernel: kernel.4.cloned.1.call-start
scs
__scs_entry_jumppad:
0x0: {  	(pc) =	sbr.rel $0x88, $3  }
0x1: {  	(tag) =	ssettag $0x0;
	lr =	simm.s32 $0x1  }
0x2: {  	[smem:$0x3F9B] =	sst lr;
	_ =	strace $0xD0000000  }
0x3: {  	_ = 	snop  }
0x4: {  	_ = 	snop  }
0x5: {  	_ = 	snop  }
0x6: {  	_ = 	snop  }
0x7: {  	_ = 	snop  }
__scs_overlays_trampoline_lowered:
0x8: {  	[smem:$0x3FAA] =	sst s0  }
0x9: {  	[smem:$0x3FAB] =	sst s1  }
0xa: {  	[smem:$0x3FAC] =	sst s2  }
0xb: {  	[smem:$0x3FAD] =	sst s3  }
0xc: {  	[smem:$0x3FAE] =	sst s4  }
0xd: {  	[smem:$0x3FAF] =	sst s5  }
0xe: {  	[smem:$0x3FB0] =	sst s6  }
0xf: {  	[smem:$0x3FB1] =	sst s7  }
0x10: {  	[smem:$0x3FB2] =	sst s8  }
0x11: {  	[smem:$0x3FB3] =	sst s9;
	s0 =	simm.s32 @!p0 $0x0  }
0x12: {  	s1 =	sld [smem:$0x3F99];
	s0 =	simm.s32 @p0 $0x1  }
0x13: {  	[smem:$0x3FB4] =	sst s0;
	s0 =	simm.s32 @!p1 $0x0  }
0x14: {  	s2 =	sld [smem:$0x3F98];
	s0 =	simm.s32 @p1 $0x1  }
0x15: {  	[smem:$0x3FB5] =	sst s0;
	s0 =	simm.s32 @!p2 $0x0  }
0x16: {  	s3 =	sld [smem:$0x3FDB];
	s0 =	simm.s32 @p2 $0x1  }
0x17: {  	s4 =	simm.s32 $0x1BF5;
	[smem:$0x3FB7] =	sst s0  }
0x18: {  	s0 =	sld [smem:$0x3F9A];
	_ =	swait.ge [sflag:s4], $0x0  }
0x19: {  	s7 =	sld [smem:$0x3F9B]  }
0x1a: {  	s8 =	sadd.s32 $0xFFFFE003, lr  }
0x1b: {  	s9 =	sadd.s32 $0xFFFFFEF7, lr;
	s5 =	simm.s32 $0xFFFFFFFF;
	p2 =	slt.u32 s8, $0xFFFFF086  }
0x1c: {  	p1 =	slt.u32 s9, $0xF7A;
	s5 =	simm.s32 @!p2 $0x0  }
0x1d: {  	s5 =	simm.s32 @p1 $0x1;
	p0 =	seq.s32 s7, s2  }
0x1e: {  	s7 =	smul.u32 @!p0 $0xF7A, s2;
	p2 =	seq.s32 @!p0 s5, $0x0  }
0x1f: {  	s9 =	smul.u32 $0xF7A, s1;
	s8 =	simm.s32 @!p0 $0x1BF5;
	p2 =	por !p2, p0  }
0x20: {  	[sflag:s8] =	ssyncset.s32 @!p0 $0xFFFFF086;
	s6 =	sadd.s32 @!p0 s3, s7;
	s7 =	simm.s32 @!p0 $0x108  }
0x21: {  	s3 =	sadd.s32 s3, s9;
	s6 =	sadd.s32 @!p0 $0x88, s6;
	s7 =	simm.s32 @p2 $0x1082  }
0x22: {  	[simem:s7], [sflag:s8] =	dma.local @!p0 [hbm:s6], $0xF7A  }
0x23: {  	s9 =	sor.u32 $0xD0000000, s2;
	s6 =	simm.s32 $0x108;
	_ =	swait.ge @!p0 [sflag:s8], $0x0  }
0x24: {  	s3 =	sadd.s32 $0x88, s3;
	s6 =	simm.s32 @!p1 $0x1082;
	[sflag:s4] =	ssyncset.s32 $0xFFFFF086  }
0x25: {  	[simem:s6], [sflag:s4] =	dma.local [hbm:s3], $0xF7A  }
0x26: {  	[smem:$0x3F9B] =	sst s1;
	(tag) =	ssettag s2;
	_ =	strace s9  }
0x27: {  	s1 =	sld [smem:$0x3FAB]  }
0x28: {  	s2 =	sld [smem:$0x3FAC]  }
0x29: {  	s4 =	sld [smem:$0x3FAE]  }
0x2a: {  	p0 =	seq.s32 s5, $0x0;
	s5 =	sld [smem:$0x3FAF]  }
0x2b: {  	s6 =	sld [smem:$0x3FB0]  }
0x2c: {  	s7 =	sld [smem:$0x3FB1]  }
0x2d: {  	s3 =	simm.s32 $0x108;
	s8 =	sld [smem:$0x3FB2]  }
0x2e: {  	s3 =	simm.s32 @!p0 $0x1082;
	s9 =	sld [smem:$0x3FB3]  }
0x2f: {  	lr =	sadd.s32 s0, s3;
	s0 =	sld [smem:$0x3FAA]  }
0x30: {  	s3 =	sld [smem:$0x3FAD]  }
0x31: {  	[smem:$0x3FB6] =	sst s10  }
0x32: {  	s10 =	sld [smem:$0x3FB4];
	_ =	sdelay $0x3  }
0x33: {  	p0 =	seq.s32 s10, $0x1;
	s10 =	sld [smem:$0x3FB6];
	_ =	sdelay $0x3  }
0x34: {  	[smem:$0x3FB6] =	sst s10  }
0x35: {  	s10 =	sld [smem:$0x3FB5];
	_ =	sdelay $0x3  }
0x36: {  	p1 =	seq.s32 s10, $0x1;
	s10 =	sld [smem:$0x3FB6];
	_ =	sdelay $0x3  }
0x37: {  	[smem:$0x3FB6] =	sst s10  }
0x38: {  	s10 =	sld [smem:$0x3FB7]  }
0x39: {  	_ = 	snop;
	(pc) =	sbr.ind lr, $3  }
0x3a: {  	_ = 	snop  }
0x3b: {  	_ = 	snop  }
0x3c: {  	p2 =	seq.s32 s10, $0x1;
	s10 =	sld [smem:$0x3FB6]  }
0x3d: {  	_ =	shalt  }
0x3e: {  	_ =	shalt  }
0x3f: {  	_ =	shalt  }
0x40: {  	_ =	shalt  }
0x41: {  	_ =	shalt  }
0x42: {  	_ =	shalt  }
0x43: {  	_ =	shalt  }
0x44: {  	_ =	shalt  }
0x45: {  	_ =	shalt  }
0x46: {  	_ =	shalt  }
0x47: {  	_ =	shalt  }
0x48: {  	_ =	shalt  }
0x49: {  	_ =	shalt  }
0x4a: {  	_ =	shalt  }
0x4b: {  	_ =	shalt  }
0x4c: {  	_ =	shalt  }
0x4d: {  	_ =	shalt  }
0x4e: {  	_ =	shalt  }
0x4f: {  	_ =	shalt  }
0x50: {  	_ =	shalt  }
0x51: {  	_ =	shalt  }
0x52: {  	_ =	shalt  }
0x53: {  	_ =	shalt  }
0x54: {  	_ =	shalt  }
0x55: {  	_ =	shalt  }
0x56: {  	_ =	shalt  }
0x57: {  	_ =	shalt  }
0x58: {  	_ =	shalt  }
0x59: {  	_ =	shalt  }
0x5a: {  	_ =	shalt  }
0x5b: {  	_ =	shalt  }
0x5c: {  	_ =	shalt  }
0x5d: {  	_ =	shalt  }
0x5e: {  	_ =	shalt  }
0x5f: {  	_ =	shalt  }
0x60: {  	_ =	shalt  }
0x61: {  	_ =	shalt  }
0x62: {  	_ =	shalt  }
0x63: {  	_ =	shalt  }
0x64: {  	_ =	shalt  }
0x65: {  	_ =	shalt  }
0x66: {  	_ =	shalt  }
0x67: {  	_ =	shalt  }
0x68: {  	_ =	shalt  }
0x69: {  	_ =	shalt  }
0x6a: {  	_ =	shalt  }
0x6b: {  	_ =	shalt  }
0x6c: {  	_ =	shalt  }
0x6d: {  	_ =	shalt  }
0x6e: {  	_ =	shalt  }
0x6f: {  	_ =	shalt  }
0x70: {  	_ =	shalt  }
0x71: {  	_ =	shalt  }
0x72: {  	_ =	shalt  }
0x73: {  	_ =	shalt  }
0x74: {  	_ =	shalt  }
0x75: {  	_ =	shalt  }
0x76: {  	_ =	shalt  }
0x77: {  	_ =	shalt  }
0x78: {  	_ =	shalt  }
0x79: {  	_ =	shalt  }
0x7a: {  	_ =	shalt  }
0x7b: {  	_ =	shalt  }
0x7c: {  	_ =	shalt  }
0x7d: {  	_ =	shalt  }
0x7e: {  	_ =	shalt  }
0x7f: {  	_ =	shalt  }
0x80: {  	_ =	shalt  }
0x81: {  	_ =	shalt  }
0x82: {  	_ =	shalt  }
0x83: {  	_ =	shalt  }
0x84: {  	_ =	shalt  }
0x85: {  	_ =	shalt  }
0x86: {  	_ =	shalt  }
0x87: {  	_ =	shalt  }
.Lfunc_end0:
.L_simem_size_0:
called_computation_lowered:
.L_overlay_start_0:
0x88: {  	s2 =	sld [smem:$0x3FD9]  }
0x89: {  	s3 =	sld [smem:$0x3FFE];
	_ =	sdelay $0x1  }
0x8a: {  	s1 =	srdreg.scid  }
0x8b: {  	s0 =	sand.u32 $0x1, s1  }
0x8c: {  	s17 =	sshll.u32 s0, $0xA;
	s2 =	sadd.s32 s3, s2  }
0x8d: {  	s2 =	sadd.s32 s2, s17  }
0x8e: {  	[smem:$0x3FC2] =	sst s2  }
0x8f: {  	_ = 	snop  }
0x90: {  	s2 =	sld [smem:$0x3FC9]  }
0x91: {  	s18 =	sld [smem:$0x3FD0];
	(tm) =	ssettm $0x1  }
0x92: {  	s4 =	sld [smem:$0x3FFB];
	_ =	sdelay $0x3  }
0x93: {  	_ =	strace s4  }
0x94: {  	s4 =	sld [smem:$0x3FFC];
	_ =	sdelay $0x3  }
0x95: {  	_ =	strace s4  }
0x96: {  	s4 =	sld [smem:$0x3FFD];
	_ =	sdelay $0x3  }
0x97: {  	_ =	strace s4  }
0x98: {  	_ =	strace $0x8FFFFFFF  }
0x99: {  	s19 =	sld [smem:$0x3FDB];
	_ =	sdelay $0x1  }
0x9a: {  	s5 =	simm.s32 $_scs_section_size  }
0x9b: {  	s6 =	simm.s32 $_size__tile_overlayer_lowered;
	s7 =	simm.s32 $_tile_overlayer_lowered  }
0x9c: {  	s22 =	simm.s32 $0x1BFF;
	s21 =	sshll.u32 s7, $0x1;
	s4 =	sadd.s32 s5, s19  }
0x9d: {  	s8 =	simm.s32 $0x0;
	s20 =	sshll.u32 s6, $0x1;
	s6 =	sadd.s32 s21, s4  }
0x9e: {  	[timem:s8], [sflag:s22] =	dma.local [hbm:s6], s20  }
0x9f: {  	_ =	swait.ge [sflag:s22], s20  }
0xa0: {  	s5 =	ssub.s32 $0x0, s20;
	[sflag:s22] =	ssyncset.done $0x0  }
0xa1: {  	[sflag:s22] =	ssyncadd.s32 s5;
	_ =	sdelay $0x1  }
0xa2: {  	s23 =	simm.s32 $0x1B8B  }
0xa3: {  	_ =	swait.ge [sflag:s23], $0x1  }
0xa4: {  	[sflag:s23] =	ssyncset.done $0x0  }
0xa5: {  	s25 =	simm.s32 $0x1B8E;
	s24 =	sld [smem:$0x3FFE];
	[sflag:s23] =	ssyncadd.s32 $0xFFFFFFFF  }
0xa6: {  	s26 =	simm.s32 $execute0_lowered;
	[smem:$0x3FD2] =	sst s25  }
0xa7: {  	s6 =	sshll.u32 s26, $0x1;
	_ =	strace $0x80000046;
	[dreg:$0x1] =	wrdreg $0xFFFFFFFF  }
0xa8: {  	s28 =	simm.s32 $_size_execute0_lowered;
	s4 =	sadd.s32 s4, s6;
	[dreg:$0x0] =	wrdreg $0x0  }
0xa9: {  	s6 =	sshll.u32 s28, $0x1;
	[dreg:$0x2] =	wrdreg s4  }
0xaa: {  	[dreg:$0x3] =	wrdreg s6  }
0xab: {  	[dreg:$0x4] =	wrdreg $0xC0  }
0xac: {  	_ =	task [dreg:s8], $0x5FFFF  }
0xad: {  	[dreg:$0x1] =	wrdreg $0xFFFFFFFF  }
0xae: {  	[dreg:$0x0] =	wrdreg $0x60  }
0xaf: {  	[dreg:$0x2] =	wrdreg s2  }
0xb0: {  	[dreg:$0x3] =	wrdreg s18  }
0xb1: {  	[dreg:$0x4] =	wrdreg s24  }
0xb2: {  	[dreg:$0x5] =	wrdreg $0xA7000  }
0xb3: {  	[dreg:$0x6] =	wrdreg $0x9  }
0xb4: {  	_ =	task.clear_ibuf [dreg:s8], $0x7FFFF;
	_ =	strace $0x90000046  }
0xb5: {  	s29 =	simm.s32 $0x9;
	_ =	strace $0x80000048  }
0xb6: {  	_ =	swait.ge [sflag:s29], $0x1  }
0xb7: {  	[sflag:s29] =	ssyncadd.s32 $0xFFFFFFFF  }
0xb8: {  	_ =	strace $0x90000048  }
0xb9: {  	_ =	sfence  }
0xba: {  	s30 =	sld [smem:$0x0];
	_ =	sdelay $0x2  }
0xbb: {  	s31 =	sshll.u32 s1, $0xD;
	s1 =	sshrl.u32 s1, $0x2  }
0xbc: {  	s3 =	sand.u32 $0x4000, s31;
	s1 =	sadd.s32 s1, s30  }
0xbd: {  	s0 =	sor.u32 s3, s0;
	s1 =	sshll.u32 s1, $0x11  }
0xbe: {  	s0 =	sor.u32 s1, s0  }
0xbf: {  	s0 =	sadd.s32 $0x8F2B, s0  }
0xc0: {  	[sflag:s0] =	ssyncadd.remote.s32 $0x1  }
0xc1: {  	_ =	sfence.sel $0xFFFF  }
0xc2: {  	[dreg:$0x0] =	wrdreg $0xFFFFFFFF;
	(pc) =	sbr.abs _section_cstart, $3  }
0xc3: {  	[dreg:$0x1] =	wrdreg $0xFFFFFFFF  }
0xc4: {  	_ =	task.clear_ibuf [dreg:s8], $0x2FFFF;
	_ =	strace $0x9FFFFFFF  }
0xc5: {  	(tm) =	ssettm $0x7FFFFFFF  }
tec
execute0_lowered:
.L_overlay_start_1:
0x0: {  	(tag) =	ssettag $0x1  }
0x1: {  	s0 =	srdreg.scid;
	s26 =	stileid.u32  }
0x2: {  	s5 =	sand.u32 $0x1, s0;
	s6 =	smul.u32 $0x2800, s26  }
0x3: {  	s21 =	sor.u32 $0x10, s26;
	s8 =	smul.u32 $0x138800, s5  }
0x4: {  	s17 =	sor.u32 $0x20, s26;
	s7 =	smul.u32 $0x2800, s21  }
0x5: {  	s18 =	sor.u32 $0x30, s26;
	s9 =	smul.u32 $0x2800, s17  }
0x6: {  	s19 =	sor.u32 $0x40, s26;
	s11 =	smul.u32 $0x2800, s18  }
0x7: {  	s20 =	sor.u32 $0x50, s26;
	s22 =	smul.u32 $0x2800, s19  }
0x8: {  	s1 =	rddreg [dreg:$0x0];
	s16 =	sor.u32 $0x60, s26;
	s23 =	smul.u32 $0x2800, s20  }
0x9: {  	v14 =	vlaneseq.u32;
	s28 =	rddreg [dreg:$0x1];
	s25 =	smul.u32 $0x2800, s16  }
0xa: {  	s15 =	rddreg [dreg:$0x2];
	v0 =	vor.u32 $0x10, v14;
	v12 =	vmul.u32 $0x25, v14;
	v19 =	vor.u32 $0x30, v14;
	s21 =	smul.u32 $0xA000, s21  }
0xb: {  	s3 =	rddreg [dreg:$0x3];
	s31 =	simm.s32 $0x300;
	v26 =	vor.u32 $0x70, v14;
	v30 =	vor.u32 $0xA0, v14;
	v33 =	vor.u32 $0xD0, v14;
	s17 =	smul.u32 $0xA000, s17  }
0xc: {  	s14 =	sor.u32 $0x70, s26;
	s15 =	sadd.s32 $0x1600, s15;
	s18 =	smul.u32 $0xA000, s18;
	v3 =	vadd.s32 $0x250, v12;
	v4 =	vadd.s32 $0x940, v12;
	v5 =	vadd.s32 $0xB90, v12  }
0xd: {  	p0 =	sgt.u32 s26, $0xC;
	s0 =	sshll.u32 s5, $0x4;
	s19 =	smul.u32 $0xA000, s19;
	v6 =	vadd.s32 $0xDE0, v12;
	v7 =	vadd.s32 $0x1030, v12;
	v8 =	vadd.s32 $0x1280, v12  }
0xe: {  	s24 =	ssub.s32 $0x2, s5;
	s20 =	smul.u32 $0xA000, s20;
	s2 =	sor.u32 s26, s0;
	v9 =	vadd.s32 $0x1720, v12;
	v13 =	vadd.s32 $0x1970, v12;
	v20 =	vadd.s32 $0x1E10, v12  }
0xf: {  	s16 =	smul.u32 $0xA000, s16;
	s10 =	sshrl.u32 s24, $0x1;
	v22 =	vadd.s32 $0x2060, v12;
	s4 =	sshll.u32 s2, $0x3;
	v4 =	vadd.s32 s2, v4;
	v5 =	vadd.s32 s2, v5  }
0x10: {  	s0 =	ssub.s32 s24, s10;
	v21 =	vadd.s32 s2, v6;
	v6 =	vadd.s32 s2, v7;
	v7 =	vadd.s32 s2, v8;
	s12 =	sadd.s32 s6, s8;
	s13 =	sadd.s32 s8, s7  }
0x11: {  	v8 =	vadd.s32 $0x14D0, v12;
	v11 =	vadd.s32 s2, v9;
	v9 =	vadd.s32 s2, v13;
	s10 =	sadd.s32 s8, s9;
	s9 =	sadd.s32 s8, s11;
	s24 =	smul.u32 $0x2800, s14  }
0x12: {  	v13 =	vadd.s32 $0x1BC0, v12;
	s11 =	sadd.s32 s8, s22;
	s6 =	sadd.s32 s8, s23;
	s23 =	smul.u32 $0x27100, s5;
	v28 =	vadd.s32 s2, v22;
	v10 =	vadd.s32 s4, v14  }
0x13: {  	s7 =	sadd.s32 s8, s25;
	s25 =	smul.u32 $0x2710, s2;
	s5 =	simm.s32 $0x0;
	v15 =	vadd.s32 s4, v0;
	v0 =	vadd.s32 s2, v12;
	v1 =	vmulhi.u32 $0x84210843, v10  }
0x14: {  	s21 =	sshrl.u32 s21, $0x2;
	s17 =	sshrl.u32 s17, $0x2;
	s18 =	sshrl.u32 s18, $0x2;
	v8 =	vadd.s32 s2, v8;
	v19 =	vadd.s32 s4, v19;
	v2 =	vmulhi.u32 $0x84210843, v15  }
0x15: {  	s14 =	smul.u32 $0xA000, s14;
	[smem:$0x7FF] =	sst s5;
	v26 =	vadd.s32 s4, v26;
	v30 =	vadd.s32 s4, v30;
	s21 =	sadd.s32 s21, s3;
	v1 =	vshrl.u32 v1, $0x7  }
0x16: {  	v33 =	vadd.s32 s4, v33;
	s17 =	sadd.s32 s17, s3;
	s18 =	sadd.s32 s18, s3;
	s12 =	sshrl.u32 s12, $0x3;
	v2 =	vshrl.u32 v2, $0x7;
	v16 =	vmul.u32 $0xF8, v1  }
0x17: {  	s13 =	sshrl.u32 s13, $0x3;
	_ =	strace $0x80000047;
	[dreg:$0x7] =	wrdreg s21;
	v1 =	vadd.s32 s2, v3;
	v17 =	vmul.u32 $0xF8, v2;
	v3 =	vor.u32 $0x20, v14  }
0x18: {  	s10 =	sshrl.u32 s10, $0x3;
	s9 =	sshrl.u32 s9, $0x3;
	[dreg:$0x8] =	wrdreg s17;
	v2 =	vadd.s32 $0x4A0, v12;
	v18 =	vadd.s32 s4, v3;
	v3 =	vadd.s32 $0x6F0, v12  }
0x19: {  	s6 =	sshrl.u32 s6, $0x3;
	s0 =	smax.u32 s0, $0x1;
	[dreg:$0x9] =	wrdreg s18;
	v12 =	vadd.s32 s2, v13;
	v13 =	vadd.s32 s2, v20;
	v20 =	vor.u32 $0x40, v14  }
0x1a: {  	v63 =	vmulhi.u32 $0x68DB9, v28;
	s8 =	sadd.s32 s8, s24;
	s12 =	sadd.s32 s15, s12;
	[dreg:$0x16] =	wrdreg s0;
	v24 =	vadd.s32 s4, v20;
	v20 =	vor.u32 $0x50, v14  }
0x1b: {  	s24 =	smul.u32 $0x2710, s26;
	v23 =	vmulhi.u32 $0x84210843, v19;
	s10 =	sadd.s32 s15, s10;
	[dreg:$0xc] =	wrdreg s12;
	v25 =	vadd.s32 s4, v20;
	v20 =	vor.u32 $0x60, v14  }
0x1c: {  	s21 =	sshrl.u32 s19, $0x2;
	s9 =	sadd.s32 s15, s9;
	v59 =	vmulhi.u32 $0x84210843, v33;
	[dreg:$0xe] =	wrdreg s10;
	v27 =	vadd.s32 s4, v20;
	v20 =	vor.u32 $0x80, v14  }
0x1d: {  	s17 =	sshrl.u32 s11, $0x3;
	s6 =	sadd.s32 s15, s6;
	[dreg:$0xf] =	wrdreg s9;
	v2 =	vadd.s32 s2, v2;
	v29 =	vadd.s32 s4, v20;
	v20 =	vor.u32 $0x90, v14  }
0x1e: {  	s19 =	sshrl.u32 s7, $0x3;
	s18 =	sadd.s32 s15, s17;
	[dreg:$0x11] =	wrdreg s6;
	v3 =	vadd.s32 s2, v3;
	v31 =	vadd.s32 s4, v20;
	v20 =	vor.u32 $0xB0, v14  }
0x1f: {  	s14 =	sshrl.u32 s14, $0x2;
	s6 =	sadd.s32 s15, s19;
	[dreg:$0x10] =	wrdreg s18;
	v22 =	vmulhi.u32 $0x84210843, v18;
	v32 =	vadd.s32 s4, v20;
	v20 =	vor.u32 $0xC0, v14  }
0x20: {  	s2 =	sadd.s32 s24, s23;
	s24 =	sshrl.u32 s25, $0x3;
	s25 =	smul.u32 $0xA000, s26;
	v15 =	vsub.s32 v15, v17;
	v14 =	vor.u32 $0xE0, v14;
	v34 =	vadd.s32 s4, v20  }
0x21: {  	[dreg:$0x12] =	wrdreg s6;
	s24 =	sadd.s32 s28, s24;
	s7 =	sadd.s32 $0x4E390, s2;
	v20 =	vadd.s32 s4, v14;
	v14 =	vshrl.u32 v22, $0x7;
	v22 =	vmulhi.u32 $0x84210843, v24  }
0x22: {  	v16 =	vsub.s32 v10, v16;
	s9 =	sadd.s32 $0x4E3E0, s2;
	s18 =	sadd.s32 $0x140, s2;
	v15 =	vadd.s32 $0x2710, v15;
	s25 =	sshrl.u32 s25, $0x2;
	v10 =	vmul.u32 $0xF8, v14  }
0x23: {  	s0 =	sshrl.u32 s7, $0x3;
	s11 =	sshrl.u32 s9, $0x3;
	[dreg:$0x1a] =	wrdreg s18;
	v14 =	vshrl.u32 v23, $0x7;
	v17 =	vshrl.u32 v22, $0x7;
	v22 =	vmulhi.u32 $0x84210843, v25  }
0x24: {  	s19 =	sadd.s32 $0x9C40, s24;
	s26 =	sadd.s32 $0x1E, s24;
	[dreg:$0x5] =	wrdreg s24;
	v23 =	vmulhi.u32 $0x68DB9, v21;
	v14 =	vmul.u32 $0xF8, v14;
	v17 =	vmul.u32 $0xF8, v17  }
0x25: {  	s18 =	simm.s32 $0x6;
	s7 =	simm.s32 $0x2F00;
	s9 =	simm.s32 $0x5700;
	v18 =	vsub.s32 v18, v10;
	v10 =	vshrl.u32 v22, $0x7;
	v22 =	vmulhi.u32 $0x84210843, v27  }
0x26: {  	s22 =	sadd.s32 s25, s3;
	s25 =	sshrl.u32 s16, $0x2;
	[dreg:$0x1b] =	wrdreg s19;
	v19 =	vsub.s32 v19, v14;
	v14 =	vmul.u32 $0x2710, v23;
	v10 =	vmul.u32 $0xF8, v10  }
0x27: {  	s16 =	sadd.s32 s15, s13;
	s12 =	sadd.s32 s11, s28;
	[smem:$0x7FC] =	sst s26;
	v24 =	vsub.s32 v24, v17;
	v17 =	vshrl.u32 v22, $0x7;
	v22 =	vmulhi.u32 $0x84210843, v26  }
0x28: {  	s13 =	sadd.s32 $0x230, s2;
	s19 =	simm.s32 $0x200;
	[dreg:$0x6] =	wrdreg s22;
	v23 =	vsub.s32 v25, v10;
	v17 =	vmul.u32 $0xF8, v17;
	v25 =	vmulhi.u32 $0x84210843, v29  }
0x29: {  	s11 =	simm.s32 $0x8;
	s22 =	sshrl.u32 s20, $0x2;
	[dreg:$0xd] =	wrdreg s16;
	v10 =	vsub.s32 v21, v14;
	v21 =	vmulhi.u32 $0x84210843, v31;
	v14 =	vshrl.u32 v22, $0x7  }
0x2a: {  	s20 =	sshrl.u32 s8, $0x3;
	s8 =	sadd.s32 $0x1E0, s2;
	[dreg:$0x19] =	wrdreg s12;
	v35 =	vmulhi.u32 $0x84210843, v32;
	v22 =	vsub.s32 v27, v17;
	v14 =	vmul.u32 $0xF8, v14  }
0x2b: {  	s12 =	simm.s32 $0x7F00;
	s23 =	sadd.s32 s22, s3;
	s22 =	sadd.s32 $0x190, s2;
	v17 =	vmulhi.u32 $0x68DB9, v11;
	v25 =	vshrl.u32 v25, $0x7;
	v21 =	vshrl.u32 v21, $0x7  }
0x2c: {  	s10 =	sshrl.u32 s8, $0x3;
	s8 =	simm.s32 $0x7;
	s4 =	sadd.s32 s21, s3;
	v60 =	vmulhi.u32 $0x84210843, v20;
	v25 =	vmul.u32 $0xF8, v25;
	v21 =	vmul.u32 $0xF8, v21  }
0x2d: {  	[dreg:$0xb] =	wrdreg s23;
	s21 =	sadd.s32 s15, s20;
	s23 =	sadd.s32 s14, s3;
	v27 =	vmulhi.u32 $0x84210843, v30;
	v26 =	vsub.s32 v26, v14;
	v14 =	vmul.u32 $0x2710, v17  }
0x2e: {  	s14 =	sadd.s32 $0x4E430, s2;
	s15 =	sadd.s32 $0x4E340, s2;
	[dreg:$0xa] =	wrdreg s4;
	v17 =	vmulhi.u32 $0x68DB9, v12;
	v25 =	vsub.s32 v29, v25;
	v29 =	vsub.s32 v31, v21  }
0x2f: {  	s20 =	sadd.s32 $0xA, s24;
	s2 =	simm.s32 $0x4;
	[dreg:$0x13] =	wrdreg s21;
	v21 =	vmulhi.u32 $0x84210843, v34;
	v31 =	vshrl.u32 v35, $0x7;
	v35 =	vshrl.u32 v59, $0x7  }
0x30: {  	s4 =	sadd.s32 s25, s3;
	[dreg:$0x15] =	wrdreg s23;
	s25 =	sshrl.u32 s22, $0x3;
	v11 =	vsub.s32 v11, v14;
	v14 =	vshrl.u32 v27, $0x7;
	v27 =	vmulhi.u32 $0x68DB9, v13  }
0x31: {  	s16 =	sshrl.u32 s14, $0x3;
	s17 =	sshrl.u32 s15, $0x3;
	[dreg:$0x1c] =	wrdreg s20;
	v31 =	vmul.u32 $0xF8, v31;
	v17 =	vmul.u32 $0x2710, v17;
	v21 =	vshrl.u32 v21, $0x7  }
0x32: {  	s21 =	sadd.s32 $0x9C4A, s24;
	s22 =	sadd.s32 $0x14, s24;
	s23 =	sadd.s32 $0x9C54, s24;
	v14 =	vmul.u32 $0xF8, v14;
	v21 =	vmul.u32 $0xF8, v21;
	v27 =	vmul.u32 $0x2710, v27  }
0x33: {  	s14 =	simm.s32 $0x700;
	s15 =	simm.s32 $0x9;
	[dreg:$0x14] =	wrdreg s4;
	v31 =	vsub.s32 v32, v31;
	v12 =	vsub.s32 v12, v17;
	v17 =	vshrl.u32 v60, $0x7  }
0x34: {  	s6 =	sadd.s32 s25, s28;
	s25 =	sadd.s32 s0, s28;
	[dreg:$0x1d] =	wrdreg s21;
	v30 =	vsub.s32 v30, v14;
	v14 =	vmul.u32 $0xF8, v35;
	v61 =	vsub.s32 v34, v21  }
0x35: {  	s0 =	sadd.s32 s10, s28;
	s30 =	sadd.s32 s16, s28;
	[dreg:$0x1e] =	wrdreg s22;
	v13 =	vsub.s32 v13, v27;
	v21 =	vmul.u32 $0xF8, v17;
	v17 =	vadd.s32 $0x2710, v19  }
0x36: {  	s4 =	sadd.s32 s17, s28;
	[dreg:$0x1f] =	wrdreg s23;
	s16 =	simm.s32 $0x5;
	v19 =	vadd.s32 $0x2710, v23;
	v23 =	vadd.s32 $0x2710, v29;
	v29 =	vmul.u32 $0x2710, v63  }
.Ltmp0:
0x37: {  	s17 =	simm.s32 $0x50;
	s10 =	simm.s32 $0x1;
	v27 =	vsub.s32 v33, v14;
	v14 =	vadd.s32 $0x2710, v16;
	v16 =	vadd.s32 $0x2710, v18;
	(pc) =	sbr.rel .LBB2_1-.Ltmp0, $4  }
0x38: {  	s21 =	simm.s32 $0x2;
	s22 =	simm.s32 $0x3;
	[dreg:$0x17] =	wrdreg s6;
	v18 =	vadd.s32 $0x2710, v24;
	v24 =	vadd.s32 $0x2710, v30;
	v30 =	vimm.f32 $0.0e+00  }
0x39: {  	[dreg:$0x18] =	wrdreg s0;
	s0 =	sshrl.u32 s13, $0x3;
	s6 =	simm.s32 $0x100;
	v62 =	vsub.s32 v20, v21;
	v20 =	vadd.s32 $0x2710, v22;
	v21 =	vadd.s32 $0x2710, v26  }
0x3a: {  	s13 =	simm.s32 $0x380;
	s29 =	sadd.s32 s0, s28;
	s28 =	sadd.s32 $0x9C5E, s24;
	v22 =	vadd.s32 $0x2710, v25;
	v25 =	vadd.s32 $0x2710, v31;
	v26 =	vadd.s32 $0x2710, v61  }
0x3b: {  	s0 =	simm.s32 $0x180;
	s24 =	simm.s32 $0x0;
	[smem:$0x7FD] =	sst s28;
	v27 =	vadd.s32 $0x2710, v27;
	v28 =	vsub.s32 v28, v29;
	v29 =	vadd.s32 $0x2710, v62  }
.LBB2_6:
0x3c: {  	s20 =	simm.s32 $0x400  }
0x3d: {  	[tilespmem:s7], [sflag:$0x2] =	stream.indirect.gather [hbm4b:s1+s17], $0x80, s20, s17, $0xb8;
	[tilespmem:$0x1E740] =	vst v63  }
0x3e: {  	_ =	swait.ge [sflag:s2], $0x2800  }
0x3f: {  	[sflag:s2] =	ssyncset.done $0x0  }
0x40: {  	[sflag:s2] =	ssyncadd.s32 $0xFFFFD800  }
0x41: {  	[spmem:s3] =	stream.indirect.scatter.add.f32 [tilespmem:s12], [sflag:$0x9], $0x80, s13, s17, $0xb8;
	[tilespmem:$0x1E740] =	vst v63  }
0x42: {  	_ =	swait.ge [sflag:s15], $0x2800  }
0x43: {  	[sflag:s15] =	ssyncset.done $0x0  }
0x44: {  	s23 =	simm.s32 $0x480;
	[sflag:s15] =	ssyncadd.s32 $0xFFFFD800  }
0x45: {  	[tilespmem:s9], [sflag:$0x3] =	stream.indirect.gather [hbm4b:s1+s17], $0x80, s23, s17, $0xb8;
	[tilespmem:$0x1E740] =	vst v63  }
0x46: {  	s24 =	simm.s32 $0x500  }
0x47: {  	[tilespmem:s12], [sflag:$0x4] =	stream.indirect.gather [hbm4b:s1+s17], $0x80, s24, s17, $0xb8;
	[tilespmem:$0x1E740] =	vst v63  }
0x48: {  	_ =	swait.ge [sflag:s10], $0x2800  }
0x49: {  	[sflag:s10] =	ssyncset.done $0x0  }
0x4a: {  	[sflag:s10] =	ssyncadd.s32 $0xFFFFD800  }
0x4b: {  	[spmem:s3] =	stream.indirect.scatter.add.f32 [tilespmem:s14], [sflag:$0x9], $0x80, s19, s17, $0xb8;
	[tilespmem:$0x1E740] =	vst v63  }
0x4c: {  	_ =	swait.ge [sflag:s15], $0x2800  }
0x4d: {  	[sflag:s15] =	ssyncset.done $0x0  }
0x4e: {  	[sflag:s15] =	ssyncadd.s32 $0xFFFFD800  }
0x4f: {  	_ =	swait.ge [sflag:s21], $0x2800  }
0x50: {  	[sflag:s21] =	ssyncset.done $0x0  }
0x51: {  	s26 =	simm.s32 $0x580;
	[sflag:s21] =	ssyncadd.s32 $0xFFFFD800  }
0x52: {  	[spmem:s3] =	stream.indirect.scatter.add.f32 [tilespmem:s7], [sflag:$0x9], $0x80, s26, s17, $0xb8;
	[tilespmem:$0x1E740] =	vst v63  }
0x53: {  	_ =	swait.ge [sflag:s15], $0x2800  }
0x54: {  	[sflag:s15] =	ssyncset.done $0x0  }
0x55: {  	[sflag:s15] =	ssyncadd.s32 $0xFFFFD800  }
0x56: {  	_ =	swait.ge [sflag:s22], $0x2800  }
0x57: {  	[sflag:s22] =	ssyncset.done $0x0  }
0x58: {  	s28 =	simm.s32 $0x600;
	[sflag:s22] =	ssyncadd.s32 $0xFFFFD800  }
0x59: {  	[spmem:s3] =	stream.indirect.scatter.add.f32 [tilespmem:s9], [sflag:$0x9], $0x80, s28, s17, $0xb8;
	[tilespmem:$0x1E740] =	vst v63  }
0x5a: {  	_ =	swait.ge [sflag:s15], $0x2800  }
0x5b: {  	[sflag:s15] =	ssyncset.done $0x0  }
0x5c: {  	[sflag:s15] =	ssyncadd.s32 $0xFFFFD800  }
0x5d: {  	_ =	swait.ge [sflag:s2], $0x2800  }
0x5e: {  	[sflag:s2] =	ssyncset.done $0x0  }
0x5f: {  	s23 =	simm.s32 $0x680;
	[sflag:s2] =	ssyncadd.s32 $0xFFFFD800  }
0x60: {  	[spmem:s3] =	stream.indirect.scatter.add.f32 [tilespmem:s12], [sflag:$0x9], $0x80, s23, s17, $0xb8;
	[tilespmem:$0x1E740] =	vst v63  }
0x61: {  	_ =	swait.ge [sflag:s15], $0x2800  }
0x62: {  	[sflag:s15] =	ssyncset.done $0x0  }
0x63: {  	[sflag:s15] =	ssyncadd.s32 $0xFFFFD800  }
0x64: {  	s24 =	stileid.u32;
	[bflag:$0x0] =	sbarrier.arrive $0xFFFF  }
0x65: {  	s20 =	sshll.u32 s24, $0x6;
	s23 =	rddreg [dreg:$0x6]  }
0x66: {  	s20 =	sor.u32 $0x1C09, s20;
	s24 =	rddreg [dreg:$0xc];
	s23 =	sshrl.u32 s23, $0x3  }
0x67: {  	[hbm:s24], [sflag:s20] =	dma.local [spmem:s23], $0x500  }
0x68: {  	_ =	swait.ge [sflag:s15], $0x500  }
0x69: {  	[sflag:s15] =	ssyncset.done $0x0;
	s26 =	rddreg [dreg:$0x7]  }
0x6a: {  	s28 =	rddreg [dreg:$0xd];
	[sflag:s15] =	ssyncadd.s32 $0xFFFFFB00;
	s23 =	sshrl.u32 s26, $0x3  }
0x6b: {  	[hbm:s28], [sflag:s20] =	dma.local [spmem:s23], $0x500  }
0x6c: {  	_ =	swait.ge [sflag:s15], $0x500  }
0x6d: {  	[sflag:s15] =	ssyncset.done $0x0;
	s26 =	rddreg [dreg:$0x8]  }
0x6e: {  	s28 =	rddreg [dreg:$0xe];
	[sflag:s15] =	ssyncadd.s32 $0xFFFFFB00;
	s23 =	sshrl.u32 s26, $0x3  }
0x6f: {  	[hbm:s28], [sflag:s20] =	dma.local [spmem:s23], $0x500  }
0x70: {  	_ =	swait.ge [sflag:s15], $0x500  }
0x71: {  	[sflag:s15] =	ssyncset.done $0x0;
	s26 =	rddreg [dreg:$0x9]  }
0x72: {  	s28 =	rddreg [dreg:$0xf];
	[sflag:s15] =	ssyncadd.s32 $0xFFFFFB00;
	s23 =	sshrl.u32 s26, $0x3  }
0x73: {  	[hbm:s28], [sflag:s20] =	dma.local [spmem:s23], $0x500  }
0x74: {  	_ =	swait.ge [sflag:s15], $0x500  }
0x75: {  	[sflag:s15] =	ssyncset.done $0x0;
	s26 =	rddreg [dreg:$0xa]  }
0x76: {  	s28 =	rddreg [dreg:$0x10];
	[sflag:s15] =	ssyncadd.s32 $0xFFFFFB00;
	s23 =	sshrl.u32 s26, $0x3  }
0x77: {  	[hbm:s28], [sflag:s20] =	dma.local [spmem:s23], $0x500  }
0x78: {  	_ =	swait.ge [sflag:s15], $0x500  }
0x79: {  	[sflag:s15] =	ssyncset.done $0x0;
	s26 =	rddreg [dreg:$0xb]  }
0x7a: {  	s28 =	rddreg [dreg:$0x11];
	[sflag:s15] =	ssyncadd.s32 $0xFFFFFB00;
	s23 =	sshrl.u32 s26, $0x3  }
0x7b: {  	[hbm:s28], [sflag:s20] =	dma.local [spmem:s23], $0x500  }
0x7c: {  	_ =	swait.ge [sflag:s15], $0x500  }
0x7d: {  	[sflag:s15] =	ssyncset.done $0x0;
	s26 =	rddreg [dreg:$0x14]  }
0x7e: {  	s28 =	rddreg [dreg:$0x12];
	[sflag:s15] =	ssyncadd.s32 $0xFFFFFB00;
	s23 =	sshrl.u32 s26, $0x3  }
0x7f: {  	[hbm:s28], [sflag:s20] =	dma.local [spmem:s23], $0x500  }
0x80: {  	_ =	swait.ge [sflag:s15], $0x500  }
0x81: {  	[sflag:s15] =	ssyncset.done $0x0;
	s23 =	rddreg [dreg:$0x15]  }
0x82: {  	s24 =	rddreg [dreg:$0x13];
	[sflag:s15] =	ssyncadd.s32 $0xFFFFFB00;
	s23 =	sshrl.u32 @!p0 s23, $0x3  }
0x83: {  	[hbm:s24], [sflag:s20] =	dma.local @!p0 [spmem:s23], $0x500  }
0x84: {  	s20 =	simm.s32 @!p0 $0x9  }
0x85: {  	_ =	swait.ge @!p0 [sflag:s20], $0x500  }
0x86: {  	s26 =	sld [smem:$0x7FB];
	_ =	sdelay $0x2  }
0x87: {  	s28 =	rddreg [dreg:$0x16];
	s24 =	sadd.s32 $0x1, s26  }
0x88: {  	p1 =	sne.s32 s24, s28  }
.Ltmp1:
0x89: {  	_ = 	snop;
	(pc) =	sbr.rel @!p1 .LBB2_7-.Ltmp1, $3  }
0x8a: {  	_ =	sdelay $0x1  }
0x8b: {  	[sflag:s20] =	ssyncset.done @!p0 $0x0  }
0x8c: {  	[sflag:s20] =	ssyncadd.s32 @!p0 $0xFFFFFB00  }
.LBB2_1:
0x8d: {  	[smem:$0x7FB] =	sst s24  }
0x8e: {  	s20 =	rddreg [dreg:$0x5]  }
0x8f: {  	s23 =	rddreg [dreg:$0x1b]  }
0x90: {  	[tilespmem:s5], [sflag:$0x5] =	stream.linear.gather [hbm4b:s20+s5], $0x50, $0x38;
	[tilespmem:$0x1E740] =	vst v63  }
0x91: {  	s24 =	rddreg [dreg:$0x1c]  }
0x92: {  	[tilespmem:s19], [sflag:$0x5] =	stream.linear.gather [hbm4b:s23+s5], $0x50, $0x38;
	[tilespmem:$0x1E740] =	vst v63  }
0x93: {  	s26 =	rddreg [dreg:$0x1d];
	s23 =	simm.s32 $0x80  }
0x94: {  	[tilespmem:s23], [sflag:$0x6] =	stream.linear.gather [hbm4b:s24+s5], $0x50, $0x38;
	[tilespmem:$0x1E740] =	vst v63  }
0x95: {  	s28 =	simm.s32 $0x280;
	s24 =	rddreg [dreg:$0x1e]  }
0x96: {  	[tilespmem:s28], [sflag:$0x6] =	stream.linear.gather [hbm4b:s26+s5], $0x50, $0x38;
	[tilespmem:$0x1E740] =	vst v63  }
0x97: {  	s26 =	rddreg [dreg:$0x1f]  }
0x98: {  	[tilespmem:s6], [sflag:$0x7] =	stream.linear.gather [hbm4b:s24+s5], $0x50, $0x38;
	[tilespmem:$0x1E740] =	vst v63  }
0x99: {  	s28 =	sld [smem:$0x7FC]  }
0x9a: {  	[tilespmem:s31], [sflag:$0x7] =	stream.linear.gather [hbm4b:s26+s5], $0x50, $0x38;
	[tilespmem:$0x1E740] =	vst v63  }
0x9b: {  	s23 =	sld [smem:$0x7FD]  }
0x9c: {  	[tilespmem:s0], [sflag:$0x8] =	stream.linear.gather [hbm4b:s28+s5], $0x50, $0x38;
	[tilespmem:$0x1E740] =	vst v63  }
0x9d: {  	_ = 	snop  }
0x9e: {  	[tilespmem:s13], [sflag:$0x8] =	stream.linear.gather [hbm4b:s23+s5], $0x50, $0x38;
	[tilespmem:$0x1E740] =	vst v63  }
0x9f: {  	[tilespmem:$0x400] =	vst v0  }
0xa0: {  	[tilespmem:$0x580] =	vst v14  }
0xa1: {  	[tilespmem:$0x410] =	vst v1  }
0xa2: {  	[tilespmem:$0x590] =	vst v15  }
0xa3: {  	[tilespmem:$0x420] =	vst v2  }
0xa4: {  	[tilespmem:$0x5A0] =	vst v16  }
0xa5: {  	[tilespmem:$0x430] =	vst v3  }
0xa6: {  	[tilespmem:$0x5B0] =	vst v17  }
0xa7: {  	[tilespmem:$0x440] =	vst v4  }
0xa8: {  	[tilespmem:$0x5C0] =	vst v18  }
0xa9: {  	[tilespmem:$0x480] =	vst v5  }
0xaa: {  	[tilespmem:$0x600] =	vst v19  }
0xab: {  	[tilespmem:$0x490] =	vst v10  }
0xac: {  	[tilespmem:$0x610] =	vst v20  }
0xad: {  	[tilespmem:$0x4A0] =	vst v6  }
0xae: {  	[tilespmem:$0x620] =	vst v21  }
0xaf: {  	[tilespmem:$0x4B0] =	vst v7  }
0xb0: {  	[tilespmem:$0x630] =	vst v22  }
0xb1: {  	[tilespmem:$0x4C0] =	vst v8  }
0xb2: {  	[tilespmem:$0x640] =	vst v23  }
0xb3: {  	[tilespmem:$0x500] =	vst v11  }
0xb4: {  	[tilespmem:$0x680] =	vst v24  }
0xb5: {  	[tilespmem:$0x510] =	vst v9  }
0xb6: {  	[tilespmem:$0x690] =	vst v25  }
0xb7: {  	[tilespmem:$0x520] =	vst v12  }
0xb8: {  	[tilespmem:$0x6A0] =	vst v26  }
0xb9: {  	[tilespmem:$0x530] =	vst v13  }
0xba: {  	s24 =	sand.u32 $0xFE00, s5;
	[tilespmem:$0x6B0] =	vst v27  }
0xbb: {  	s26 =	sand.u32 $0x70, s5;
	s28 =	sshrl.u32 s24, $0x2;
	[tilespmem:$0x540] =	vst v28  }
0xbc: {  	s20 =	simm.s32 $0x40;
	s24 =	sor.u32 s26, s28;
	s23 =	simm.s32 $0x0;
	[tilespmem:$0x6C0] =	vst v29  }
.LBB2_2:
0xbd: {  	p1 =	sne.s32 s20, $0x9FC0  }
0xbe: {  	[tilespmem:s24+$0x700] =	vst v30;
	s23 =	sadd.s32 $0x10, s23;
	s24 =	smov.u32 s20;
	s20 =	sadd.s32 $0x40, s20  }
.Ltmp2:
0xbf: {  	(pc) =	sbr.rel @p1 .LBB2_2-.Ltmp2, $4  }
0xc0: {  	_ = 	snop  }
0xc1: {  	s24 =	sand.u32 $0xFE00, s24  }
0xc2: {  	s26 =	sand.u32 $0x70, s23;
	s24 =	sshrl.u32 s24, $0x2  }
0xc3: {  	s24 =	sor.u32 s26, s24  }
0xc4: {  	[tilespmem:s24+$0x700] =	vst v30;
	s20 =	rddreg [dreg:$0x6]  }
0xc5: {  	[spmem:s20] =	stream.linear.scatter [tilespmem:s14], [sflag:$0x9], $0x2800, $0x38;
	[tilespmem:$0x1E740] =	vst v63  }
0xc6: {  	_ =	swait.ge [sflag:s15], $0x2800  }
0xc7: {  	[sflag:s15] =	ssyncset.done $0x0  }
0xc8: {  	s24 =	rddreg [dreg:$0x7];
	[sflag:s15] =	ssyncadd.s32 $0xFFFFD800  }
0xc9: {  	[spmem:s24] =	stream.linear.scatter [tilespmem:s14], [sflag:$0x9], $0x2800, $0x38;
	[tilespmem:$0x1E740] =	vst v63  }
0xca: {  	_ =	swait.ge [sflag:s15], $0x2800  }
0xcb: {  	[sflag:s15] =	ssyncset.done $0x0  }
0xcc: {  	s26 =	rddreg [dreg:$0x8];
	[sflag:s15] =	ssyncadd.s32 $0xFFFFD800  }
0xcd: {  	[spmem:s26] =	stream.linear.scatter [tilespmem:s14], [sflag:$0x9], $0x2800, $0x38;
	[tilespmem:$0x1E740] =	vst v63  }
0xce: {  	_ =	swait.ge [sflag:s15], $0x2800  }
0xcf: {  	[sflag:s15] =	ssyncset.done $0x0  }
0xd0: {  	s28 =	rddreg [dreg:$0x9];
	[sflag:s15] =	ssyncadd.s32 $0xFFFFD800  }
0xd1: {  	[spmem:s28] =	stream.linear.scatter [tilespmem:s14], [sflag:$0x9], $0x2800, $0x38;
	[tilespmem:$0x1E740] =	vst v63  }
0xd2: {  	_ =	swait.ge [sflag:s15], $0x2800  }
0xd3: {  	[sflag:s15] =	ssyncset.done $0x0  }
0xd4: {  	s23 =	rddreg [dreg:$0xa];
	[sflag:s15] =	ssyncadd.s32 $0xFFFFD800  }
0xd5: {  	[spmem:s23] =	stream.linear.scatter [tilespmem:s14], [sflag:$0x9], $0x2800, $0x38;
	[tilespmem:$0x1E740] =	vst v63  }
0xd6: {  	_ =	swait.ge [sflag:s15], $0x2800  }
0xd7: {  	[sflag:s15] =	ssyncset.done $0x0  }
0xd8: {  	s24 =	rddreg [dreg:$0xb];
	[sflag:s15] =	ssyncadd.s32 $0xFFFFD800  }
0xd9: {  	[spmem:s24] =	stream.linear.scatter [tilespmem:s14], [sflag:$0x9], $0x2800, $0x38;
	[tilespmem:$0x1E740] =	vst v63  }
0xda: {  	_ =	swait.ge [sflag:s15], $0x2800  }
0xdb: {  	[sflag:s15] =	ssyncset.done $0x0  }
0xdc: {  	s26 =	rddreg [dreg:$0x14];
	[sflag:s15] =	ssyncadd.s32 $0xFFFFD800  }
0xdd: {  	[spmem:s26] =	stream.linear.scatter [tilespmem:s14], [sflag:$0x9], $0x2800, $0x38;
	[tilespmem:$0x1E740] =	vst v63  }
0xde: {  	_ =	swait.ge [sflag:s15], $0x2800  }
0xdf: {  	[sflag:s15] =	ssyncset.done $0x0  }
0xe0: {  	s20 =	simm.s32 @!p0 $0x700;
	s23 =	rddreg [dreg:$0x15];
	[sflag:s15] =	ssyncadd.s32 $0xFFFFD800  }
0xe1: {  	[spmem:s23] =	stream.linear.scatter @!p0 [tilespmem:s20], [sflag:$0x9], $0x2800, $0x38;
	[tilespmem:$0x1E740] =	vst v63  }
0xe2: {  	s20 =	simm.s32 @!p0 $0x9  }
0xe3: {  	_ =	swait.ge @!p0 [sflag:s20], $0x2800  }
0xe4: {  	[sflag:s20] =	ssyncset.done @!p0 $0x0  }
0xe5: {  	[sflag:s20] =	ssyncadd.s32 @!p0 $0xFFFFD800  }
0xe6: {  	_ =	swait.ge [sflag:s16], $0x50  }
0xe7: {  	[sflag:s16] =	ssyncset.done $0x0  }
0xe8: {  	[sflag:s16] =	ssyncadd.s32 $0xFFFFFFB0  }
0xe9: {  	_ =	swait.ge [sflag:s16], $0x50  }
0xea: {  	[sflag:s16] =	ssyncset.done $0x0  }
0xeb: {  	s20 =	simm.s32 $0x0;
	[sflag:s16] =	ssyncadd.s32 $0xFFFFFFB0  }
0xec: {  	[tilespmem:s14], [sflag:$0x1] =	stream.indirect.gather [hbm4b:s1+s17], $0x80, s20, s17, $0xb8;
	[tilespmem:$0x1E740] =	vst v63  }
0xed: {  	_ =	swait.ge [sflag:s18], $0x50  }
0xee: {  	[sflag:s18] =	ssyncset.done $0x0  }
0xef: {  	[sflag:s18] =	ssyncadd.s32 $0xFFFFFFB0  }
0xf0: {  	_ =	swait.ge [sflag:s18], $0x50  }
0xf1: {  	[sflag:s18] =	ssyncset.done $0x0  }
0xf2: {  	s28 =	simm.s32 $0x80;
	[sflag:s18] =	ssyncadd.s32 $0xFFFFFFB0  }
0xf3: {  	[tilespmem:s7], [sflag:$0x2] =	stream.indirect.gather [hbm4b:s1+s17], $0x80, s28, s17, $0xb8;
	[tilespmem:$0x1E740] =	vst v63  }
0xf4: {  	_ =	swait.ge [sflag:s8], $0x50  }
0xf5: {  	[sflag:s8] =	ssyncset.done $0x0  }
0xf6: {  	[sflag:s8] =	ssyncadd.s32 $0xFFFFFFB0  }
0xf7: {  	_ =	swait.ge [sflag:s8], $0x50  }
0xf8: {  	[sflag:s8] =	ssyncset.done $0x0  }
0xf9: {  	[sflag:s8] =	ssyncadd.s32 $0xFFFFFFB0  }
0xfa: {  	[tilespmem:s9], [sflag:$0x3] =	stream.indirect.gather [hbm4b:s1+s17], $0x80, s6, s17, $0xb8;
	[tilespmem:$0x1E740] =	vst v63  }
0xfb: {  	[bflag:$0x0] =	sbarrier.arrive $0xFFFF  }
0xfc: {  	s23 =	rddreg [dreg:$0x1a]  }
.LBB2_4:
0xfd: {  	_ =	swait.ge [sflag:s10], $0x2800  }
0xfe: {  	[sflag:s10] =	ssyncset.done $0x0  }
0xff: {  	[sflag:s10] =	ssyncadd.s32 $0xFFFFD800  }
0x100: {  	[spmem:s3] =	stream.indirect.scatter.add.f32 [tilespmem:s14], [sflag:$0x9], $0x80, s19, s17, $0xb8;
	[tilespmem:$0x1E740] =	vst v63  }
0x101: {  	_ =	swait.ge [sflag:s15], $0x2800  }
0x102: {  	[sflag:s15] =	ssyncset.done $0x0  }
0x103: {  	[sflag:s15] =	ssyncadd.s32 $0xFFFFD800  }
0x104: {  	s24 =	sshrl.u32 s23, $0x3;
	s26 =	rddreg [dreg:$0x1]  }
0x105: {  	s24 =	sadd.s32 s26, s24  }
0x106: {  	[tilespmem:s5], [sflag:$0x5] =	stream.linear.gather [hbm4b:s24+s5], $0x50, $0x38;
	[tilespmem:$0x1E740] =	vst v63  }
0x107: {  	s26 =	sadd.s32 s20, s4  }
0x108: {  	[tilespmem:s19], [sflag:$0x5] =	stream.linear.gather [hbm4b:s26+s5], $0x50, $0x38;
	[tilespmem:$0x1E740] =	vst v63  }
0x109: {  	_ =	swait.ge [sflag:s11], $0x50  }
0x10a: {  	[sflag:s11] =	ssyncset.done $0x0  }
0x10b: {  	[sflag:s11] =	ssyncadd.s32 $0xFFFFFFB0  }
0x10c: {  	_ =	swait.ge [sflag:s11], $0x50  }
0x10d: {  	[sflag:s11] =	ssyncset.done $0x0  }
0x10e: {  	[sflag:s11] =	ssyncadd.s32 $0xFFFFFFB0  }
0x10f: {  	[tilespmem:s12], [sflag:$0x4] =	stream.indirect.gather [hbm4b:s1+s17], $0x80, s0, s17, $0xb8;
	[tilespmem:$0x1E740] =	vst v63  }
0x110: {  	_ =	swait.ge [sflag:s21], $0x2800  }
0x111: {  	[sflag:s21] =	ssyncset.done $0x0  }
0x112: {  	s28 =	simm.s32 $0x280;
	[sflag:s21] =	ssyncadd.s32 $0xFFFFD800  }
0x113: {  	[spmem:s3] =	stream.indirect.scatter.add.f32 [tilespmem:s7], [sflag:$0x9], $0x80, s28, s17, $0xb8;
	[tilespmem:$0x1E740] =	vst v63  }
0x114: {  	p1 =	seq.s32 s20, $0x4B0;
	_ =	swait.ge [sflag:s15], $0x2800  }
0x115: {  	s26 =	simm.s32 @!p1 $0x0;
	[sflag:s15] =	ssyncset.done $0x0;
	s24 =	rddreg [dreg:$0x17]  }
0x116: {  	s28 =	simm.s32 @!p1 $0x80;
	[sflag:s15] =	ssyncadd.s32 $0xFFFFD800;
	s24 =	sadd.s32 @!p1 s20, s24  }
0x117: {  	[tilespmem:s28], [sflag:$0x6] =	stream.linear.gather @!p1 [hbm4b:s24+s26], $0x50, $0x38;
	[tilespmem:$0x1E740] =	vst v63  }
0x118: {  	s24 =	sadd.s32 @!p1 s20, s25;
	s28 =	simm.s32 @!p1 $0x280  }
0x119: {  	[tilespmem:s28], [sflag:$0x6] =	stream.linear.gather @!p1 [hbm4b:s24+s26], $0x50, $0x38;
	[tilespmem:$0x1E740] =	vst v63  }
0x11a: {  	_ =	swait.ge [sflag:s16], $0x50  }
0x11b: {  	[sflag:s16] =	ssyncset.done $0x0  }
0x11c: {  	[sflag:s16] =	ssyncadd.s32 $0xFFFFFFB0  }
0x11d: {  	_ =	swait.ge [sflag:s16], $0x50  }
0x11e: {  	[sflag:s16] =	ssyncset.done $0x0  }
0x11f: {  	[sflag:s16] =	ssyncadd.s32 $0xFFFFFFB0  }
0x120: {  	[tilespmem:s14], [sflag:$0x1] =	stream.indirect.gather [hbm4b:s1+s17], $0x80, s5, s17, $0xb8;
	[tilespmem:$0x1E740] =	vst v63  }
0x121: {  	_ =	swait.ge [sflag:s22], $0x2800  }
0x122: {  	[sflag:s22] =	ssyncset.done $0x0  }
.Ltmp3:
0x123: {  	[sflag:s22] =	ssyncadd.s32 $0xFFFFD800;
	(pc) =	sbr.rel @p1 .LBB2_6-.Ltmp3, $4  }
0x124: {  	[spmem:s3] =	stream.indirect.scatter.add.f32 [tilespmem:s9], [sflag:$0x9], $0x80, s31, s17, $0xb8;
	[tilespmem:$0x1E740] =	vst v63  }
0x125: {  	_ =	swait.ge [sflag:s15], $0x2800  }
0x126: {  	[sflag:s15] =	ssyncset.done $0x0  }
0x127: {  	[sflag:s15] =	ssyncadd.s32 $0xFFFFD800  }
0x128: {  	s24 =	rddreg [dreg:$0x18]  }
0x129: {  	s26 =	rddreg [dreg:$0x19];
	s24 =	sadd.s32 s20, s24  }
0x12a: {  	[tilespmem:s6], [sflag:$0x7] =	stream.linear.gather [hbm4b:s24+s5], $0x50, $0x38;
	[tilespmem:$0x1E740] =	vst v63  }
0x12b: {  	s24 =	sadd.s32 s20, s26  }
0x12c: {  	[tilespmem:s31], [sflag:$0x7] =	stream.linear.gather [hbm4b:s24+s5], $0x50, $0x38;
	[tilespmem:$0x1E740] =	vst v63  }
0x12d: {  	_ =	swait.ge [sflag:s18], $0x50  }
0x12e: {  	[sflag:s18] =	ssyncset.done $0x0  }
0x12f: {  	[sflag:s18] =	ssyncadd.s32 $0xFFFFFFB0  }
0x130: {  	_ =	swait.ge [sflag:s18], $0x50  }
0x131: {  	[sflag:s18] =	ssyncset.done $0x0  }
0x132: {  	s28 =	simm.s32 $0x80;
	[sflag:s18] =	ssyncadd.s32 $0xFFFFFFB0  }
0x133: {  	[tilespmem:s7], [sflag:$0x2] =	stream.indirect.gather [hbm4b:s1+s17], $0x80, s28, s17, $0xb8;
	[tilespmem:$0x1E740] =	vst v63  }
0x134: {  	_ =	swait.ge [sflag:s2], $0x2800  }
0x135: {  	[sflag:s2] =	ssyncset.done $0x0  }
0x136: {  	[sflag:s2] =	ssyncadd.s32 $0xFFFFD800  }
0x137: {  	[spmem:s3] =	stream.indirect.scatter.add.f32 [tilespmem:s12], [sflag:$0x9], $0x80, s13, s17, $0xb8;
	[tilespmem:$0x1E740] =	vst v63  }
0x138: {  	_ =	swait.ge [sflag:s15], $0x2800  }
0x139: {  	[sflag:s15] =	ssyncset.done $0x0  }
0x13a: {  	s26 =	sadd.s32 s20, s29;
	[sflag:s15] =	ssyncadd.s32 $0xFFFFD800  }
0x13b: {  	[tilespmem:s0], [sflag:$0x8] =	stream.linear.gather [hbm4b:s26+s5], $0x50, $0x38;
	[tilespmem:$0x1E740] =	vst v63  }
0x13c: {  	s28 =	sadd.s32 s20, s30  }
0x13d: {  	[tilespmem:s13], [sflag:$0x8] =	stream.linear.gather [hbm4b:s28+s5], $0x50, $0x38;
	[tilespmem:$0x1E740] =	vst v63  }
0x13e: {  	_ =	swait.ge [sflag:s8], $0x50  }
0x13f: {  	[sflag:s8] =	ssyncset.done $0x0  }
.Ltmp4:
0x140: {  	[sflag:s8] =	ssyncadd.s32 $0xFFFFFFB0;
	(pc) =	sbr.rel .LBB2_4-.Ltmp4, $4  }
0x141: {  	_ =	swait.ge [sflag:s8], $0x50  }
0x142: {  	[sflag:s8] =	ssyncset.done $0x0  }
0x143: {  	s23 =	sadd.s32 $0x140, s23;
	s20 =	sadd.s32 $0x28, s20;
	[sflag:s8] =	ssyncadd.s32 $0xFFFFFFB0  }
0x144: {  	[tilespmem:s9], [sflag:$0x3] =	stream.indirect.gather [hbm4b:s1+s17], $0x80, s6, s17, $0xb8;
	[tilespmem:$0x1E740] =	vst v63  }
.LBB2_7:
0x145: {  	_ =	sfence.sel $0x180000  }
0x146: {  	[bflag:$0x0] =	sbarrier.arrive $0xFFFF  }
0x147: {  	_ =	strace $0x90000047  }
0x148: {  	s0 =	stileid.u32;
	[bflag:$0x2] =	sbarrier.arrive $0xFFFF  }
0x149: {  	p0 =	sne.s32 s0, $0x0;
	s0 =	rddreg [dreg:$0x4]  }
0x14a: {  	s0 =	sadd.s32 @!p0 $0x100000, s0  }
0x14b: {  	[sflag:s0] =	ssyncadd.tile.s32 @!p0 $0x1;
	_ =	shalt  }
.Lfunc_end2:
_tile_overlayer_lowered:
.L_overlay_start_2:
0x14c: {  	(tag) =	ssettag $0x2  }
0x14d: {  	s0 =	rddreg [dreg:$0x0];
	s2 =	stileid.u32  }
0x14e: {  	s1 =	rddreg [dreg:$0x1];
	p0 =	sne.s32 s2, $0x0  }
0x14f: {  	s3 =	rddreg [dreg:$0x2];
	[bflag:$0x3] =	sbarrier.arrive $0xFFFF;
	s2 =	simm.s32 @!p0 $0x1C09  }
0x150: {  	[timem:s3], [sflag:s2] =	dma.local @!p0 [hbm:s0], s1  }
0x151: {  	s0 =	simm.s32 @!p0 $0x9  }
0x152: {  	_ =	swait.ge @!p0 [sflag:s0], s1  }
0x153: {  	s1 =	ssub.s32 @!p0 $0x0, s1;
	[sflag:s0] =	ssyncset.done @!p0 $0x0  }
0x154: {  	[sflag:s0] =	ssyncadd.s32 @!p0 s1  }
0x155: {  	[bflag:$0x3] =	sbarrier.arrive $0xFFFF  }
0x156: {  	_ =	shalt  }

</sc_bundles>
